<compile_context>
chip_gen: v7x
topology: tpu7x:2x2x1
jax: 0.10.2.dev20260603
libtpu: 0.0.44.dev20260713+nightly
codegen_flags: <defaults>
</compile_context>

<pallas_src>
import functools

import jax
import jax.numpy as jnp
from jax import lax
from jax.experimental import pallas as pl
from jax.experimental.pallas import tpu as pltpu
from jax.experimental.pallas import tpu_sc as plsc

N = 10000
M = 3
D = 128
H = 128
C = 40
E = 320000
EM = 20000
P = 10240
NC, NS = 2, 16
NW = NC * NS
K = 80
EP = 327680
CM = EP // (NW * K)
EMP = 20480
CMM = EMP // (NW * K)
RPS = P // NS
ALPHA = 0.2
NEG = -1e30
GW = 8


def _lrelu(v):
    return jnp.where(v >= 0, v, ALPHA * v)


def _sc_mesh():
    return plsc.VectorSubcoreMesh(core_axis_name="c", subcore_axis_name="s")



@functools.partial(
    pl.kernel,
    out_type=(
        jax.ShapeDtypeStruct((NC, P, GW), jnp.float32),
        jax.ShapeDtypeStruct((NC, P, GW), jnp.float32),
    ),
    mesh=_sc_mesh(),
    scratch_types=[
        pltpu.VMEM_SHARED((P, GW), jnp.float32),
        pltpu.VMEM_SHARED((P, GW), jnp.float32),
        pltpu.VMEM((CM, K), jnp.int32),
        pltpu.VMEM((CMM, K), jnp.int32),
        pltpu.VMEM((K, GW), jnp.float32),
    ],
)
def _sc_degrees(dst_hbm, mdst_hbm, zero8_hbm, ones8_hbm,
                outd_hbm, outmd_hbm, accd, accmd, dst_v, mdst_v, ones_v):
    cid = lax.axis_index("c")
    sid = lax.axis_index("s")
    wid = cid * NS + sid
    row0 = sid * RPS
    pltpu.sync_copy(zero8_hbm, accd.at[pl.ds(row0, RPS)])
    pltpu.sync_copy(zero8_hbm, accmd.at[pl.ds(row0, RPS)])
    pltpu.sync_copy(ones8_hbm, ones_v)
    pltpu.sync_copy(dst_hbm.at[pl.ds(wid * CM, CM)], dst_v)
    pltpu.sync_copy(mdst_hbm.at[pl.ds(wid * CMM, CMM)], mdst_v)
    plsc.subcore_barrier()

    def body(c, carry):
        pltpu.sync_copy(ones_v, accd.at[dst_v.at[c]], add=True)
        return carry

    lax.fori_loop(0, CM, body, 0)

    def mbody(c, carry):
        pltpu.sync_copy(ones_v, accmd.at[mdst_v.at[c]], add=True)
        return carry

    lax.fori_loop(0, CMM, mbody, 0)
    plsc.subcore_barrier()
    pltpu.sync_copy(accd.at[pl.ds(row0, RPS)], outd_hbm.at[cid, pl.ds(row0, RPS)])
    pltpu.sync_copy(accmd.at[pl.ds(row0, RPS)], outmd_hbm.at[cid, pl.ds(row0, RPS)])



def _make_agg(cpw, k):

    ib = 16 if cpw % 16 == 0 else 8
    nbuf = 2 if k > 96 else 4
    assert cpw % ib == 0 and ib % nbuf == 0 and cpw % 8 == 0

    @functools.partial(
        pl.kernel,
        out_type=jax.ShapeDtypeStruct((NC, P, H), jnp.float32),
        mesh=_sc_mesh(),
        scratch_types=(
            [pltpu.VMEM_SHARED((P, H), jnp.float32),
             pltpu.VMEM((ib, k), jnp.int32),
             pltpu.VMEM((ib, k), jnp.int32)]
            + [pltpu.VMEM((k, H), jnp.float32) for _ in range(nbuf)]
            + [pltpu.SemaphoreType.DMA for _ in range(nbuf)]
        ),
    )
    def agg(z_hbm, src_hbm, dst_hbm, zero_hbm, out_hbm,
            acc, src_v, dst_v, *rest):
        rows = rest[:nbuf]
        gsem = rest[nbuf:]
        cid = lax.axis_index("c")
        sid = lax.axis_index("s")
        row0 = sid * RPS
        base = (cid * NS + sid) * cpw
        pltpu.sync_copy(zero_hbm, acc.at[pl.ds(row0, RPS)])
        plsc.subcore_barrier()

        def group(c0):
            gs = [pltpu.async_copy(z_hbm.at[src_v.at[c0 + j]], rows[j],
                                   gsem[j]) for j in range(nbuf)]
            for j in range(nbuf):
                gs[j].wait()
                pltpu.sync_copy(rows[j], acc.at[dst_v.at[c0 + j]], add=True)

        def block(b, carry):
            pltpu.sync_copy(src_hbm.at[pl.ds(base + b * ib, ib)], src_v)
            pltpu.sync_copy(dst_hbm.at[pl.ds(base + b * ib, ib)], dst_v)

            def body(i, carry2):
                group(i * nbuf)
                return carry2

            return lax.fori_loop(0, ib // nbuf, body, carry)

        lax.fori_loop(0, cpw // ib, block, 0)
        plsc.subcore_barrier()
        pltpu.sync_copy(acc.at[pl.ds(row0, RPS)],
                        out_hbm.at[cid, pl.ds(row0, RPS)])

    return agg


KA = 80
CA = EP // (NW * KA)
_agg_main = _make_agg(CA, KA)
_agg_meta = _make_agg(CMM, K)



def _entry_body(x_ref, wl_ref, bl_ref, mx_ref, wm_ref, bm_ref, o1_ref, o2_ref):
    o1_ref[...] = _lrelu(
        jnp.dot(x_ref[...], wl_ref[...], preferred_element_type=jnp.float32)
        + bl_ref[...])
    o2_ref[...] = _lrelu(
        jnp.dot(mx_ref[...], wm_ref[...], preferred_element_type=jnp.float32)
        + bm_ref[...])


def _dinv(deg):
    return lax.rsqrt(deg[0, :, 0:1] + deg[1, :, 0:1] + 1.0)


def _scale_body(h_ref, w_ref, deg_ref, z_ref):
    z_ref[...] = _dinv(deg_ref[...]) * jnp.dot(
        h_ref[...], w_ref[...], preferred_element_type=jnp.float32)


def _mid_body(agg_ref, z_ref, deg_ref, b_ref, w_ref, o_ref):
    dinv = _dinv(deg_ref[...])
    h = _lrelu(dinv * (agg_ref[0] + agg_ref[1] + z_ref[...]) + b_ref[...])
    o_ref[...] = dinv * jnp.dot(h, w_ref[...],
                                preferred_element_type=jnp.float32)


def _meta_body(agg_ref, z_ref, deg_ref, b_ref, mx_ref, w_ref, mdeg_ref, o_ref):
    dinv = _dinv(deg_ref[...])
    h = _lrelu(dinv * (agg_ref[0] + agg_ref[1] + z_ref[...]) + b_ref[...])
    h = jnp.concatenate([h[:N], mx_ref[...], h[N + 8:]], axis=0)
    o_ref[...] = _dinv(mdeg_ref[...]) * jnp.dot(
        h, w_ref[...], preferred_element_type=jnp.float32)


def _final_body(agg_ref, z_ref, mdeg_ref, b_ref, wc_ref, bc_ref, o_ref):
    dinv = _dinv(mdeg_ref[...])
    xm = _lrelu(dinv * (agg_ref[0] + agg_ref[1] + z_ref[...]) + b_ref[...])
    logits = jnp.dot(xm, wc_ref[...],
                     preferred_element_type=jnp.float32) + bc_ref[...]
    mx = jnp.max(logits, axis=1, keepdims=True)
    lse = jnp.log(jnp.sum(jnp.exp(logits - mx), axis=1, keepdims=True))
    o_ref[...] = logits - mx - lse


def _tc(body, out_shape, *args):
    return pl.pallas_call(body, out_shape=out_shape)(*args)



def kernel(x, edge_index, meta_edge_index, meta_x, W_lin, b_lin, W_mlin,
           b_mlin, W_conv0, b_conv0, W_conv1, b_conv1, W_mg, b_mg,
           W_cls, b_cls):
    f32 = jnp.float32
    x_pad = jnp.zeros((P, D), f32).at[:N].set(x)
    mx_pad = jnp.zeros((8, D), f32).at[:M].set(meta_x)
    src_flat = jnp.full((EP,), P - 1, jnp.int32).at[:E].set(
        edge_index[0].astype(jnp.int32))
    dst_flat = jnp.full((EP,), P - 1, jnp.int32).at[:E].set(
        edge_index[1].astype(jnp.int32))
    srcA = src_flat.reshape(EP // KA, KA)
    dstA = dst_flat.reshape(EP // KA, KA)
    dst = dst_flat.reshape(EP // K, K)
    msrc = jnp.full((EMP,), P - 1, jnp.int32).at[:EM].set(
        meta_edge_index[0].astype(jnp.int32)).reshape(EMP // K, K)
    mdst = jnp.full((EMP,), P - 1, jnp.int32).at[:EM].set(
        meta_edge_index[1].astype(jnp.int32)).reshape(EMP // K, K)
    zero128 = jnp.zeros((RPS, H), f32)
    zero8 = jnp.zeros((RPS, GW), f32)
    ones8 = jnp.ones((K, GW), f32)
    wcls_pad = jnp.zeros((H, 128), f32).at[:, :C].set(W_cls)
    bcls_pad = jnp.full((1, 128), NEG, f32).at[0, :C].set(b_cls)

    degp, mdegp = _sc_degrees(dst, mdst, zero8, ones8)

    sds = jax.ShapeDtypeStruct
    x1, mx1 = _tc(_entry_body, (sds((P, H), f32), sds((8, H), f32)),
                  x_pad, W_lin, b_lin.reshape(1, H),
                  mx_pad, W_mlin, b_mlin.reshape(1, H))

    z0 = _tc(_scale_body, sds((P, H), f32), x1, W_conv0, degp)
    agg0 = _agg_main(z0, srcA, dstA, zero128)
    z1 = _tc(_mid_body, sds((P, H), f32),
             agg0, z0, degp, b_conv0.reshape(1, H), W_conv1)
    agg1 = _agg_main(z1, srcA, dstA, zero128)
    z2 = _tc(_meta_body, sds((P, H), f32),
             agg1, z1, degp, b_conv1.reshape(1, H), mx1, W_mg, mdegp)
    magg = _agg_meta(z2, msrc, mdst, zero128)
    outp = _tc(_final_body, sds((P, 128), f32),
               magg, z2, mdegp, b_mg.reshape(1, H), wcls_pad, bcls_pad)
    return outp[:N + M, :C]

# --- scband reference (transcript-rebuilt; emitter-appended) ---
"""Pipeline reference for scband-emgnn-37924561224001 (READ-ONLY COPY).

The authoritative reference and input builder live on the scoring server;
editing this copy changes nothing except your own understanding.
"""

import jax, jax.numpy as jnp
import numpy as np

N = 10000
M = 3
D = 128
H = 128
C = 40
E = 320000
EM = 20000
ALPHA = 0.2


def lrelu(x):
    return jnp.where(x >= 0, x, ALPHA * x)


def gcn_conv(x, src, dst, W, b):
    # Faithful PyG GCNConv: lin (no bias) -> add self loops -> sym-normalized
    # scatter-add aggregation -> add bias.
    n = x.shape[0]
    x = x @ W
    loop = jnp.arange(n)
    src = jnp.concatenate([src, loop])
    dst = jnp.concatenate([dst, loop])
    deg = jnp.zeros((n,), x.dtype).at[dst].add(1.0)
    dinv = jnp.where(deg > 0, deg ** -0.5, 0.0)
    norm = dinv[src] * dinv[dst]
    msg = x[src] * norm[:, None]
    out = jnp.zeros_like(x).at[dst].add(msg)
    return out + b


def setup_inputs(seed: int = 0) -> dict:
    key = jax.random.key(seed)
    ks = jax.random.split(key, 20)
    s_d = 1.0 / np.sqrt(D)
    s_h = 1.0 / np.sqrt(H)
    inp = {}
    inp["x"] = jax.random.normal(ks[0], (N, D), jnp.float32)
    inp["edge_index"] = jax.random.randint(ks[1], (2, E), 0, N)
    inp["meta_edge_index"] = jax.random.randint(ks[2], (2, EM), 0, N + M)
    inp["meta_x"] = jax.random.normal(ks[3], (M, D), jnp.float32)
    inp["W_lin"] = jax.random.uniform(ks[4], (D, H), jnp.float32, -s_d, s_d)
    inp["b_lin"] = jax.random.uniform(ks[5], (H,), jnp.float32, -s_d, s_d)
    inp["W_mlin"] = jax.random.uniform(ks[6], (D, H), jnp.float32, -s_d, s_d)
    inp["b_mlin"] = jax.random.uniform(ks[7], (H,), jnp.float32, -s_d, s_d)
    inp["W_conv0"] = jax.random.uniform(ks[8], (H, H), jnp.float32, -s_h, s_h)
    inp["b_conv0"] = jnp.zeros((H,), jnp.float32)
    inp["W_conv1"] = jax.random.uniform(ks[9], (H, H), jnp.float32, -s_h, s_h)
    inp["b_conv1"] = jnp.zeros((H,), jnp.float32)
    inp["W_mg"] = jax.random.uniform(ks[10], (H, H), jnp.float32, -s_h, s_h)
    inp["b_mg"] = jnp.zeros((H,), jnp.float32)
    inp["W_cls"] = jax.random.uniform(ks[11], (H, C), jnp.float32, -s_h, s_h)
    inp["b_cls"] = jax.random.uniform(ks[12], (C,), jnp.float32, -s_h, s_h)
    return inp


def reference(x, edge_index, meta_edge_index, meta_x, W_lin, b_lin, W_mlin, b_mlin, W_conv0, b_conv0, W_conv1, b_conv1, W_mg, b_mg, W_cls, b_cls):
    # eval mode: dropout is identity
    x = lrelu(x @ W_lin + b_lin)
    mx = lrelu(meta_x @ W_mlin + b_mlin)
    src, dst = edge_index[0], edge_index[1]
    for W, b in ((W_conv0, b_conv0), (W_conv1, b_conv1)):
        x = lrelu(gcn_conv(x, src, dst, W, b))
    xm = jnp.concatenate([x, mx], axis=0)
    xm = lrelu(gcn_conv(xm, meta_edge_index[0], meta_edge_index[1], W_mg, b_mg))
    logits = xm @ W_cls + b_cls
    return jax.nn.log_softmax(logits, axis=1)

if __name__ == "__main__":
    import jax
    _d = setup_inputs()
    print(jax.jit(kernel)(*tuple(_d.values())))

</pallas_src>

<mosaic_0001>
#map = affine_map<(d0, d1) -> (0, 0)>
#map1 = affine_map<(d0, d1) -> (0, 0, 0)>
module attributes {stable_mosaic.version = 14 : i64} {
  func.func @agg(%arg0: i32, %arg1: i32, %arg2: memref<10240x128xf32, #tpu.memory_space<hbm>>, %arg3: memref<4096x80xi32, #tpu.memory_space<hbm>>, %arg4: memref<4096x80xi32, #tpu.memory_space<hbm>>, %arg5: memref<640x128xf32, #tpu.memory_space<hbm>>, %arg6: memref<2x10240x128xf32, #tpu.memory_space<hbm>>, %arg7: memref<10240x128xf32, #tpu.memory_space<vmem_shared>>, %arg8: memref<16x80xi32, #tpu.memory_space<vmem>>, %arg9: memref<16x80xi32, #tpu.memory_space<vmem>>, %arg10: memref<80x128xf32, #tpu.memory_space<vmem>>, %arg11: memref<80x128xf32, #tpu.memory_space<vmem>>, %arg12: memref<80x128xf32, #tpu.memory_space<vmem>>, %arg13: memref<80x128xf32, #tpu.memory_space<vmem>>, %arg14: memref<!tpu.dma_semaphore, #tpu.memory_space<semaphore_mem>>, %arg15: memref<!tpu.dma_semaphore, #tpu.memory_space<semaphore_mem>>, %arg16: memref<!tpu.dma_semaphore, #tpu.memory_space<semaphore_mem>>, %arg17: memref<!tpu.dma_semaphore, #tpu.memory_space<semaphore_mem>>) attributes {dimension_semantics = [#tpu.dimension_semantics<core_parallel>, #tpu.dimension_semantics<subcore_parallel>], iteration_bounds = array<i64: 2, 16>, scalar_prefetch = 0 : i64, scratch_operands = 11 : i64, tpu.core_type = #tpu.core_type<sc_vector_subcore>, window_params = [{transform_indices = #map}, {transform_indices = #map}, {transform_indices = #map}, {transform_indices = #map}, {transform_indices = #map1}]} {
    %mul3A = arith.constant 640 : i32
    %mul3A_0 = arith.muli %arg1, %mul3A : i32
    %mul3A_1 = arith.constant 16 : i32
    %mul3A_2 = arith.muli %arg0, %mul3A_1 : i32
    %add3A = arith.addi %mul3A_2, %arg1 : i32
    %mul3A_3 = arith.constant 128 : i32
    %mul3A_4 = arith.muli %add3A, %mul3A_3 : i32
    "tpu.region"() ({
      %run_scoped3A = tpu.sem_alloc : memref<!tpu.dma_semaphore, #tpu.memory_space<semaphore_mem>>
      %dma_start3A = arith.constant 0 : i32
      %dma_start3A_11 = tpu.memref_slice %arg7[%mul3A_0, %dma_start3A] : memref<10240x128xf32, #tpu.memory_space<vmem_shared>> -> memref<640x128xf32, #tpu.memory_space<vmem_shared>>
      tpu.enqueue_dma source(%arg5 : memref<640x128xf32, #tpu.memory_space<hbm>>) target(%dma_start3A_11 : memref<640x128xf32, #tpu.memory_space<vmem_shared>>) target_semaphore(%run_scoped3A : memref<!tpu.dma_semaphore, #tpu.memory_space<semaphore_mem>>)
      %dma_wait3A = arith.constant 0 : i32
      %dma_wait3A_12 = tpu.memref_slice %arg7[%mul3A_0, %dma_wait3A] : memref<10240x128xf32, #tpu.memory_space<vmem_shared>> -> memref<640x128xf32, #tpu.memory_space<vmem_shared>>
      tpu.wait_dma2 semaphore(%run_scoped3A : memref<!tpu.dma_semaphore, #tpu.memory_space<semaphore_mem>>) src(%arg5 : memref<640x128xf32, #tpu.memory_space<hbm>>) dst(%dma_wait3A_12 : memref<640x128xf32, #tpu.memory_space<vmem_shared>>)
      tpu.yield
    }) : () -> ()
    %barrier3A = arith.constant 0 : index
    tpu.barrier barrier_id(%barrier3A)
    %scan3A = arith.constant 0 : i32
    %scan3A_5 = arith.constant 0 : i32
    %scan3A_6 = arith.constant 8 : i32
    %scan3A_7 = arith.addi %scan3A_5, %scan3A_6 : i32
    %scan3A_8 = arith.constant 1 : i32
    scf.for %scan3A_11 = %scan3A_5 to %scan3A_7 step %scan3A_8  : i32 {
      %mul3A_12 = arith.constant 16 : i32
      %mul3A_13 = arith.muli %scan3A_11, %mul3A_12 : i32
      %add3A_14 = arith.addi %mul3A_4, %mul3A_13 : i32
      "tpu.region"() ({
        %run_scoped3A = tpu.sem_alloc : memref<!tpu.dma_semaphore, #tpu.memory_space<semaphore_mem>>
        %dma_start3A = arith.constant 0 : i32
        %dma_start3A_23 = tpu.memref_slice %arg3[%add3A_14, %dma_start3A] : memref<4096x80xi32, #tpu.memory_space<hbm>> -> memref<16x80xi32, #tpu.memory_space<hbm>>
        %dma_start3A_24 = arith.constant 0 : i32
        %dma_start3A_25 = tpu.memref_slice %arg3[%add3A_14, %dma_start3A_24] : memref<4096x80xi32, #tpu.memory_space<hbm>> -> memref<16x80xi32, #tpu.memory_space<hbm>>
        tpu.enqueue_dma source(%dma_start3A_25 : memref<16x80xi32, #tpu.memory_space<hbm>>) target(%arg8 : memref<16x80xi32, #tpu.memory_space<vmem>>) target_semaphore(%run_scoped3A : memref<!tpu.dma_semaphore, #tpu.memory_space<semaphore_mem>>)
        %dma_wait3A = arith.constant 0 : i32
        %dma_wait3A_26 = tpu.memref_slice %arg3[%add3A_14, %dma_wait3A] : memref<4096x80xi32, #tpu.memory_space<hbm>> -> memref<16x80xi32, #tpu.memory_space<hbm>>
        %dma_wait3A_27 = arith.constant 0 : i32
        %dma_wait3A_28 = tpu.memref_slice %arg3[%add3A_14, %dma_wait3A_27] : memref<4096x80xi32, #tpu.memory_space<hbm>> -> memref<16x80xi32, #tpu.memory_space<hbm>>
        tpu.wait_dma2 semaphore(%run_scoped3A : memref<!tpu.dma_semaphore, #tpu.memory_space<semaphore_mem>>) src(%dma_wait3A_28 : memref<16x80xi32, #tpu.memory_space<hbm>>) dst(%arg8 : memref<16x80xi32, #tpu.memory_space<vmem>>)
        tpu.yield
      }) : () -> ()
      %mul3A_15 = arith.constant 16 : i32
      %mul3A_16 = arith.muli %scan3A_11, %mul3A_15 : i32
      %add3A_17 = arith.addi %mul3A_4, %mul3A_16 : i32
      "tpu.region"() ({
        %run_scoped3A = tpu.sem_alloc : memref<!tpu.dma_semaphore, #tpu.memory_space<semaphore_mem>>
        %dma_start3A = arith.constant 0 : i32
        %dma_start3A_23 = tpu.memref_slice %arg4[%add3A_17, %dma_start3A] : memref<4096x80xi32, #tpu.memory_space<hbm>> -> memref<16x80xi32, #tpu.memory_space<hbm>>
        %dma_start3A_24 = arith.constant 0 : i32
        %dma_start3A_25 = tpu.memref_slice %arg4[%add3A_17, %dma_start3A_24] : memref<4096x80xi32, #tpu.memory_space<hbm>> -> memref<16x80xi32, #tpu.memory_space<hbm>>
        tpu.enqueue_dma source(%dma_start3A_25 : memref<16x80xi32, #tpu.memory_space<hbm>>) target(%arg9 : memref<16x80xi32, #tpu.memory_space<vmem>>) target_semaphore(%run_scoped3A : memref<!tpu.dma_semaphore, #tpu.memory_space<semaphore_mem>>)
        %dma_wait3A = arith.constant 0 : i32
        %dma_wait3A_26 = tpu.memref_slice %arg4[%add3A_17, %dma_wait3A] : memref<4096x80xi32, #tpu.memory_space<hbm>> -> memref<16x80xi32, #tpu.memory_space<hbm>>
        %dma_wait3A_27 = arith.constant 0 : i32
        %dma_wait3A_28 = tpu.memref_slice %arg4[%add3A_17, %dma_wait3A_27] : memref<4096x80xi32, #tpu.memory_space<hbm>> -> memref<16x80xi32, #tpu.memory_space<hbm>>
        tpu.wait_dma2 semaphore(%run_scoped3A : memref<!tpu.dma_semaphore, #tpu.memory_space<semaphore_mem>>) src(%dma_wait3A_28 : memref<16x80xi32, #tpu.memory_space<hbm>>) dst(%arg9 : memref<16x80xi32, #tpu.memory_space<vmem>>)
        tpu.yield
      }) : () -> ()
      %scan3A_18 = arith.constant 0 : i32
      %scan3A_19 = arith.constant 4 : i32
      %scan3A_20 = arith.addi %scan3A_18, %scan3A_19 : i32
      %scan3A_21 = arith.constant 1 : i32
      scf.for %scan3A_23 = %scan3A_18 to %scan3A_20 step %scan3A_21  : i32 {
        %mul3A_24 = arith.constant 4 : i32
        %mul3A_25 = arith.muli %scan3A_23, %mul3A_24 : i32
        %add3A_26 = arith.constant 0 : i32
        %add3A_27 = arith.addi %mul3A_25, %add3A_26 : i32
        %dma_start3A = arith.constant 0 : i32
        %dma_start3A_28 = tpu.memref_slice %arg8[%add3A_27, %dma_start3A] : memref<16x80xi32, #tpu.memory_space<vmem>> -> memref<1x80xi32, #tpu.memory_space<vmem>>
        %dma_start3A_29 = tpu.memref_squeeze %dma_start3A_28 : memref<1x80xi32, #tpu.memory_space<vmem>> -> memref<80xi32, #tpu.memory_space<vmem>>
        %dma_start3A_30 = arith.constant 0 : i32
        %dma_start3A_31 = arith.constant 0 : i32
        %dma_start3A_32 = tpu.memref_slice %arg2[%dma_start3A_30, %dma_start3A_31] : memref<10240x128xf32, #tpu.memory_space<hbm>> -> memref<10240x128xf32, #tpu.memory_space<hbm>>
        tpu.enqueue_indirect_dma source(%dma_start3A_32 : memref<10240x128xf32, #tpu.memory_space<hbm>>) target(%arg10 : memref<80x128xf32, #tpu.memory_space<vmem>>) offsets(%dma_start3A_29 : memref<80xi32, #tpu.memory_space<vmem>>) semaphore(%arg14 : memref<!tpu.dma_semaphore, #tpu.memory_space<semaphore_mem>>)
        %add3A_33 = arith.constant 1 : i32
        %add3A_34 = arith.addi %mul3A_25, %add3A_33 : i32
        %dma_start3A_35 = arith.constant 0 : i32
        %dma_start3A_36 = tpu.memref_slice %arg8[%add3A_34, %dma_start3A_35] : memref<16x80xi32, #tpu.memory_space<vmem>> -> memref<1x80xi32, #tpu.memory_space<vmem>>
        %dma_start3A_37 = tpu.memref_squeeze %dma_start3A_36 : memref<1x80xi32, #tpu.memory_space<vmem>> -> memref<80xi32, #tpu.memory_space<vmem>>
        %dma_start3A_38 = arith.constant 0 : i32
        %dma_start3A_39 = arith.constant 0 : i32
        %dma_start3A_40 = tpu.memref_slice %arg2[%dma_start3A_38, %dma_start3A_39] : memref<10240x128xf32, #tpu.memory_space<hbm>> -> memref<10240x128xf32, #tpu.memory_space<hbm>>
        tpu.enqueue_indirect_dma source(%dma_start3A_40 : memref<10240x128xf32, #tpu.memory_space<hbm>>) target(%arg11 : memref<80x128xf32, #tpu.memory_space<vmem>>) offsets(%dma_start3A_37 : memref<80xi32, #tpu.memory_space<vmem>>) semaphore(%arg15 : memref<!tpu.dma_semaphore, #tpu.memory_space<semaphore_mem>>)
        %add3A_41 = arith.constant 2 : i32
        %add3A_42 = arith.addi %mul3A_25, %add3A_41 : i32
        %dma_start3A_43 = arith.constant 0 : i32
        %dma_start3A_44 = tpu.memref_slice %arg8[%add3A_42, %dma_start3A_43] : memref<16x80xi32, #tpu.memory_space<vmem>> -> memref<1x80xi32, #tpu.memory_space<vmem>>
        %dma_start3A_45 = tpu.memref_squeeze %dma_start3A_44 : memref<1x80xi32, #tpu.memory_space<vmem>> -> memref<80xi32, #tpu.memory_space<vmem>>
        %dma_start3A_46 = arith.constant 0 : i32
        %dma_start3A_47 = arith.constant 0 : i32
        %dma_start3A_48 = tpu.memref_slice %arg2[%dma_start3A_46, %dma_start3A_47] : memref<10240x128xf32, #tpu.memory_space<hbm>> -> memref<10240x128xf32, #tpu.memory_space<hbm>>
        tpu.enqueue_indirect_dma source(%dma_start3A_48 : memref<10240x128xf32, #tpu.memory_space<hbm>>) target(%arg12 : memref<80x128xf32, #tpu.memory_space<vmem>>) offsets(%dma_start3A_45 : memref<80xi32, #tpu.memory_space<vmem>>) semaphore(%arg16 : memref<!tpu.dma_semaphore, #tpu.memory_space<semaphore_mem>>)
        %add3A_49 = arith.constant 3 : i32
        %add3A_50 = arith.addi %mul3A_25, %add3A_49 : i32
        %dma_start3A_51 = arith.constant 0 : i32
        %dma_start3A_52 = tpu.memref_slice %arg8[%add3A_50, %dma_start3A_51] : memref<16x80xi32, #tpu.memory_space<vmem>> -> memref<1x80xi32, #tpu.memory_space<vmem>>
        %dma_start3A_53 = tpu.memref_squeeze %dma_start3A_52 : memref<1x80xi32, #tpu.memory_space<vmem>> -> memref<80xi32, #tpu.memory_space<vmem>>
        %dma_start3A_54 = arith.constant 0 : i32
        %dma_start3A_55 = arith.constant 0 : i32
        %dma_start3A_56 = tpu.memref_slice %arg2[%dma_start3A_54, %dma_start3A_55] : memref<10240x128xf32, #tpu.memory_space<hbm>> -> memref<10240x128xf32, #tpu.memory_space<hbm>>
        tpu.enqueue_indirect_dma source(%dma_start3A_56 : memref<10240x128xf32, #tpu.memory_space<hbm>>) target(%arg13 : memref<80x128xf32, #tpu.memory_space<vmem>>) offsets(%dma_start3A_53 : memref<80xi32, #tpu.memory_space<vmem>>) semaphore(%arg17 : memref<!tpu.dma_semaphore, #tpu.memory_space<semaphore_mem>>)
        %dma_wait3A = arith.constant 0 : i32
        %dma_wait3A_57 = tpu.memref_slice %arg8[%add3A_27, %dma_wait3A] : memref<16x80xi32, #tpu.memory_space<vmem>> -> memref<1x80xi32, #tpu.memory_space<vmem>>
        %dma_wait3A_58 = tpu.memref_squeeze %dma_wait3A_57 : memref<1x80xi32, #tpu.memory_space<vmem>> -> memref<80xi32, #tpu.memory_space<vmem>>
        %dma_wait3A_59 = arith.constant 0 : i32
        %dma_wait3A_60 = arith.constant 0 : i32
        %dma_wait3A_61 = tpu.memref_slice %arg2[%dma_wait3A_59, %dma_wait3A_60] : memref<10240x128xf32, #tpu.memory_space<hbm>> -> memref<10240x128xf32, #tpu.memory_space<hbm>>
        tpu.wait_indirect_dma semaphore(%arg14 : memref<!tpu.dma_semaphore, #tpu.memory_space<semaphore_mem>>) src(%dma_wait3A_61 : memref<10240x128xf32, #tpu.memory_space<hbm>>) dst(%arg10 : memref<80x128xf32, #tpu.memory_space<vmem>>)
        %add3A_62 = arith.constant 0 : i32
        %add3A_63 = arith.addi %mul3A_25, %add3A_62 : i32
        "tpu.region"() ({
          %run_scoped3A = tpu.sem_alloc : memref<!tpu.dma_semaphore, #tpu.memory_space<semaphore_mem>>
          %dma_start3A_88 = arith.constant 0 : i32
          %dma_start3A_89 = tpu.memref_slice %arg9[%add3A_63, %dma_start3A_88] : memref<16x80xi32, #tpu.memory_space<vmem>> -> memref<1x80xi32, #tpu.memory_space<vmem>>
          %dma_start3A_90 = tpu.memref_squeeze %dma_start3A_89 : memref<1x80xi32, #tpu.memory_space<vmem>> -> memref<80xi32, #tpu.memory_space<vmem>>
          %dma_start3A_91 = arith.constant 0 : i32
          %dma_start3A_92 = arith.constant 0 : i32
          %dma_start3A_93 = tpu.memref_slice %arg7[%dma_start3A_91, %dma_start3A_92] : memref<10240x128xf32, #tpu.memory_space<vmem_shared>> -> memref<10240x128xf32, #tpu.memory_space<vmem_shared>>
          tpu.enqueue_indirect_dma source(%arg10 : memref<80x128xf32, #tpu.memory_space<vmem>>) target(%dma_start3A_93 : memref<10240x128xf32, #tpu.memory_space<vmem_shared>>) offsets(%dma_start3A_90 : memref<80xi32, #tpu.memory_space<vmem>>) semaphore(%run_scoped3A : memref<!tpu.dma_semaphore, #tpu.memory_space<semaphore_mem>>) {add = true}
          %dma_wait3A_94 = arith.constant 0 : i32
          %dma_wait3A_95 = tpu.memref_slice %arg9[%add3A_63, %dma_wait3A_94] : memref<16x80xi32, #tpu.memory_space<vmem>> -> memref<1x80xi32, #tpu.memory_space<vmem>>
          %dma_wait3A_96 = tpu.memref_squeeze %dma_wait3A_95 : memref<1x80xi32, #tpu.memory_space<vmem>> -> memref<80xi32, #tpu.memory_space<vmem>>
          %dma_wait3A_97 = arith.constant 0 : i32
          %dma_wait3A_98 = arith.constant 0 : i32
          %dma_wait3A_99 = tpu.memref_slice %arg7[%dma_wait3A_97, %dma_wait3A_98] : memref<10240x128xf32, #tpu.memory_space<vmem_shared>> -> memref<10240x128xf32, #tpu.memory_space<vmem_shared>>
          tpu.wait_indirect_dma semaphore(%run_scoped3A : memref<!tpu.dma_semaphore, #tpu.memory_space<semaphore_mem>>) src(%arg10 : memref<80x128xf32, #tpu.memory_space<vmem>>) dst(%dma_wait3A_99 : memref<10240x128xf32, #tpu.memory_space<vmem_shared>>)
          tpu.yield
        }) : () -> ()
        %dma_wait3A_64 = arith.constant 0 : i32
        %dma_wait3A_65 = tpu.memref_slice %arg8[%add3A_34, %dma_wait3A_64] : memref<16x80xi32, #tpu.memory_space<vmem>> -> memref<1x80xi32, #tpu.memory_space<vmem>>
        %dma_wait3A_66 = tpu.memref_squeeze %dma_wait3A_65 : memref<1x80xi32, #tpu.memory_space<vmem>> -> memref<80xi32, #tpu.memory_space<vmem>>
        %dma_wait3A_67 = arith.constant 0 : i32
        %dma_wait3A_68 = arith.constant 0 : i32
        %dma_wait3A_69 = tpu.memref_slice %arg2[%dma_wait3A_67, %dma_wait3A_68] : memref<10240x128xf32, #tpu.memory_space<hbm>> -> memref<10240x128xf32, #tpu.memory_space<hbm>>
        tpu.wait_indirect_dma semaphore(%arg15 : memref<!tpu.dma_semaphore, #tpu.memory_space<semaphore_mem>>) src(%dma_wait3A_69 : memref<10240x128xf32, #tpu.memory_space<hbm>>) dst(%arg11 : memref<80x128xf32, #tpu.memory_space<vmem>>)
        %add3A_70 = arith.constant 1 : i32
        %add3A_71 = arith.addi %mul3A_25, %add3A_70 : i32
        "tpu.region"() ({
          %run_scoped3A = tpu.sem_alloc : memref<!tpu.dma_semaphore, #tpu.memory_space<semaphore_mem>>
          %dma_start3A_88 = arith.constant 0 : i32
          %dma_start3A_89 = tpu.memref_slice %arg9[%add3A_71, %dma_start3A_88] : memref<16x80xi32, #tpu.memory_space<vmem>> -> memref<1x80xi32, #tpu.memory_space<vmem>>
          %dma_start3A_90 = tpu.memref_squeeze %dma_start3A_89 : memref<1x80xi32, #tpu.memory_space<vmem>> -> memref<80xi32, #tpu.memory_space<vmem>>
          %dma_start3A_91 = arith.constant 0 : i32
          %dma_start3A_92 = arith.constant 0 : i32
          %dma_start3A_93 = tpu.memref_slice %arg7[%dma_start3A_91, %dma_start3A_92] : memref<10240x128xf32, #tpu.memory_space<vmem_shared>> -> memref<10240x128xf32, #tpu.memory_space<vmem_shared>>
          tpu.enqueue_indirect_dma source(%arg11 : memref<80x128xf32, #tpu.memory_space<vmem>>) target(%dma_start3A_93 : memref<10240x128xf32, #tpu.memory_space<vmem_shared>>) offsets(%dma_start3A_90 : memref<80xi32, #tpu.memory_space<vmem>>) semaphore(%run_scoped3A : memref<!tpu.dma_semaphore, #tpu.memory_space<semaphore_mem>>) {add = true}
          %dma_wait3A_94 = arith.constant 0 : i32
          %dma_wait3A_95 = tpu.memref_slice %arg9[%add3A_71, %dma_wait3A_94] : memref<16x80xi32, #tpu.memory_space<vmem>> -> memref<1x80xi32, #tpu.memory_space<vmem>>
          %dma_wait3A_96 = tpu.memref_squeeze %dma_wait3A_95 : memref<1x80xi32, #tpu.memory_space<vmem>> -> memref<80xi32, #tpu.memory_space<vmem>>
          %dma_wait3A_97 = arith.constant 0 : i32
          %dma_wait3A_98 = arith.constant 0 : i32
          %dma_wait3A_99 = tpu.memref_slice %arg7[%dma_wait3A_97, %dma_wait3A_98] : memref<10240x128xf32, #tpu.memory_space<vmem_shared>> -> memref<10240x128xf32, #tpu.memory_space<vmem_shared>>
          tpu.wait_indirect_dma semaphore(%run_scoped3A : memref<!tpu.dma_semaphore, #tpu.memory_space<semaphore_mem>>) src(%arg11 : memref<80x128xf32, #tpu.memory_space<vmem>>) dst(%dma_wait3A_99 : memref<10240x128xf32, #tpu.memory_space<vmem_shared>>)
          tpu.yield
        }) : () -> ()
        %dma_wait3A_72 = arith.constant 0 : i32
        %dma_wait3A_73 = tpu.memref_slice %arg8[%add3A_42, %dma_wait3A_72] : memref<16x80xi32, #tpu.memory_space<vmem>> -> memref<1x80xi32, #tpu.memory_space<vmem>>
        %dma_wait3A_74 = tpu.memref_squeeze %dma_wait3A_73 : memref<1x80xi32, #tpu.memory_space<vmem>> -> memref<80xi32, #tpu.memory_space<vmem>>
        %dma_wait3A_75 = arith.constant 0 : i32
        %dma_wait3A_76 = arith.constant 0 : i32
        %dma_wait3A_77 = tpu.memref_slice %arg2[%dma_wait3A_75, %dma_wait3A_76] : memref<10240x128xf32, #tpu.memory_space<hbm>> -> memref<10240x128xf32, #tpu.memory_space<hbm>>
        tpu.wait_indirect_dma semaphore(%arg16 : memref<!tpu.dma_semaphore, #tpu.memory_space<semaphore_mem>>) src(%dma_wait3A_77 : memref<10240x128xf32, #tpu.memory_space<hbm>>) dst(%arg12 : memref<80x128xf32, #tpu.memory_space<vmem>>)
        %add3A_78 = arith.constant 2 : i32
        %add3A_79 = arith.addi %mul3A_25, %add3A_78 : i32
        "tpu.region"() ({
          %run_scoped3A = tpu.sem_alloc : memref<!tpu.dma_semaphore, #tpu.memory_space<semaphore_mem>>
          %dma_start3A_88 = arith.constant 0 : i32
          %dma_start3A_89 = tpu.memref_slice %arg9[%add3A_79, %dma_start3A_88] : memref<16x80xi32, #tpu.memory_space<vmem>> -> memref<1x80xi32, #tpu.memory_space<vmem>>
          %dma_start3A_90 = tpu.memref_squeeze %dma_start3A_89 : memref<1x80xi32, #tpu.memory_space<vmem>> -> memref<80xi32, #tpu.memory_space<vmem>>
          %dma_start3A_91 = arith.constant 0 : i32
          %dma_start3A_92 = arith.constant 0 : i32
          %dma_start3A_93 = tpu.memref_slice %arg7[%dma_start3A_91, %dma_start3A_92] : memref<10240x128xf32, #tpu.memory_space<vmem_shared>> -> memref<10240x128xf32, #tpu.memory_space<vmem_shared>>
          tpu.enqueue_indirect_dma source(%arg12 : memref<80x128xf32, #tpu.memory_space<vmem>>) target(%dma_start3A_93 : memref<10240x128xf32, #tpu.memory_space<vmem_shared>>) offsets(%dma_start3A_90 : memref<80xi32, #tpu.memory_space<vmem>>) semaphore(%run_scoped3A : memref<!tpu.dma_semaphore, #tpu.memory_space<semaphore_mem>>) {add = true}
          %dma_wait3A_94 = arith.constant 0 : i32
          %dma_wait3A_95 = tpu.memref_slice %arg9[%add3A_79, %dma_wait3A_94] : memref<16x80xi32, #tpu.memory_space<vmem>> -> memref<1x80xi32, #tpu.memory_space<vmem>>
          %dma_wait3A_96 = tpu.memref_squeeze %dma_wait3A_95 : memref<1x80xi32, #tpu.memory_space<vmem>> -> memref<80xi32, #tpu.memory_space<vmem>>
          %dma_wait3A_97 = arith.constant 0 : i32
          %dma_wait3A_98 = arith.constant 0 : i32
          %dma_wait3A_99 = tpu.memref_slice %arg7[%dma_wait3A_97, %dma_wait3A_98] : memref<10240x128xf32, #tpu.memory_space<vmem_shared>> -> memref<10240x128xf32, #tpu.memory_space<vmem_shared>>
          tpu.wait_indirect_dma semaphore(%run_scoped3A : memref<!tpu.dma_semaphore, #tpu.memory_space<semaphore_mem>>) src(%arg12 : memref<80x128xf32, #tpu.memory_space<vmem>>) dst(%dma_wait3A_99 : memref<10240x128xf32, #tpu.memory_space<vmem_shared>>)
          tpu.yield
        }) : () -> ()
        %dma_wait3A_80 = arith.constant 0 : i32
        %dma_wait3A_81 = tpu.memref_slice %arg8[%add3A_50, %dma_wait3A_80] : memref<16x80xi32, #tpu.memory_space<vmem>> -> memref<1x80xi32, #tpu.memory_space<vmem>>
        %dma_wait3A_82 = tpu.memref_squeeze %dma_wait3A_81 : memref<1x80xi32, #tpu.memory_space<vmem>> -> memref<80xi32, #tpu.memory_space<vmem>>
        %dma_wait3A_83 = arith.constant 0 : i32
        %dma_wait3A_84 = arith.constant 0 : i32
        %dma_wait3A_85 = tpu.memref_slice %arg2[%dma_wait3A_83, %dma_wait3A_84] : memref<10240x128xf32, #tpu.memory_space<hbm>> -> memref<10240x128xf32, #tpu.memory_space<hbm>>
        tpu.wait_indirect_dma semaphore(%arg17 : memref<!tpu.dma_semaphore, #tpu.memory_space<semaphore_mem>>) src(%dma_wait3A_85 : memref<10240x128xf32, #tpu.memory_space<hbm>>) dst(%arg13 : memref<80x128xf32, #tpu.memory_space<vmem>>)
        %add3A_86 = arith.constant 3 : i32
        %add3A_87 = arith.addi %mul3A_25, %add3A_86 : i32
        "tpu.region"() ({
          %run_scoped3A = tpu.sem_alloc : memref<!tpu.dma_semaphore, #tpu.memory_space<semaphore_mem>>
          %dma_start3A_88 = arith.constant 0 : i32
          %dma_start3A_89 = tpu.memref_slice %arg9[%add3A_87, %dma_start3A_88] : memref<16x80xi32, #tpu.memory_space<vmem>> -> memref<1x80xi32, #tpu.memory_space<vmem>>
          %dma_start3A_90 = tpu.memref_squeeze %dma_start3A_89 : memref<1x80xi32, #tpu.memory_space<vmem>> -> memref<80xi32, #tpu.memory_space<vmem>>
          %dma_start3A_91 = arith.constant 0 : i32
          %dma_start3A_92 = arith.constant 0 : i32
          %dma_start3A_93 = tpu.memref_slice %arg7[%dma_start3A_91, %dma_start3A_92] : memref<10240x128xf32, #tpu.memory_space<vmem_shared>> -> memref<10240x128xf32, #tpu.memory_space<vmem_shared>>
          tpu.enqueue_indirect_dma source(%arg13 : memref<80x128xf32, #tpu.memory_space<vmem>>) target(%dma_start3A_93 : memref<10240x128xf32, #tpu.memory_space<vmem_shared>>) offsets(%dma_start3A_90 : memref<80xi32, #tpu.memory_space<vmem>>) semaphore(%run_scoped3A : memref<!tpu.dma_semaphore, #tpu.memory_space<semaphore_mem>>) {add = true}
          %dma_wait3A_94 = arith.constant 0 : i32
          %dma_wait3A_95 = tpu.memref_slice %arg9[%add3A_87, %dma_wait3A_94] : memref<16x80xi32, #tpu.memory_space<vmem>> -> memref<1x80xi32, #tpu.memory_space<vmem>>
          %dma_wait3A_96 = tpu.memref_squeeze %dma_wait3A_95 : memref<1x80xi32, #tpu.memory_space<vmem>> -> memref<80xi32, #tpu.memory_space<vmem>>
          %dma_wait3A_97 = arith.constant 0 : i32
          %dma_wait3A_98 = arith.constant 0 : i32
          %dma_wait3A_99 = tpu.memref_slice %arg7[%dma_wait3A_97, %dma_wait3A_98] : memref<10240x128xf32, #tpu.memory_space<vmem_shared>> -> memref<10240x128xf32, #tpu.memory_space<vmem_shared>>
          tpu.wait_indirect_dma semaphore(%run_scoped3A : memref<!tpu.dma_semaphore, #tpu.memory_space<semaphore_mem>>) src(%arg13 : memref<80x128xf32, #tpu.memory_space<vmem>>) dst(%dma_wait3A_99 : memref<10240x128xf32, #tpu.memory_space<vmem_shared>>)
          tpu.yield
        }) : () -> ()
      }
      %scan3A_22 = arith.constant 4 : i32
    }
    %scan3A_9 = arith.constant 8 : i32
    %barrier3A_10 = arith.constant 0 : index
    tpu.barrier barrier_id(%barrier3A_10)
    "tpu.region"() ({
      %run_scoped3A = tpu.sem_alloc : memref<!tpu.dma_semaphore, #tpu.memory_space<semaphore_mem>>
      %dma_start3A = arith.constant 0 : i32
      %dma_start3A_11 = tpu.memref_slice %arg6[%arg0, %mul3A_0, %dma_start3A] : memref<2x10240x128xf32, #tpu.memory_space<hbm>> -> memref<1x640x128xf32, #tpu.memory_space<hbm>>
      %dma_start3A_12 = tpu.memref_squeeze %dma_start3A_11 : memref<1x640x128xf32, #tpu.memory_space<hbm>> -> memref<640x128xf32, #tpu.memory_space<hbm>>
      %dma_start3A_13 = arith.constant 0 : i32
      %dma_start3A_14 = tpu.memref_slice %arg7[%mul3A_0, %dma_start3A_13] : memref<10240x128xf32, #tpu.memory_space<vmem_shared>> -> memref<640x128xf32, #tpu.memory_space<vmem_shared>>
      tpu.enqueue_dma source(%dma_start3A_14 : memref<640x128xf32, #tpu.memory_space<vmem_shared>>) target(%dma_start3A_12 : memref<640x128xf32, #tpu.memory_space<hbm>>) target_semaphore(%run_scoped3A : memref<!tpu.dma_semaphore, #tpu.memory_space<semaphore_mem>>)
      %dma_wait3A = arith.constant 0 : i32
      %dma_wait3A_15 = tpu.memref_slice %arg6[%arg0, %mul3A_0, %dma_wait3A] : memref<2x10240x128xf32, #tpu.memory_space<hbm>> -> memref<1x640x128xf32, #tpu.memory_space<hbm>>
      %dma_wait3A_16 = tpu.memref_squeeze %dma_wait3A_15 : memref<1x640x128xf32, #tpu.memory_space<hbm>> -> memref<640x128xf32, #tpu.memory_space<hbm>>
      %dma_wait3A_17 = arith.constant 0 : i32
      %dma_wait3A_18 = tpu.memref_slice %arg7[%mul3A_0, %dma_wait3A_17] : memref<10240x128xf32, #tpu.memory_space<vmem_shared>> -> memref<640x128xf32, #tpu.memory_space<vmem_shared>>
      tpu.wait_dma2 semaphore(%run_scoped3A : memref<!tpu.dma_semaphore, #tpu.memory_space<semaphore_mem>>) src(%dma_wait3A_18 : memref<640x128xf32, #tpu.memory_space<vmem_shared>>) dst(%dma_wait3A_16 : memref<640x128xf32, #tpu.memory_space<hbm>>)
      tpu.yield
    }) : () -> ()
    return
  }
}

#map = affine_map<(d0, d1) -> (0, 0)>
#map1 = affine_map<(d0, d1) -> (0, 0, 0)>
module attributes {stable_mosaic.version = 14 : i64} {
  func.func @_sc_degrees(%arg0: i32, %arg1: i32, %arg2: memref<4096x80xi32, #tpu.memory_space<hbm>>, %arg3: memref<256x80xi32, #tpu.memory_space<hbm>>, %arg4: memref<640x8xf32, #tpu.memory_space<hbm>>, %arg5: memref<80x8xf32, #tpu.memory_space<hbm>>, %arg6: memref<2x10240x8xf32, #tpu.memory_space<hbm>>, %arg7: memref<2x10240x8xf32, #tpu.memory_space<hbm>>, %arg8: memref<10240x8xf32, #tpu.memory_space<vmem_shared>>, %arg9: memref<10240x8xf32, #tpu.memory_space<vmem_shared>>, %arg10: memref<128x80xi32, #tpu.memory_space<vmem>>, %arg11: memref<8x80xi32, #tpu.memory_space<vmem>>, %arg12: memref<80x8xf32, #tpu.memory_space<vmem>>) attributes {dimension_semantics = [#tpu.dimension_semantics<core_parallel>, #tpu.dimension_semantics<subcore_parallel>], iteration_bounds = array<i64: 2, 16>, scalar_prefetch = 0 : i64, scratch_operands = 5 : i64, tpu.core_type = #tpu.core_type<sc_vector_subcore>, window_params = [{transform_indices = #map}, {transform_indices = #map}, {transform_indices = #map}, {transform_indices = #map}, {transform_indices = #map1}, {transform_indices = #map1}]} {
    %mul3A = arith.constant 16 : i32
    %mul3A_0 = arith.muli %arg0, %mul3A : i32
    %add3A = arith.addi %mul3A_0, %arg1 : i32
    %mul3A_1 = arith.constant 640 : i32
    %mul3A_2 = arith.muli %arg1, %mul3A_1 : i32
    "tpu.region"() ({
      %run_scoped3A = tpu.sem_alloc : memref<!tpu.dma_semaphore, #tpu.memory_space<semaphore_mem>>
      %dma_start3A = arith.constant 0 : i32
      %dma_start3A_19 = tpu.memref_slice %arg8[%mul3A_2, %dma_start3A] : memref<10240x8xf32, #tpu.memory_space<vmem_shared>> -> memref<640x8xf32, #tpu.memory_space<vmem_shared>>
      tpu.enqueue_dma source(%arg4 : memref<640x8xf32, #tpu.memory_space<hbm>>) target(%dma_start3A_19 : memref<640x8xf32, #tpu.memory_space<vmem_shared>>) target_semaphore(%run_scoped3A : memref<!tpu.dma_semaphore, #tpu.memory_space<semaphore_mem>>)
      %dma_wait3A = arith.constant 0 : i32
      %dma_wait3A_20 = tpu.memref_slice %arg8[%mul3A_2, %dma_wait3A] : memref<10240x8xf32, #tpu.memory_space<vmem_shared>> -> memref<640x8xf32, #tpu.memory_space<vmem_shared>>
      tpu.wait_dma2 semaphore(%run_scoped3A : memref<!tpu.dma_semaphore, #tpu.memory_space<semaphore_mem>>) src(%arg4 : memref<640x8xf32, #tpu.memory_space<hbm>>) dst(%dma_wait3A_20 : memref<640x8xf32, #tpu.memory_space<vmem_shared>>)
      tpu.yield
    }) : () -> ()
    "tpu.region"() ({
      %run_scoped3A = tpu.sem_alloc : memref<!tpu.dma_semaphore, #tpu.memory_space<semaphore_mem>>
      %dma_start3A = arith.constant 0 : i32
      %dma_start3A_19 = tpu.memref_slice %arg9[%mul3A_2, %dma_start3A] : memref<10240x8xf32, #tpu.memory_space<vmem_shared>> -> memref<640x8xf32, #tpu.memory_space<vmem_shared>>
      tpu.enqueue_dma source(%arg4 : memref<640x8xf32, #tpu.memory_space<hbm>>) target(%dma_start3A_19 : memref<640x8xf32, #tpu.memory_space<vmem_shared>>) target_semaphore(%run_scoped3A : memref<!tpu.dma_semaphore, #tpu.memory_space<semaphore_mem>>)
      %dma_wait3A = arith.constant 0 : i32
      %dma_wait3A_20 = tpu.memref_slice %arg9[%mul3A_2, %dma_wait3A] : memref<10240x8xf32, #tpu.memory_space<vmem_shared>> -> memref<640x8xf32, #tpu.memory_space<vmem_shared>>
      tpu.wait_dma2 semaphore(%run_scoped3A : memref<!tpu.dma_semaphore, #tpu.memory_space<semaphore_mem>>) src(%arg4 : memref<640x8xf32, #tpu.memory_space<hbm>>) dst(%dma_wait3A_20 : memref<640x8xf32, #tpu.memory_space<vmem_shared>>)
      tpu.yield
    }) : () -> ()
    "tpu.region"() ({
      %run_scoped3A = tpu.sem_alloc : memref<!tpu.dma_semaphore, #tpu.memory_space<semaphore_mem>>
      tpu.enqueue_dma source(%arg5 : memref<80x8xf32, #tpu.memory_space<hbm>>) target(%arg12 : memref<80x8xf32, #tpu.memory_space<vmem>>) target_semaphore(%run_scoped3A : memref<!tpu.dma_semaphore, #tpu.memory_space<semaphore_mem>>)
      tpu.wait_dma2 semaphore(%run_scoped3A : memref<!tpu.dma_semaphore, #tpu.memory_space<semaphore_mem>>) src(%arg5 : memref<80x8xf32, #tpu.memory_space<hbm>>) dst(%arg12 : memref<80x8xf32, #tpu.memory_space<vmem>>)
      tpu.yield
    }) : () -> ()
    %mul3A_3 = arith.constant 128 : i32
    %mul3A_4 = arith.muli %add3A, %mul3A_3 : i32
    "tpu.region"() ({
      %run_scoped3A = tpu.sem_alloc : memref<!tpu.dma_semaphore, #tpu.memory_space<semaphore_mem>>
      %dma_start3A = arith.constant 0 : i32
      %dma_start3A_19 = tpu.memref_slice %arg2[%mul3A_4, %dma_start3A] : memref<4096x80xi32, #tpu.memory_space<hbm>> -> memref<128x80xi32, #tpu.memory_space<hbm>>
      %dma_start3A_20 = arith.constant 0 : i32
      %dma_start3A_21 = tpu.memref_slice %arg2[%mul3A_4, %dma_start3A_20] : memref<4096x80xi32, #tpu.memory_space<hbm>> -> memref<128x80xi32, #tpu.memory_space<hbm>>
      tpu.enqueue_dma source(%dma_start3A_21 : memref<128x80xi32, #tpu.memory_space<hbm>>) target(%arg10 : memref<128x80xi32, #tpu.memory_space<vmem>>) target_semaphore(%run_scoped3A : memref<!tpu.dma_semaphore, #tpu.memory_space<semaphore_mem>>)
      %dma_wait3A = arith.constant 0 : i32
      %dma_wait3A_22 = tpu.memref_slice %arg2[%mul3A_4, %dma_wait3A] : memref<4096x80xi32, #tpu.memory_space<hbm>> -> memref<128x80xi32, #tpu.memory_space<hbm>>
      %dma_wait3A_23 = arith.constant 0 : i32
      %dma_wait3A_24 = tpu.memref_slice %arg2[%mul3A_4, %dma_wait3A_23] : memref<4096x80xi32, #tpu.memory_space<hbm>> -> memref<128x80xi32, #tpu.memory_space<hbm>>
      tpu.wait_dma2 semaphore(%run_scoped3A : memref<!tpu.dma_semaphore, #tpu.memory_space<semaphore_mem>>) src(%dma_wait3A_24 : memref<128x80xi32, #tpu.memory_space<hbm>>) dst(%arg10 : memref<128x80xi32, #tpu.memory_space<vmem>>)
      tpu.yield
    }) : () -> ()
    %mul3A_5 = arith.constant 8 : i32
    %mul3A_6 = arith.muli %add3A, %mul3A_5 : i32
    "tpu.region"() ({
      %run_scoped3A = tpu.sem_alloc : memref<!tpu.dma_semaphore, #tpu.memory_space<semaphore_mem>>
      %dma_start3A = arith.constant 0 : i32
      %dma_start3A_19 = tpu.memref_slice %arg3[%mul3A_6, %dma_start3A] : memref<256x80xi32, #tpu.memory_space<hbm>> -> memref<8x80xi32, #tpu.memory_space<hbm>>
      %dma_start3A_20 = arith.constant 0 : i32
      %dma_start3A_21 = tpu.memref_slice %arg3[%mul3A_6, %dma_start3A_20] : memref<256x80xi32, #tpu.memory_space<hbm>> -> memref<8x80xi32, #tpu.memory_space<hbm>>
      tpu.enqueue_dma source(%dma_start3A_21 : memref<8x80xi32, #tpu.memory_space<hbm>>) target(%arg11 : memref<8x80xi32, #tpu.memory_space<vmem>>) target_semaphore(%run_scoped3A : memref<!tpu.dma_semaphore, #tpu.memory_space<semaphore_mem>>)
      %dma_wait3A = arith.constant 0 : i32
      %dma_wait3A_22 = tpu.memref_slice %arg3[%mul3A_6, %dma_wait3A] : memref<256x80xi32, #tpu.memory_space<hbm>> -> memref<8x80xi32, #tpu.memory_space<hbm>>
      %dma_wait3A_23 = arith.constant 0 : i32
      %dma_wait3A_24 = tpu.memref_slice %arg3[%mul3A_6, %dma_wait3A_23] : memref<256x80xi32, #tpu.memory_space<hbm>> -> memref<8x80xi32, #tpu.memory_space<hbm>>
      tpu.wait_dma2 semaphore(%run_scoped3A : memref<!tpu.dma_semaphore, #tpu.memory_space<semaphore_mem>>) src(%dma_wait3A_24 : memref<8x80xi32, #tpu.memory_space<hbm>>) dst(%arg11 : memref<8x80xi32, #tpu.memory_space<vmem>>)
      tpu.yield
    }) : () -> ()
    %barrier3A = arith.constant 0 : index
    tpu.barrier barrier_id(%barrier3A)
    %scan3A = arith.constant 0 : i32
    %scan3A_7 = arith.constant 0 : i32
    %scan3A_8 = arith.constant 128 : i32
    %scan3A_9 = arith.addi %scan3A_7, %scan3A_8 : i32
    %scan3A_10 = arith.constant 1 : i32
    scf.for %scan3A_19 = %scan3A_7 to %scan3A_9 step %scan3A_10  : i32 {
      "tpu.region"() ({
        %run_scoped3A = tpu.sem_alloc : memref<!tpu.dma_semaphore, #tpu.memory_space<semaphore_mem>>
        %dma_start3A = arith.constant 0 : i32
        %dma_start3A_20 = tpu.memref_slice %arg10[%scan3A_19, %dma_start3A] : memref<128x80xi32, #tpu.memory_space<vmem>> -> memref<1x80xi32, #tpu.memory_space<vmem>>
        %dma_start3A_21 = tpu.memref_squeeze %dma_start3A_20 : memref<1x80xi32, #tpu.memory_space<vmem>> -> memref<80xi32, #tpu.memory_space<vmem>>
        %dma_start3A_22 = arith.constant 0 : i32
        %dma_start3A_23 = arith.constant 0 : i32
        %dma_start3A_24 = tpu.memref_slice %arg8[%dma_start3A_22, %dma_start3A_23] : memref<10240x8xf32, #tpu.memory_space<vmem_shared>> -> memref<10240x8xf32, #tpu.memory_space<vmem_shared>>
        tpu.enqueue_indirect_dma source(%arg12 : memref<80x8xf32, #tpu.memory_space<vmem>>) target(%dma_start3A_24 : memref<10240x8xf32, #tpu.memory_space<vmem_shared>>) offsets(%dma_start3A_21 : memref<80xi32, #tpu.memory_space<vmem>>) semaphore(%run_scoped3A : memref<!tpu.dma_semaphore, #tpu.memory_space<semaphore_mem>>) {add = true}
        %dma_wait3A = arith.constant 0 : i32
        %dma_wait3A_25 = tpu.memref_slice %arg10[%scan3A_19, %dma_wait3A] : memref<128x80xi32, #tpu.memory_space<vmem>> -> memref<1x80xi32, #tpu.memory_space<vmem>>
        %dma_wait3A_26 = tpu.memref_squeeze %dma_wait3A_25 : memref<1x80xi32, #tpu.memory_space<vmem>> -> memref<80xi32, #tpu.memory_space<vmem>>
        %dma_wait3A_27 = arith.constant 0 : i32
        %dma_wait3A_28 = arith.constant 0 : i32
        %dma_wait3A_29 = tpu.memref_slice %arg8[%dma_wait3A_27, %dma_wait3A_28] : memref<10240x8xf32, #tpu.memory_space<vmem_shared>> -> memref<10240x8xf32, #tpu.memory_space<vmem_shared>>
        tpu.wait_indirect_dma semaphore(%run_scoped3A : memref<!tpu.dma_semaphore, #tpu.memory_space<semaphore_mem>>) src(%arg12 : memref<80x8xf32, #tpu.memory_space<vmem>>) dst(%dma_wait3A_29 : memref<10240x8xf32, #tpu.memory_space<vmem_shared>>)
        tpu.yield
      }) : () -> ()
    }
    %scan3A_11 = arith.constant 128 : i32
    %scan3A_12 = arith.constant 0 : i32
    %scan3A_13 = arith.constant 0 : i32
    %scan3A_14 = arith.constant 8 : i32
    %scan3A_15 = arith.addi %scan3A_13, %scan3A_14 : i32
    %scan3A_16 = arith.constant 1 : i32
    scf.for %scan3A_19 = %scan3A_13 to %scan3A_15 step %scan3A_16  : i32 {
      "tpu.region"() ({
        %run_scoped3A = tpu.sem_alloc : memref<!tpu.dma_semaphore, #tpu.memory_space<semaphore_mem>>
        %dma_start3A = arith.constant 0 : i32
        %dma_start3A_20 = tpu.memref_slice %arg11[%scan3A_19, %dma_start3A] : memref<8x80xi32, #tpu.memory_space<vmem>> -> memref<1x80xi32, #tpu.memory_space<vmem>>
        %dma_start3A_21 = tpu.memref_squeeze %dma_start3A_20 : memref<1x80xi32, #tpu.memory_space<vmem>> -> memref<80xi32, #tpu.memory_space<vmem>>
        %dma_start3A_22 = arith.constant 0 : i32
        %dma_start3A_23 = arith.constant 0 : i32
        %dma_start3A_24 = tpu.memref_slice %arg9[%dma_start3A_22, %dma_start3A_23] : memref<10240x8xf32, #tpu.memory_space<vmem_shared>> -> memref<10240x8xf32, #tpu.memory_space<vmem_shared>>
        tpu.enqueue_indirect_dma source(%arg12 : memref<80x8xf32, #tpu.memory_space<vmem>>) target(%dma_start3A_24 : memref<10240x8xf32, #tpu.memory_space<vmem_shared>>) offsets(%dma_start3A_21 : memref<80xi32, #tpu.memory_space<vmem>>) semaphore(%run_scoped3A : memref<!tpu.dma_semaphore, #tpu.memory_space<semaphore_mem>>) {add = true}
        %dma_wait3A = arith.constant 0 : i32
        %dma_wait3A_25 = tpu.memref_slice %arg11[%scan3A_19, %dma_wait3A] : memref<8x80xi32, #tpu.memory_space<vmem>> -> memref<1x80xi32, #tpu.memory_space<vmem>>
        %dma_wait3A_26 = tpu.memref_squeeze %dma_wait3A_25 : memref<1x80xi32, #tpu.memory_space<vmem>> -> memref<80xi32, #tpu.memory_space<vmem>>
        %dma_wait3A_27 = arith.constant 0 : i32
        %dma_wait3A_28 = arith.constant 0 : i32
        %dma_wait3A_29 = tpu.memref_slice %arg9[%dma_wait3A_27, %dma_wait3A_28] : memref<10240x8xf32, #tpu.memory_space<vmem_shared>> -> memref<10240x8xf32, #tpu.memory_space<vmem_shared>>
        tpu.wait_indirect_dma semaphore(%run_scoped3A : memref<!tpu.dma_semaphore, #tpu.memory_space<semaphore_mem>>) src(%arg12 : memref<80x8xf32, #tpu.memory_space<vmem>>) dst(%dma_wait3A_29 : memref<10240x8xf32, #tpu.memory_space<vmem_shared>>)
        tpu.yield
      }) : () -> ()
    }
    %scan3A_17 = arith.constant 8 : i32
    %barrier3A_18 = arith.constant 0 : index
    tpu.barrier barrier_id(%barrier3A_18)
    "tpu.region"() ({
      %run_scoped3A = tpu.sem_alloc : memref<!tpu.dma_semaphore, #tpu.memory_space<semaphore_mem>>
      %dma_start3A = arith.constant 0 : i32
      %dma_start3A_19 = tpu.memref_slice %arg6[%arg0, %mul3A_2, %dma_start3A] : memref<2x10240x8xf32, #tpu.memory_space<hbm>> -> memref<1x640x8xf32, #tpu.memory_space<hbm>>
      %dma_start3A_20 = tpu.memref_squeeze %dma_start3A_19 : memref<1x640x8xf32, #tpu.memory_space<hbm>> -> memref<640x8xf32, #tpu.memory_space<hbm>>
      %dma_start3A_21 = arith.constant 0 : i32
      %dma_start3A_22 = tpu.memref_slice %arg8[%mul3A_2, %dma_start3A_21] : memref<10240x8xf32, #tpu.memory_space<vmem_shared>> -> memref<640x8xf32, #tpu.memory_space<vmem_shared>>
      tpu.enqueue_dma source(%dma_start3A_22 : memref<640x8xf32, #tpu.memory_space<vmem_shared>>) target(%dma_start3A_20 : memref<640x8xf32, #tpu.memory_space<hbm>>) target_semaphore(%run_scoped3A : memref<!tpu.dma_semaphore, #tpu.memory_space<semaphore_mem>>)
      %dma_wait3A = arith.constant 0 : i32
      %dma_wait3A_23 = tpu.memref_slice %arg6[%arg0, %mul3A_2, %dma_wait3A] : memref<2x10240x8xf32, #tpu.memory_space<hbm>> -> memref<1x640x8xf32, #tpu.memory_space<hbm>>
      %dma_wait3A_24 = tpu.memref_squeeze %dma_wait3A_23 : memref<1x640x8xf32, #tpu.memory_space<hbm>> -> memref<640x8xf32, #tpu.memory_space<hbm>>
      %dma_wait3A_25 = arith.constant 0 : i32
      %dma_wait3A_26 = tpu.memref_slice %arg8[%mul3A_2, %dma_wait3A_25] : memref<10240x8xf32, #tpu.memory_space<vmem_shared>> -> memref<640x8xf32, #tpu.memory_space<vmem_shared>>
      tpu.wait_dma2 semaphore(%run_scoped3A : memref<!tpu.dma_semaphore, #tpu.memory_space<semaphore_mem>>) src(%dma_wait3A_26 : memref<640x8xf32, #tpu.memory_space<vmem_shared>>) dst(%dma_wait3A_24 : memref<640x8xf32, #tpu.memory_space<hbm>>)
      tpu.yield
    }) : () -> ()
    "tpu.region"() ({
      %run_scoped3A = tpu.sem_alloc : memref<!tpu.dma_semaphore, #tpu.memory_space<semaphore_mem>>
      %dma_start3A = arith.constant 0 : i32
      %dma_start3A_19 = tpu.memref_slice %arg7[%arg0, %mul3A_2, %dma_start3A] : memref<2x10240x8xf32, #tpu.memory_space<hbm>> -> memref<1x640x8xf32, #tpu.memory_space<hbm>>
      %dma_start3A_20 = tpu.memref_squeeze %dma_start3A_19 : memref<1x640x8xf32, #tpu.memory_space<hbm>> -> memref<640x8xf32, #tpu.memory_space<hbm>>
      %dma_start3A_21 = arith.constant 0 : i32
      %dma_start3A_22 = tpu.memref_slice %arg9[%mul3A_2, %dma_start3A_21] : memref<10240x8xf32, #tpu.memory_space<vmem_shared>> -> memref<640x8xf32, #tpu.memory_space<vmem_shared>>
      tpu.enqueue_dma source(%dma_start3A_22 : memref<640x8xf32, #tpu.memory_space<vmem_shared>>) target(%dma_start3A_20 : memref<640x8xf32, #tpu.memory_space<hbm>>) target_semaphore(%run_scoped3A : memref<!tpu.dma_semaphore, #tpu.memory_space<semaphore_mem>>)
      %dma_wait3A = arith.constant 0 : i32
      %dma_wait3A_23 = tpu.memref_slice %arg7[%arg0, %mul3A_2, %dma_wait3A] : memref<2x10240x8xf32, #tpu.memory_space<hbm>> -> memref<1x640x8xf32, #tpu.memory_space<hbm>>
      %dma_wait3A_24 = tpu.memref_squeeze %dma_wait3A_23 : memref<1x640x8xf32, #tpu.memory_space<hbm>> -> memref<640x8xf32, #tpu.memory_space<hbm>>
      %dma_wait3A_25 = arith.constant 0 : i32
      %dma_wait3A_26 = tpu.memref_slice %arg9[%mul3A_2, %dma_wait3A_25] : memref<10240x8xf32, #tpu.memory_space<vmem_shared>> -> memref<640x8xf32, #tpu.memory_space<vmem_shared>>
      tpu.wait_dma2 semaphore(%run_scoped3A : memref<!tpu.dma_semaphore, #tpu.memory_space<semaphore_mem>>) src(%dma_wait3A_26 : memref<640x8xf32, #tpu.memory_space<vmem_shared>>) dst(%dma_wait3A_24 : memref<640x8xf32, #tpu.memory_space<hbm>>)
      tpu.yield
    }) : () -> ()
    return
  }
}

#map = affine_map<(d0, d1) -> (0, 0)>
#map1 = affine_map<(d0, d1) -> (0, 0, 0)>
module attributes {stable_mosaic.version = 14 : i64} {
  func.func @agg(%arg0: i32, %arg1: i32, %arg2: memref<10240x128xf32, #tpu.memory_space<hbm>>, %arg3: memref<4096x80xi32, #tpu.memory_space<hbm>>, %arg4: memref<4096x80xi32, #tpu.memory_space<hbm>>, %arg5: memref<640x128xf32, #tpu.memory_space<hbm>>, %arg6: memref<2x10240x128xf32, #tpu.memory_space<hbm>>, %arg7: memref<10240x128xf32, #tpu.memory_space<vmem_shared>>, %arg8: memref<16x80xi32, #tpu.memory_space<vmem>>, %arg9: memref<16x80xi32, #tpu.memory_space<vmem>>, %arg10: memref<80x128xf32, #tpu.memory_space<vmem>>, %arg11: memref<80x128xf32, #tpu.memory_space<vmem>>, %arg12: memref<80x128xf32, #tpu.memory_space<vmem>>, %arg13: memref<80x128xf32, #tpu.memory_space<vmem>>, %arg14: memref<!tpu.dma_semaphore, #tpu.memory_space<semaphore_mem>>, %arg15: memref<!tpu.dma_semaphore, #tpu.memory_space<semaphore_mem>>, %arg16: memref<!tpu.dma_semaphore, #tpu.memory_space<semaphore_mem>>, %arg17: memref<!tpu.dma_semaphore, #tpu.memory_space<semaphore_mem>>) attributes {dimension_semantics = [#tpu.dimension_semantics<core_parallel>, #tpu.dimension_semantics<subcore_parallel>], iteration_bounds = array<i64: 2, 16>, scalar_prefetch = 0 : i64, scratch_operands = 11 : i64, tpu.core_type = #tpu.core_type<sc_vector_subcore>, window_params = [{transform_indices = #map}, {transform_indices = #map}, {transform_indices = #map}, {transform_indices = #map}, {transform_indices = #map1}]} {
    %mul3A = arith.constant 640 : i32
    %mul3A_0 = arith.muli %arg1, %mul3A : i32
    %mul3A_1 = arith.constant 16 : i32
    %mul3A_2 = arith.muli %arg0, %mul3A_1 : i32
    %add3A = arith.addi %mul3A_2, %arg1 : i32
    %mul3A_3 = arith.constant 128 : i32
    %mul3A_4 = arith.muli %add3A, %mul3A_3 : i32
    "tpu.region"() ({
      %run_scoped3A = tpu.sem_alloc : memref<!tpu.dma_semaphore, #tpu.memory_space<semaphore_mem>>
      %dma_start3A = arith.constant 0 : i32
      %dma_start3A_11 = tpu.memref_slice %arg7[%mul3A_0, %dma_start3A] : memref<10240x128xf32, #tpu.memory_space<vmem_shared>> -> memref<640x128xf32, #tpu.memory_space<vmem_shared>>
      tpu.enqueue_dma source(%arg5 : memref<640x128xf32, #tpu.memory_space<hbm>>) target(%dma_start3A_11 : memref<640x128xf32, #tpu.memory_space<vmem_shared>>) target_semaphore(%run_scoped3A : memref<!tpu.dma_semaphore, #tpu.memory_space<semaphore_mem>>)
      %dma_wait3A = arith.constant 0 : i32
      %dma_wait3A_12 = tpu.memref_slice %arg7[%mul3A_0, %dma_wait3A] : memref<10240x128xf32, #tpu.memory_space<vmem_shared>> -> memref<640x128xf32, #tpu.memory_space<vmem_shared>>
      tpu.wait_dma2 semaphore(%run_scoped3A : memref<!tpu.dma_semaphore, #tpu.memory_space<semaphore_mem>>) src(%arg5 : memref<640x128xf32, #tpu.memory_space<hbm>>) dst(%dma_wait3A_12 : memref<640x128xf32, #tpu.memory_space<vmem_shared>>)
      tpu.yield
    }) : () -> ()
    %barrier3A = arith.constant 0 : index
    tpu.barrier barrier_id(%barrier3A)
    %scan3A = arith.constant 0 : i32
    %scan3A_5 = arith.constant 0 : i32
    %scan3A_6 = arith.constant 8 : i32
    %scan3A_7 = arith.addi %scan3A_5, %scan3A_6 : i32
    %scan3A_8 = arith.constant 1 : i32
    scf.for %scan3A_11 = %scan3A_5 to %scan3A_7 step %scan3A_8  : i32 {
      %mul3A_12 = arith.constant 16 : i32
      %mul3A_13 = arith.muli %scan3A_11, %mul3A_12 : i32
      %add3A_14 = arith.addi %mul3A_4, %mul3A_13 : i32
      "tpu.region"() ({
        %run_scoped3A = tpu.sem_alloc : memref<!tpu.dma_semaphore, #tpu.memory_space<semaphore_mem>>
        %dma_start3A = arith.constant 0 : i32
        %dma_start3A_23 = tpu.memref_slice %arg3[%add3A_14, %dma_start3A] : memref<4096x80xi32, #tpu.memory_space<hbm>> -> memref<16x80xi32, #tpu.memory_space<hbm>>
        %dma_start3A_24 = arith.constant 0 : i32
        %dma_start3A_25 = tpu.memref_slice %arg3[%add3A_14, %dma_start3A_24] : memref<4096x80xi32, #tpu.memory_space<hbm>> -> memref<16x80xi32, #tpu.memory_space<hbm>>
        tpu.enqueue_dma source(%dma_start3A_25 : memref<16x80xi32, #tpu.memory_space<hbm>>) target(%arg8 : memref<16x80xi32, #tpu.memory_space<vmem>>) target_semaphore(%run_scoped3A : memref<!tpu.dma_semaphore, #tpu.memory_space<semaphore_mem>>)
        %dma_wait3A = arith.constant 0 : i32
        %dma_wait3A_26 = tpu.memref_slice %arg3[%add3A_14, %dma_wait3A] : memref<4096x80xi32, #tpu.memory_space<hbm>> -> memref<16x80xi32, #tpu.memory_space<hbm>>
        %dma_wait3A_27 = arith.constant 0 : i32
        %dma_wait3A_28 = tpu.memref_slice %arg3[%add3A_14, %dma_wait3A_27] : memref<4096x80xi32, #tpu.memory_space<hbm>> -> memref<16x80xi32, #tpu.memory_space<hbm>>
        tpu.wait_dma2 semaphore(%run_scoped3A : memref<!tpu.dma_semaphore, #tpu.memory_space<semaphore_mem>>) src(%dma_wait3A_28 : memref<16x80xi32, #tpu.memory_space<hbm>>) dst(%arg8 : memref<16x80xi32, #tpu.memory_space<vmem>>)
        tpu.yield
      }) : () -> ()
      %mul3A_15 = arith.constant 16 : i32
      %mul3A_16 = arith.muli %scan3A_11, %mul3A_15 : i32
      %add3A_17 = arith.addi %mul3A_4, %mul3A_16 : i32
      "tpu.region"() ({
        %run_scoped3A = tpu.sem_alloc : memref<!tpu.dma_semaphore, #tpu.memory_space<semaphore_mem>>
        %dma_start3A = arith.constant 0 : i32
        %dma_start3A_23 = tpu.memref_slice %arg4[%add3A_17, %dma_start3A] : memref<4096x80xi32, #tpu.memory_space<hbm>> -> memref<16x80xi32, #tpu.memory_space<hbm>>
        %dma_start3A_24 = arith.constant 0 : i32
        %dma_start3A_25 = tpu.memref_slice %arg4[%add3A_17, %dma_start3A_24] : memref<4096x80xi32, #tpu.memory_space<hbm>> -> memref<16x80xi32, #tpu.memory_space<hbm>>
        tpu.enqueue_dma source(%dma_start3A_25 : memref<16x80xi32, #tpu.memory_space<hbm>>) target(%arg9 : memref<16x80xi32, #tpu.memory_space<vmem>>) target_semaphore(%run_scoped3A : memref<!tpu.dma_semaphore, #tpu.memory_space<semaphore_mem>>)
        %dma_wait3A = arith.constant 0 : i32
        %dma_wait3A_26 = tpu.memref_slice %arg4[%add3A_17, %dma_wait3A] : memref<4096x80xi32, #tpu.memory_space<hbm>> -> memref<16x80xi32, #tpu.memory_space<hbm>>
        %dma_wait3A_27 = arith.constant 0 : i32
        %dma_wait3A_28 = tpu.memref_slice %arg4[%add3A_17, %dma_wait3A_27] : memref<4096x80xi32, #tpu.memory_space<hbm>> -> memref<16x80xi32, #tpu.memory_space<hbm>>
        tpu.wait_dma2 semaphore(%run_scoped3A : memref<!tpu.dma_semaphore, #tpu.memory_space<semaphore_mem>>) src(%dma_wait3A_28 : memref<16x80xi32, #tpu.memory_space<hbm>>) dst(%arg9 : memref<16x80xi32, #tpu.memory_space<vmem>>)
        tpu.yield
      }) : () -> ()
      %scan3A_18 = arith.constant 0 : i32
      %scan3A_19 = arith.constant 4 : i32
      %scan3A_20 = arith.addi %scan3A_18, %scan3A_19 : i32
      %scan3A_21 = arith.constant 1 : i32
      scf.for %scan3A_23 = %scan3A_18 to %scan3A_20 step %scan3A_21  : i32 {
        %mul3A_24 = arith.constant 4 : i32
        %mul3A_25 = arith.muli %scan3A_23, %mul3A_24 : i32
        %add3A_26 = arith.constant 0 : i32
        %add3A_27 = arith.addi %mul3A_25, %add3A_26 : i32
        %dma_start3A = arith.constant 0 : i32
        %dma_start3A_28 = tpu.memref_slice %arg8[%add3A_27, %dma_start3A] : memref<16x80xi32, #tpu.memory_space<vmem>> -> memref<1x80xi32, #tpu.memory_space<vmem>>
        %dma_start3A_29 = tpu.memref_squeeze %dma_start3A_28 : memref<1x80xi32, #tpu.memory_space<vmem>> -> memref<80xi32, #tpu.memory_space<vmem>>
        %dma_start3A_30 = arith.constant 0 : i32
        %dma_start3A_31 = arith.constant 0 : i32
        %dma_start3A_32 = tpu.memref_slice %arg2[%dma_start3A_30, %dma_start3A_31] : memref<10240x128xf32, #tpu.memory_space<hbm>> -> memref<10240x128xf32, #tpu.memory_space<hbm>>
        tpu.enqueue_indirect_dma source(%dma_start3A_32 : memref<10240x128xf32, #tpu.memory_space<hbm>>) target(%arg10 : memref<80x128xf32, #tpu.memory_space<vmem>>) offsets(%dma_start3A_29 : memref<80xi32, #tpu.memory_space<vmem>>) semaphore(%arg14 : memref<!tpu.dma_semaphore, #tpu.memory_space<semaphore_mem>>)
        %add3A_33 = arith.constant 1 : i32
        %add3A_34 = arith.addi %mul3A_25, %add3A_33 : i32
        %dma_start3A_35 = arith.constant 0 : i32
        %dma_start3A_36 = tpu.memref_slice %arg8[%add3A_34, %dma_start3A_35] : memref<16x80xi32, #tpu.memory_space<vmem>> -> memref<1x80xi32, #tpu.memory_space<vmem>>
        %dma_start3A_37 = tpu.memref_squeeze %dma_start3A_36 : memref<1x80xi32, #tpu.memory_space<vmem>> -> memref<80xi32, #tpu.memory_space<vmem>>
        %dma_start3A_38 = arith.constant 0 : i32
        %dma_start3A_39 = arith.constant 0 : i32
        %dma_start3A_40 = tpu.memref_slice %arg2[%dma_start3A_38, %dma_start3A_39] : memref<10240x128xf32, #tpu.memory_space<hbm>> -> memref<10240x128xf32, #tpu.memory_space<hbm>>
        tpu.enqueue_indirect_dma source(%dma_start3A_40 : memref<10240x128xf32, #tpu.memory_space<hbm>>) target(%arg11 : memref<80x128xf32, #tpu.memory_space<vmem>>) offsets(%dma_start3A_37 : memref<80xi32, #tpu.memory_space<vmem>>) semaphore(%arg15 : memref<!tpu.dma_semaphore, #tpu.memory_space<semaphore_mem>>)
        %add3A_41 = arith.constant 2 : i32
        %add3A_42 = arith.addi %mul3A_25, %add3A_41 : i32
        %dma_start3A_43 = arith.constant 0 : i32
        %dma_start3A_44 = tpu.memref_slice %arg8[%add3A_42, %dma_start3A_43] : memref<16x80xi32, #tpu.memory_space<vmem>> -> memref<1x80xi32, #tpu.memory_space<vmem>>
        %dma_start3A_45 = tpu.memref_squeeze %dma_start3A_44 : memref<1x80xi32, #tpu.memory_space<vmem>> -> memref<80xi32, #tpu.memory_space<vmem>>
        %dma_start3A_46 = arith.constant 0 : i32
        %dma_start3A_47 = arith.constant 0 : i32
        %dma_start3A_48 = tpu.memref_slice %arg2[%dma_start3A_46, %dma_start3A_47] : memref<10240x128xf32, #tpu.memory_space<hbm>> -> memref<10240x128xf32, #tpu.memory_space<hbm>>
        tpu.enqueue_indirect_dma source(%dma_start3A_48 : memref<10240x128xf32, #tpu.memory_space<hbm>>) target(%arg12 : memref<80x128xf32, #tpu.memory_space<vmem>>) offsets(%dma_start3A_45 : memref<80xi32, #tpu.memory_space<vmem>>) semaphore(%arg16 : memref<!tpu.dma_semaphore, #tpu.memory_space<semaphore_mem>>)
        %add3A_49 = arith.constant 3 : i32
        %add3A_50 = arith.addi %mul3A_25, %add3A_49 : i32
        %dma_start3A_51 = arith.constant 0 : i32
        %dma_start3A_52 = tpu.memref_slice %arg8[%add3A_50, %dma_start3A_51] : memref<16x80xi32, #tpu.memory_space<vmem>> -> memref<1x80xi32, #tpu.memory_space<vmem>>
        %dma_start3A_53 = tpu.memref_squeeze %dma_start3A_52 : memref<1x80xi32, #tpu.memory_space<vmem>> -> memref<80xi32, #tpu.memory_space<vmem>>
        %dma_start3A_54 = arith.constant 0 : i32
        %dma_start3A_55 = arith.constant 0 : i32
        %dma_start3A_56 = tpu.memref_slice %arg2[%dma_start3A_54, %dma_start3A_55] : memref<10240x128xf32, #tpu.memory_space<hbm>> -> memref<10240x128xf32, #tpu.memory_space<hbm>>
        tpu.enqueue_indirect_dma source(%dma_start3A_56 : memref<10240x128xf32, #tpu.memory_space<hbm>>) target(%arg13 : memref<80x128xf32, #tpu.memory_space<vmem>>) offsets(%dma_start3A_53 : memref<80xi32, #tpu.memory_space<vmem>>) semaphore(%arg17 : memref<!tpu.dma_semaphore, #tpu.memory_space<semaphore_mem>>)
        %dma_wait3A = arith.constant 0 : i32
        %dma_wait3A_57 = tpu.memref_slice %arg8[%add3A_27, %dma_wait3A] : memref<16x80xi32, #tpu.memory_space<vmem>> -> memref<1x80xi32, #tpu.memory_space<vmem>>
        %dma_wait3A_58 = tpu.memref_squeeze %dma_wait3A_57 : memref<1x80xi32, #tpu.memory_space<vmem>> -> memref<80xi32, #tpu.memory_space<vmem>>
        %dma_wait3A_59 = arith.constant 0 : i32
        %dma_wait3A_60 = arith.constant 0 : i32
        %dma_wait3A_61 = tpu.memref_slice %arg2[%dma_wait3A_59, %dma_wait3A_60] : memref<10240x128xf32, #tpu.memory_space<hbm>> -> memref<10240x128xf32, #tpu.memory_space<hbm>>
        tpu.wait_indirect_dma semaphore(%arg14 : memref<!tpu.dma_semaphore, #tpu.memory_space<semaphore_mem>>) src(%dma_wait3A_61 : memref<10240x128xf32, #tpu.memory_space<hbm>>) dst(%arg10 : memref<80x128xf32, #tpu.memory_space<vmem>>)
        %add3A_62 = arith.constant 0 : i32
        %add3A_63 = arith.addi %mul3A_25, %add3A_62 : i32
        "tpu.region"() ({
          %run_scoped3A = tpu.sem_alloc : memref<!tpu.dma_semaphore, #tpu.memory_space<semaphore_mem>>
          %dma_start3A_88 = arith.constant 0 : i32
          %dma_start3A_89 = tpu.memref_slice %arg9[%add3A_63, %dma_start3A_88] : memref<16x80xi32, #tpu.memory_space<vmem>> -> memref<1x80xi32, #tpu.memory_space<vmem>>
          %dma_start3A_90 = tpu.memref_squeeze %dma_start3A_89 : memref<1x80xi32, #tpu.memory_space<vmem>> -> memref<80xi32, #tpu.memory_space<vmem>>
          %dma_start3A_91 = arith.constant 0 : i32
          %dma_start3A_92 = arith.constant 0 : i32
          %dma_start3A_93 = tpu.memref_slice %arg7[%dma_start3A_91, %dma_start3A_92] : memref<10240x128xf32, #tpu.memory_space<vmem_shared>> -> memref<10240x128xf32, #tpu.memory_space<vmem_shared>>
          tpu.enqueue_indirect_dma source(%arg10 : memref<80x128xf32, #tpu.memory_space<vmem>>) target(%dma_start3A_93 : memref<10240x128xf32, #tpu.memory_space<vmem_shared>>) offsets(%dma_start3A_90 : memref<80xi32, #tpu.memory_space<vmem>>) semaphore(%run_scoped3A : memref<!tpu.dma_semaphore, #tpu.memory_space<semaphore_mem>>) {add = true}
          %dma_wait3A_94 = arith.constant 0 : i32
          %dma_wait3A_95 = tpu.memref_slice %arg9[%add3A_63, %dma_wait3A_94] : memref<16x80xi32, #tpu.memory_space<vmem>> -> memref<1x80xi32, #tpu.memory_space<vmem>>
          %dma_wait3A_96 = tpu.memref_squeeze %dma_wait3A_95 : memref<1x80xi32, #tpu.memory_space<vmem>> -> memref<80xi32, #tpu.memory_space<vmem>>
          %dma_wait3A_97 = arith.constant 0 : i32
          %dma_wait3A_98 = arith.constant 0 : i32
          %dma_wait3A_99 = tpu.memref_slice %arg7[%dma_wait3A_97, %dma_wait3A_98] : memref<10240x128xf32, #tpu.memory_space<vmem_shared>> -> memref<10240x128xf32, #tpu.memory_space<vmem_shared>>
          tpu.wait_indirect_dma semaphore(%run_scoped3A : memref<!tpu.dma_semaphore, #tpu.memory_space<semaphore_mem>>) src(%arg10 : memref<80x128xf32, #tpu.memory_space<vmem>>) dst(%dma_wait3A_99 : memref<10240x128xf32, #tpu.memory_space<vmem_shared>>)
          tpu.yield
        }) : () -> ()
        %dma_wait3A_64 = arith.constant 0 : i32
        %dma_wait3A_65 = tpu.memref_slice %arg8[%add3A_34, %dma_wait3A_64] : memref<16x80xi32, #tpu.memory_space<vmem>> -> memref<1x80xi32, #tpu.memory_space<vmem>>
        %dma_wait3A_66 = tpu.memref_squeeze %dma_wait3A_65 : memref<1x80xi32, #tpu.memory_space<vmem>> -> memref<80xi32, #tpu.memory_space<vmem>>
        %dma_wait3A_67 = arith.constant 0 : i32
        %dma_wait3A_68 = arith.constant 0 : i32
        %dma_wait3A_69 = tpu.memref_slice %arg2[%dma_wait3A_67, %dma_wait3A_68] : memref<10240x128xf32, #tpu.memory_space<hbm>> -> memref<10240x128xf32, #tpu.memory_space<hbm>>
        tpu.wait_indirect_dma semaphore(%arg15 : memref<!tpu.dma_semaphore, #tpu.memory_space<semaphore_mem>>) src(%dma_wait3A_69 : memref<10240x128xf32, #tpu.memory_space<hbm>>) dst(%arg11 : memref<80x128xf32, #tpu.memory_space<vmem>>)
        %add3A_70 = arith.constant 1 : i32
        %add3A_71 = arith.addi %mul3A_25, %add3A_70 : i32
        "tpu.region"() ({
          %run_scoped3A = tpu.sem_alloc : memref<!tpu.dma_semaphore, #tpu.memory_space<semaphore_mem>>
          %dma_start3A_88 = arith.constant 0 : i32
          %dma_start3A_89 = tpu.memref_slice %arg9[%add3A_71, %dma_start3A_88] : memref<16x80xi32, #tpu.memory_space<vmem>> -> memref<1x80xi32, #tpu.memory_space<vmem>>
          %dma_start3A_90 = tpu.memref_squeeze %dma_start3A_89 : memref<1x80xi32, #tpu.memory_space<vmem>> -> memref<80xi32, #tpu.memory_space<vmem>>
          %dma_start3A_91 = arith.constant 0 : i32
          %dma_start3A_92 = arith.constant 0 : i32
          %dma_start3A_93 = tpu.memref_slice %arg7[%dma_start3A_91, %dma_start3A_92] : memref<10240x128xf32, #tpu.memory_space<vmem_shared>> -> memref<10240x128xf32, #tpu.memory_space<vmem_shared>>
          tpu.enqueue_indirect_dma source(%arg11 : memref<80x128xf32, #tpu.memory_space<vmem>>) target(%dma_start3A_93 : memref<10240x128xf32, #tpu.memory_space<vmem_shared>>) offsets(%dma_start3A_90 : memref<80xi32, #tpu.memory_space<vmem>>) semaphore(%run_scoped3A : memref<!tpu.dma_semaphore, #tpu.memory_space<semaphore_mem>>) {add = true}
          %dma_wait3A_94 = arith.constant 0 : i32
          %dma_wait3A_95 = tpu.memref_slice %arg9[%add3A_71, %dma_wait3A_94] : memref<16x80xi32, #tpu.memory_space<vmem>> -> memref<1x80xi32, #tpu.memory_space<vmem>>
          %dma_wait3A_96 = tpu.memref_squeeze %dma_wait3A_95 : memref<1x80xi32, #tpu.memory_space<vmem>> -> memref<80xi32, #tpu.memory_space<vmem>>
          %dma_wait3A_97 = arith.constant 0 : i32
          %dma_wait3A_98 = arith.constant 0 : i32
          %dma_wait3A_99 = tpu.memref_slice %arg7[%dma_wait3A_97, %dma_wait3A_98] : memref<10240x128xf32, #tpu.memory_space<vmem_shared>> -> memref<10240x128xf32, #tpu.memory_space<vmem_shared>>
          tpu.wait_indirect_dma semaphore(%run_scoped3A : memref<!tpu.dma_semaphore, #tpu.memory_space<semaphore_mem>>) src(%arg11 : memref<80x128xf32, #tpu.memory_space<vmem>>) dst(%dma_wait3A_99 : memref<10240x128xf32, #tpu.memory_space<vmem_shared>>)
          tpu.yield
        }) : () -> ()
        %dma_wait3A_72 = arith.constant 0 : i32
        %dma_wait3A_73 = tpu.memref_slice %arg8[%add3A_42, %dma_wait3A_72] : memref<16x80xi32, #tpu.memory_space<vmem>> -> memref<1x80xi32, #tpu.memory_space<vmem>>
        %dma_wait3A_74 = tpu.memref_squeeze %dma_wait3A_73 : memref<1x80xi32, #tpu.memory_space<vmem>> -> memref<80xi32, #tpu.memory_space<vmem>>
        %dma_wait3A_75 = arith.constant 0 : i32
        %dma_wait3A_76 = arith.constant 0 : i32
        %dma_wait3A_77 = tpu.memref_slice %arg2[%dma_wait3A_75, %dma_wait3A_76] : memref<10240x128xf32, #tpu.memory_space<hbm>> -> memref<10240x128xf32, #tpu.memory_space<hbm>>
        tpu.wait_indirect_dma semaphore(%arg16 : memref<!tpu.dma_semaphore, #tpu.memory_space<semaphore_mem>>) src(%dma_wait3A_77 : memref<10240x128xf32, #tpu.memory_space<hbm>>) dst(%arg12 : memref<80x128xf32, #tpu.memory_space<vmem>>)
        %add3A_78 = arith.constant 2 : i32
        %add3A_79 = arith.addi %mul3A_25, %add3A_78 : i32
        "tpu.region"() ({
          %run_scoped3A = tpu.sem_alloc : memref<!tpu.dma_semaphore, #tpu.memory_space<semaphore_mem>>
          %dma_start3A_88 = arith.constant 0 : i32
          %dma_start3A_89 = tpu.memref_slice %arg9[%add3A_79, %dma_start3A_88] : memref<16x80xi32, #tpu.memory_space<vmem>> -> memref<1x80xi32, #tpu.memory_space<vmem>>
          %dma_start3A_90 = tpu.memref_squeeze %dma_start3A_89 : memref<1x80xi32, #tpu.memory_space<vmem>> -> memref<80xi32, #tpu.memory_space<vmem>>
          %dma_start3A_91 = arith.constant 0 : i32
          %dma_start3A_92 = arith.constant 0 : i32
          %dma_start3A_93 = tpu.memref_slice %arg7[%dma_start3A_91, %dma_start3A_92] : memref<10240x128xf32, #tpu.memory_space<vmem_shared>> -> memref<10240x128xf32, #tpu.memory_space<vmem_shared>>
          tpu.enqueue_indirect_dma source(%arg12 : memref<80x128xf32, #tpu.memory_space<vmem>>) target(%dma_start3A_93 : memref<10240x128xf32, #tpu.memory_space<vmem_shared>>) offsets(%dma_start3A_90 : memref<80xi32, #tpu.memory_space<vmem>>) semaphore(%run_scoped3A : memref<!tpu.dma_semaphore, #tpu.memory_space<semaphore_mem>>) {add = true}
          %dma_wait3A_94 = arith.constant 0 : i32
          %dma_wait3A_95 = tpu.memref_slice %arg9[%add3A_79, %dma_wait3A_94] : memref<16x80xi32, #tpu.memory_space<vmem>> -> memref<1x80xi32, #tpu.memory_space<vmem>>
          %dma_wait3A_96 = tpu.memref_squeeze %dma_wait3A_95 : memref<1x80xi32, #tpu.memory_space<vmem>> -> memref<80xi32, #tpu.memory_space<vmem>>
          %dma_wait3A_97 = arith.constant 0 : i32
          %dma_wait3A_98 = arith.constant 0 : i32
          %dma_wait3A_99 = tpu.memref_slice %arg7[%dma_wait3A_97, %dma_wait3A_98] : memref<10240x128xf32, #tpu.memory_space<vmem_shared>> -> memref<10240x128xf32, #tpu.memory_space<vmem_shared>>
          tpu.wait_indirect_dma semaphore(%run_scoped3A : memref<!tpu.dma_semaphore, #tpu.memory_space<semaphore_mem>>) src(%arg12 : memref<80x128xf32, #tpu.memory_space<vmem>>) dst(%dma_wait3A_99 : memref<10240x128xf32, #tpu.memory_space<vmem_shared>>)
          tpu.yield
        }) : () -> ()
        %dma_wait3A_80 = arith.constant 0 : i32
        %dma_wait3A_81 = tpu.memref_slice %arg8[%add3A_50, %dma_wait3A_80] : memref<16x80xi32, #tpu.memory_space<vmem>> -> memref<1x80xi32, #tpu.memory_space<vmem>>
        %dma_wait3A_82 = tpu.memref_squeeze %dma_wait3A_81 : memref<1x80xi32, #tpu.memory_space<vmem>> -> memref<80xi32, #tpu.memory_space<vmem>>
        %dma_wait3A_83 = arith.constant 0 : i32
        %dma_wait3A_84 = arith.constant 0 : i32
        %dma_wait3A_85 = tpu.memref_slice %arg2[%dma_wait3A_83, %dma_wait3A_84] : memref<10240x128xf32, #tpu.memory_space<hbm>> -> memref<10240x128xf32, #tpu.memory_space<hbm>>
        tpu.wait_indirect_dma semaphore(%arg17 : memref<!tpu.dma_semaphore, #tpu.memory_space<semaphore_mem>>) src(%dma_wait3A_85 : memref<10240x128xf32, #tpu.memory_space<hbm>>) dst(%arg13 : memref<80x128xf32, #tpu.memory_space<vmem>>)
        %add3A_86 = arith.constant 3 : i32
        %add3A_87 = arith.addi %mul3A_25, %add3A_86 : i32
        "tpu.region"() ({
          %run_scoped3A = tpu.sem_alloc : memref<!tpu.dma_semaphore, #tpu.memory_space<semaphore_mem>>
          %dma_start3A_88 = arith.constant 0 : i32
          %dma_start3A_89 = tpu.memref_slice %arg9[%add3A_87, %dma_start3A_88] : memref<16x80xi32, #tpu.memory_space<vmem>> -> memref<1x80xi32, #tpu.memory_space<vmem>>
          %dma_start3A_90 = tpu.memref_squeeze %dma_start3A_89 : memref<1x80xi32, #tpu.memory_space<vmem>> -> memref<80xi32, #tpu.memory_space<vmem>>
          %dma_start3A_91 = arith.constant 0 : i32
          %dma_start3A_92 = arith.constant 0 : i32
          %dma_start3A_93 = tpu.memref_slice %arg7[%dma_start3A_91, %dma_start3A_92] : memref<10240x128xf32, #tpu.memory_space<vmem_shared>> -> memref<10240x128xf32, #tpu.memory_space<vmem_shared>>
          tpu.enqueue_indirect_dma source(%arg13 : memref<80x128xf32, #tpu.memory_space<vmem>>) target(%dma_start3A_93 : memref<10240x128xf32, #tpu.memory_space<vmem_shared>>) offsets(%dma_start3A_90 : memref<80xi32, #tpu.memory_space<vmem>>) semaphore(%run_scoped3A : memref<!tpu.dma_semaphore, #tpu.memory_space<semaphore_mem>>) {add = true}
          %dma_wait3A_94 = arith.constant 0 : i32
          %dma_wait3A_95 = tpu.memref_slice %arg9[%add3A_87, %dma_wait3A_94] : memref<16x80xi32, #tpu.memory_space<vmem>> -> memref<1x80xi32, #tpu.memory_space<vmem>>
          %dma_wait3A_96 = tpu.memref_squeeze %dma_wait3A_95 : memref<1x80xi32, #tpu.memory_space<vmem>> -> memref<80xi32, #tpu.memory_space<vmem>>
          %dma_wait3A_97 = arith.constant 0 : i32
          %dma_wait3A_98 = arith.constant 0 : i32
          %dma_wait3A_99 = tpu.memref_slice %arg7[%dma_wait3A_97, %dma_wait3A_98] : memref<10240x128xf32, #tpu.memory_space<vmem_shared>> -> memref<10240x128xf32, #tpu.memory_space<vmem_shared>>
          tpu.wait_indirect_dma semaphore(%run_scoped3A : memref<!tpu.dma_semaphore, #tpu.memory_space<semaphore_mem>>) src(%arg13 : memref<80x128xf32, #tpu.memory_space<vmem>>) dst(%dma_wait3A_99 : memref<10240x128xf32, #tpu.memory_space<vmem_shared>>)
          tpu.yield
        }) : () -> ()
      }
      %scan3A_22 = arith.constant 4 : i32
    }
    %scan3A_9 = arith.constant 8 : i32
    %barrier3A_10 = arith.constant 0 : index
    tpu.barrier barrier_id(%barrier3A_10)
    "tpu.region"() ({
      %run_scoped3A = tpu.sem_alloc : memref<!tpu.dma_semaphore, #tpu.memory_space<semaphore_mem>>
      %dma_start3A = arith.constant 0 : i32
      %dma_start3A_11 = tpu.memref_slice %arg6[%arg0, %mul3A_0, %dma_start3A] : memref<2x10240x128xf32, #tpu.memory_space<hbm>> -> memref<1x640x128xf32, #tpu.memory_space<hbm>>
      %dma_start3A_12 = tpu.memref_squeeze %dma_start3A_11 : memref<1x640x128xf32, #tpu.memory_space<hbm>> -> memref<640x128xf32, #tpu.memory_space<hbm>>
      %dma_start3A_13 = arith.constant 0 : i32
      %dma_start3A_14 = tpu.memref_slice %arg7[%mul3A_0, %dma_start3A_13] : memref<10240x128xf32, #tpu.memory_space<vmem_shared>> -> memref<640x128xf32, #tpu.memory_space<vmem_shared>>
      tpu.enqueue_dma source(%dma_start3A_14 : memref<640x128xf32, #tpu.memory_space<vmem_shared>>) target(%dma_start3A_12 : memref<640x128xf32, #tpu.memory_space<hbm>>) target_semaphore(%run_scoped3A : memref<!tpu.dma_semaphore, #tpu.memory_space<semaphore_mem>>)
      %dma_wait3A = arith.constant 0 : i32
      %dma_wait3A_15 = tpu.memref_slice %arg6[%arg0, %mul3A_0, %dma_wait3A] : memref<2x10240x128xf32, #tpu.memory_space<hbm>> -> memref<1x640x128xf32, #tpu.memory_space<hbm>>
      %dma_wait3A_16 = tpu.memref_squeeze %dma_wait3A_15 : memref<1x640x128xf32, #tpu.memory_space<hbm>> -> memref<640x128xf32, #tpu.memory_space<hbm>>
      %dma_wait3A_17 = arith.constant 0 : i32
      %dma_wait3A_18 = tpu.memref_slice %arg7[%mul3A_0, %dma_wait3A_17] : memref<10240x128xf32, #tpu.memory_space<vmem_shared>> -> memref<640x128xf32, #tpu.memory_space<vmem_shared>>
      tpu.wait_dma2 semaphore(%run_scoped3A : memref<!tpu.dma_semaphore, #tpu.memory_space<semaphore_mem>>) src(%dma_wait3A_18 : memref<640x128xf32, #tpu.memory_space<vmem_shared>>) dst(%dma_wait3A_16 : memref<640x128xf32, #tpu.memory_space<hbm>>)
      tpu.yield
    }) : () -> ()
    return
  }
}

#map = affine_map<(d0, d1) -> (0, 0)>
#map1 = affine_map<(d0, d1) -> (0, 0, 0)>
module attributes {stable_mosaic.version = 14 : i64} {
  func.func @agg(%arg0: i32, %arg1: i32, %arg2: memref<10240x128xf32, #tpu.memory_space<hbm>>, %arg3: memref<256x80xi32, #tpu.memory_space<hbm>>, %arg4: memref<256x80xi32, #tpu.memory_space<hbm>>, %arg5: memref<640x128xf32, #tpu.memory_space<hbm>>, %arg6: memref<2x10240x128xf32, #tpu.memory_space<hbm>>, %arg7: memref<10240x128xf32, #tpu.memory_space<vmem_shared>>, %arg8: memref<8x80xi32, #tpu.memory_space<vmem>>, %arg9: memref<8x80xi32, #tpu.memory_space<vmem>>, %arg10: memref<80x128xf32, #tpu.memory_space<vmem>>, %arg11: memref<80x128xf32, #tpu.memory_space<vmem>>, %arg12: memref<80x128xf32, #tpu.memory_space<vmem>>, %arg13: memref<80x128xf32, #tpu.memory_space<vmem>>, %arg14: memref<!tpu.dma_semaphore, #tpu.memory_space<semaphore_mem>>, %arg15: memref<!tpu.dma_semaphore, #tpu.memory_space<semaphore_mem>>, %arg16: memref<!tpu.dma_semaphore, #tpu.memory_space<semaphore_mem>>, %arg17: memref<!tpu.dma_semaphore, #tpu.memory_space<semaphore_mem>>) attributes {dimension_semantics = [#tpu.dimension_semantics<core_parallel>, #tpu.dimension_semantics<subcore_parallel>], iteration_bounds = array<i64: 2, 16>, scalar_prefetch = 0 : i64, scratch_operands = 11 : i64, tpu.core_type = #tpu.core_type<sc_vector_subcore>, window_params = [{transform_indices = #map}, {transform_indices = #map}, {transform_indices = #map}, {transform_indices = #map}, {transform_indices = #map1}]} {
    %mul3A = arith.constant 640 : i32
    %mul3A_0 = arith.muli %arg1, %mul3A : i32
    %mul3A_1 = arith.constant 16 : i32
    %mul3A_2 = arith.muli %arg0, %mul3A_1 : i32
    %add3A = arith.addi %mul3A_2, %arg1 : i32
    %mul3A_3 = arith.constant 8 : i32
    %mul3A_4 = arith.muli %add3A, %mul3A_3 : i32
    "tpu.region"() ({
      %run_scoped3A = tpu.sem_alloc : memref<!tpu.dma_semaphore, #tpu.memory_space<semaphore_mem>>
      %dma_start3A = arith.constant 0 : i32
      %dma_start3A_19 = tpu.memref_slice %arg7[%mul3A_0, %dma_start3A] : memref<10240x128xf32, #tpu.memory_space<vmem_shared>> -> memref<640x128xf32, #tpu.memory_space<vmem_shared>>
      tpu.enqueue_dma source(%arg5 : memref<640x128xf32, #tpu.memory_space<hbm>>) target(%dma_start3A_19 : memref<640x128xf32, #tpu.memory_space<vmem_shared>>) target_semaphore(%run_scoped3A : memref<!tpu.dma_semaphore, #tpu.memory_space<semaphore_mem>>)
      %dma_wait3A = arith.constant 0 : i32
      %dma_wait3A_20 = tpu.memref_slice %arg7[%mul3A_0, %dma_wait3A] : memref<10240x128xf32, #tpu.memory_space<vmem_shared>> -> memref<640x128xf32, #tpu.memory_space<vmem_shared>>
      tpu.wait_dma2 semaphore(%run_scoped3A : memref<!tpu.dma_semaphore, #tpu.memory_space<semaphore_mem>>) src(%arg5 : memref<640x128xf32, #tpu.memory_space<hbm>>) dst(%dma_wait3A_20 : memref<640x128xf32, #tpu.memory_space<vmem_shared>>)
      tpu.yield
    }) : () -> ()
    %barrier3A = arith.constant 0 : index
    tpu.barrier barrier_id(%barrier3A)
    %scan3A = arith.constant 0 : i32
    %scan3A_5 = arith.constant 0 : i32
    %mul3A_6 = arith.constant 8 : i32
    %mul3A_7 = arith.muli %scan3A_5, %mul3A_6 : i32
    %add3A_8 = arith.addi %mul3A_4, %mul3A_7 : i32
    "tpu.region"() ({
      %run_scoped3A = tpu.sem_alloc : memref<!tpu.dma_semaphore, #tpu.memory_space<semaphore_mem>>
      %dma_start3A = arith.constant 0 : i32
      %dma_start3A_19 = tpu.memref_slice %arg3[%add3A_8, %dma_start3A] : memref<256x80xi32, #tpu.memory_space<hbm>> -> memref<8x80xi32, #tpu.memory_space<hbm>>
      %dma_start3A_20 = arith.constant 0 : i32
      %dma_start3A_21 = tpu.memref_slice %arg3[%add3A_8, %dma_start3A_20] : memref<256x80xi32, #tpu.memory_space<hbm>> -> memref<8x80xi32, #tpu.memory_space<hbm>>
      tpu.enqueue_dma source(%dma_start3A_21 : memref<8x80xi32, #tpu.memory_space<hbm>>) target(%arg8 : memref<8x80xi32, #tpu.memory_space<vmem>>) target_semaphore(%run_scoped3A : memref<!tpu.dma_semaphore, #tpu.memory_space<semaphore_mem>>)
      %dma_wait3A = arith.constant 0 : i32
      %dma_wait3A_22 = tpu.memref_slice %arg3[%add3A_8, %dma_wait3A] : memref<256x80xi32, #tpu.memory_space<hbm>> -> memref<8x80xi32, #tpu.memory_space<hbm>>
      %dma_wait3A_23 = arith.constant 0 : i32
      %dma_wait3A_24 = tpu.memref_slice %arg3[%add3A_8, %dma_wait3A_23] : memref<256x80xi32, #tpu.memory_space<hbm>> -> memref<8x80xi32, #tpu.memory_space<hbm>>
      tpu.wait_dma2 semaphore(%run_scoped3A : memref<!tpu.dma_semaphore, #tpu.memory_space<semaphore_mem>>) src(%dma_wait3A_24 : memref<8x80xi32, #tpu.memory_space<hbm>>) dst(%arg8 : memref<8x80xi32, #tpu.memory_space<vmem>>)
      tpu.yield
    }) : () -> ()
    %mul3A_9 = arith.constant 8 : i32
    %mul3A_10 = arith.muli %scan3A_5, %mul3A_9 : i32
    %add3A_11 = arith.addi %mul3A_4, %mul3A_10 : i32
    "tpu.region"() ({
      %run_scoped3A = tpu.sem_alloc : memref<!tpu.dma_semaphore, #tpu.memory_space<semaphore_mem>>
      %dma_start3A = arith.constant 0 : i32
      %dma_start3A_19 = tpu.memref_slice %arg4[%add3A_11, %dma_start3A] : memref<256x80xi32, #tpu.memory_space<hbm>> -> memref<8x80xi32, #tpu.memory_space<hbm>>
      %dma_start3A_20 = arith.constant 0 : i32
      %dma_start3A_21 = tpu.memref_slice %arg4[%add3A_11, %dma_start3A_20] : memref<256x80xi32, #tpu.memory_space<hbm>> -> memref<8x80xi32, #tpu.memory_space<hbm>>
      tpu.enqueue_dma source(%dma_start3A_21 : memref<8x80xi32, #tpu.memory_space<hbm>>) target(%arg9 : memref<8x80xi32, #tpu.memory_space<vmem>>) target_semaphore(%run_scoped3A : memref<!tpu.dma_semaphore, #tpu.memory_space<semaphore_mem>>)
      %dma_wait3A = arith.constant 0 : i32
      %dma_wait3A_22 = tpu.memref_slice %arg4[%add3A_11, %dma_wait3A] : memref<256x80xi32, #tpu.memory_space<hbm>> -> memref<8x80xi32, #tpu.memory_space<hbm>>
      %dma_wait3A_23 = arith.constant 0 : i32
      %dma_wait3A_24 = tpu.memref_slice %arg4[%add3A_11, %dma_wait3A_23] : memref<256x80xi32, #tpu.memory_space<hbm>> -> memref<8x80xi32, #tpu.memory_space<hbm>>
      tpu.wait_dma2 semaphore(%run_scoped3A : memref<!tpu.dma_semaphore, #tpu.memory_space<semaphore_mem>>) src(%dma_wait3A_24 : memref<8x80xi32, #tpu.memory_space<hbm>>) dst(%arg9 : memref<8x80xi32, #tpu.memory_space<vmem>>)
      tpu.yield
    }) : () -> ()
    %scan3A_12 = arith.constant 0 : i32
    %scan3A_13 = arith.constant 2 : i32
    %scan3A_14 = arith.addi %scan3A_12, %scan3A_13 : i32
    %scan3A_15 = arith.constant 1 : i32
    scf.for %scan3A_19 = %scan3A_12 to %scan3A_14 step %scan3A_15  : i32 {
      %mul3A_20 = arith.constant 4 : i32
      %mul3A_21 = arith.muli %scan3A_19, %mul3A_20 : i32
      %add3A_22 = arith.constant 0 : i32
      %add3A_23 = arith.addi %mul3A_21, %add3A_22 : i32
      %dma_start3A = arith.constant 0 : i32
      %dma_start3A_24 = tpu.memref_slice %arg8[%add3A_23, %dma_start3A] : memref<8x80xi32, #tpu.memory_space<vmem>> -> memref<1x80xi32, #tpu.memory_space<vmem>>
      %dma_start3A_25 = tpu.memref_squeeze %dma_start3A_24 : memref<1x80xi32, #tpu.memory_space<vmem>> -> memref<80xi32, #tpu.memory_space<vmem>>
      %dma_start3A_26 = arith.constant 0 : i32
      %dma_start3A_27 = arith.constant 0 : i32
      %dma_start3A_28 = tpu.memref_slice %arg2[%dma_start3A_26, %dma_start3A_27] : memref<10240x128xf32, #tpu.memory_space<hbm>> -> memref<10240x128xf32, #tpu.memory_space<hbm>>
      tpu.enqueue_indirect_dma source(%dma_start3A_28 : memref<10240x128xf32, #tpu.memory_space<hbm>>) target(%arg10 : memref<80x128xf32, #tpu.memory_space<vmem>>) offsets(%dma_start3A_25 : memref<80xi32, #tpu.memory_space<vmem>>) semaphore(%arg14 : memref<!tpu.dma_semaphore, #tpu.memory_space<semaphore_mem>>)
      %add3A_29 = arith.constant 1 : i32
      %add3A_30 = arith.addi %mul3A_21, %add3A_29 : i32
      %dma_start3A_31 = arith.constant 0 : i32
      %dma_start3A_32 = tpu.memref_slice %arg8[%add3A_30, %dma_start3A_31] : memref<8x80xi32, #tpu.memory_space<vmem>> -> memref<1x80xi32, #tpu.memory_space<vmem>>
      %dma_start3A_33 = tpu.memref_squeeze %dma_start3A_32 : memref<1x80xi32, #tpu.memory_space<vmem>> -> memref<80xi32, #tpu.memory_space<vmem>>
      %dma_start3A_34 = arith.constant 0 : i32
      %dma_start3A_35 = arith.constant 0 : i32
      %dma_start3A_36 = tpu.memref_slice %arg2[%dma_start3A_34, %dma_start3A_35] : memref<10240x128xf32, #tpu.memory_space<hbm>> -> memref<10240x128xf32, #tpu.memory_space<hbm>>
      tpu.enqueue_indirect_dma source(%dma_start3A_36 : memref<10240x128xf32, #tpu.memory_space<hbm>>) target(%arg11 : memref<80x128xf32, #tpu.memory_space<vmem>>) offsets(%dma_start3A_33 : memref<80xi32, #tpu.memory_space<vmem>>) semaphore(%arg15 : memref<!tpu.dma_semaphore, #tpu.memory_space<semaphore_mem>>)
      %add3A_37 = arith.constant 2 : i32
      %add3A_38 = arith.addi %mul3A_21, %add3A_37 : i32
      %dma_start3A_39 = arith.constant 0 : i32
      %dma_start3A_40 = tpu.memref_slice %arg8[%add3A_38, %dma_start3A_39] : memref<8x80xi32, #tpu.memory_space<vmem>> -> memref<1x80xi32, #tpu.memory_space<vmem>>
      %dma_start3A_41 = tpu.memref_squeeze %dma_start3A_40 : memref<1x80xi32, #tpu.memory_space<vmem>> -> memref<80xi32, #tpu.memory_space<vmem>>
      %dma_start3A_42 = arith.constant 0 : i32
      %dma_start3A_43 = arith.constant 0 : i32
      %dma_start3A_44 = tpu.memref_slice %arg2[%dma_start3A_42, %dma_start3A_43] : memref<10240x128xf32, #tpu.memory_space<hbm>> -> memref<10240x128xf32, #tpu.memory_space<hbm>>
      tpu.enqueue_indirect_dma source(%dma_start3A_44 : memref<10240x128xf32, #tpu.memory_space<hbm>>) target(%arg12 : memref<80x128xf32, #tpu.memory_space<vmem>>) offsets(%dma_start3A_41 : memref<80xi32, #tpu.memory_space<vmem>>) semaphore(%arg16 : memref<!tpu.dma_semaphore, #tpu.memory_space<semaphore_mem>>)
      %add3A_45 = arith.constant 3 : i32
      %add3A_46 = arith.addi %mul3A_21, %add3A_45 : i32
      %dma_start3A_47 = arith.constant 0 : i32
      %dma_start3A_48 = tpu.memref_slice %arg8[%add3A_46, %dma_start3A_47] : memref<8x80xi32, #tpu.memory_space<vmem>> -> memref<1x80xi32, #tpu.memory_space<vmem>>
      %dma_start3A_49 = tpu.memref_squeeze %dma_start3A_48 : memref<1x80xi32, #tpu.memory_space<vmem>> -> memref<80xi32, #tpu.memory_space<vmem>>
      %dma_start3A_50 = arith.constant 0 : i32
      %dma_start3A_51 = arith.constant 0 : i32
      %dma_start3A_52 = tpu.memref_slice %arg2[%dma_start3A_50, %dma_start3A_51] : memref<10240x128xf32, #tpu.memory_space<hbm>> -> memref<10240x128xf32, #tpu.memory_space<hbm>>
      tpu.enqueue_indirect_dma source(%dma_start3A_52 : memref<10240x128xf32, #tpu.memory_space<hbm>>) target(%arg13 : memref<80x128xf32, #tpu.memory_space<vmem>>) offsets(%dma_start3A_49 : memref<80xi32, #tpu.memory_space<vmem>>) semaphore(%arg17 : memref<!tpu.dma_semaphore, #tpu.memory_space<semaphore_mem>>)
      %dma_wait3A = arith.constant 0 : i32
      %dma_wait3A_53 = tpu.memref_slice %arg8[%add3A_23, %dma_wait3A] : memref<8x80xi32, #tpu.memory_space<vmem>> -> memref<1x80xi32, #tpu.memory_space<vmem>>
      %dma_wait3A_54 = tpu.memref_squeeze %dma_wait3A_53 : memref<1x80xi32, #tpu.memory_space<vmem>> -> memref<80xi32, #tpu.memory_space<vmem>>
      %dma_wait3A_55 = arith.constant 0 : i32
      %dma_wait3A_56 = arith.constant 0 : i32
      %dma_wait3A_57 = tpu.memref_slice %arg2[%dma_wait3A_55, %dma_wait3A_56] : memref<10240x128xf32, #tpu.memory_space<hbm>> -> memref<10240x128xf32, #tpu.memory_space<hbm>>
      tpu.wait_indirect_dma semaphore(%arg14 : memref<!tpu.dma_semaphore, #tpu.memory_space<semaphore_mem>>) src(%dma_wait3A_57 : memref<10240x128xf32, #tpu.memory_space<hbm>>) dst(%arg10 : memref<80x128xf32, #tpu.memory_space<vmem>>)
      %add3A_58 = arith.constant 0 : i32
      %add3A_59 = arith.addi %mul3A_21, %add3A_58 : i32
      "tpu.region"() ({
        %run_scoped3A = tpu.sem_alloc : memref<!tpu.dma_semaphore, #tpu.memory_space<semaphore_mem>>
        %dma_start3A_84 = arith.constant 0 : i32
        %dma_start3A_85 = tpu.memref_slice %arg9[%add3A_59, %dma_start3A_84] : memref<8x80xi32, #tpu.memory_space<vmem>> -> memref<1x80xi32, #tpu.memory_space<vmem>>
        %dma_start3A_86 = tpu.memref_squeeze %dma_start3A_85 : memref<1x80xi32, #tpu.memory_space<vmem>> -> memref<80xi32, #tpu.memory_space<vmem>>
        %dma_start3A_87 = arith.constant 0 : i32
        %dma_start3A_88 = arith.constant 0 : i32
        %dma_start3A_89 = tpu.memref_slice %arg7[%dma_start3A_87, %dma_start3A_88] : memref<10240x128xf32, #tpu.memory_space<vmem_shared>> -> memref<10240x128xf32, #tpu.memory_space<vmem_shared>>
        tpu.enqueue_indirect_dma source(%arg10 : memref<80x128xf32, #tpu.memory_space<vmem>>) target(%dma_start3A_89 : memref<10240x128xf32, #tpu.memory_space<vmem_shared>>) offsets(%dma_start3A_86 : memref<80xi32, #tpu.memory_space<vmem>>) semaphore(%run_scoped3A : memref<!tpu.dma_semaphore, #tpu.memory_space<semaphore_mem>>) {add = true}
        %dma_wait3A_90 = arith.constant 0 : i32
        %dma_wait3A_91 = tpu.memref_slice %arg9[%add3A_59, %dma_wait3A_90] : memref<8x80xi32, #tpu.memory_space<vmem>> -> memref<1x80xi32, #tpu.memory_space<vmem>>
        %dma_wait3A_92 = tpu.memref_squeeze %dma_wait3A_91 : memref<1x80xi32, #tpu.memory_space<vmem>> -> memref<80xi32, #tpu.memory_space<vmem>>
        %dma_wait3A_93 = arith.constant 0 : i32
        %dma_wait3A_94 = arith.constant 0 : i32
        %dma_wait3A_95 = tpu.memref_slice %arg7[%dma_wait3A_93, %dma_wait3A_94] : memref<10240x128xf32, #tpu.memory_space<vmem_shared>> -> memref<10240x128xf32, #tpu.memory_space<vmem_shared>>
        tpu.wait_indirect_dma semaphore(%run_scoped3A : memref<!tpu.dma_semaphore, #tpu.memory_space<semaphore_mem>>) src(%arg10 : memref<80x128xf32, #tpu.memory_space<vmem>>) dst(%dma_wait3A_95 : memref<10240x128xf32, #tpu.memory_space<vmem_shared>>)
        tpu.yield
      }) : () -> ()
      %dma_wait3A_60 = arith.constant 0 : i32
      %dma_wait3A_61 = tpu.memref_slice %arg8[%add3A_30, %dma_wait3A_60] : memref<8x80xi32, #tpu.memory_space<vmem>> -> memref<1x80xi32, #tpu.memory_space<vmem>>
      %dma_wait3A_62 = tpu.memref_squeeze %dma_wait3A_61 : memref<1x80xi32, #tpu.memory_space<vmem>> -> memref<80xi32, #tpu.memory_space<vmem>>
      %dma_wait3A_63 = arith.constant 0 : i32
      %dma_wait3A_64 = arith.constant 0 : i32
      %dma_wait3A_65 = tpu.memref_slice %arg2[%dma_wait3A_63, %dma_wait3A_64] : memref<10240x128xf32, #tpu.memory_space<hbm>> -> memref<10240x128xf32, #tpu.memory_space<hbm>>
      tpu.wait_indirect_dma semaphore(%arg15 : memref<!tpu.dma_semaphore, #tpu.memory_space<semaphore_mem>>) src(%dma_wait3A_65 : memref<10240x128xf32, #tpu.memory_space<hbm>>) dst(%arg11 : memref<80x128xf32, #tpu.memory_space<vmem>>)
      %add3A_66 = arith.constant 1 : i32
      %add3A_67 = arith.addi %mul3A_21, %add3A_66 : i32
      "tpu.region"() ({
        %run_scoped3A = tpu.sem_alloc : memref<!tpu.dma_semaphore, #tpu.memory_space<semaphore_mem>>
        %dma_start3A_84 = arith.constant 0 : i32
        %dma_start3A_85 = tpu.memref_slice %arg9[%add3A_67, %dma_start3A_84] : memref<8x80xi32, #tpu.memory_space<vmem>> -> memref<1x80xi32, #tpu.memory_space<vmem>>
        %dma_start3A_86 = tpu.memref_squeeze %dma_start3A_85 : memref<1x80xi32, #tpu.memory_space<vmem>> -> memref<80xi32, #tpu.memory_space<vmem>>
        %dma_start3A_87 = arith.constant 0 : i32
        %dma_start3A_88 = arith.constant 0 : i32
        %dma_start3A_89 = tpu.memref_slice %arg7[%dma_start3A_87, %dma_start3A_88] : memref<10240x128xf32, #tpu.memory_space<vmem_shared>> -> memref<10240x128xf32, #tpu.memory_space<vmem_shared>>
        tpu.enqueue_indirect_dma source(%arg11 : memref<80x128xf32, #tpu.memory_space<vmem>>) target(%dma_start3A_89 : memref<10240x128xf32, #tpu.memory_space<vmem_shared>>) offsets(%dma_start3A_86 : memref<80xi32, #tpu.memory_space<vmem>>) semaphore(%run_scoped3A : memref<!tpu.dma_semaphore, #tpu.memory_space<semaphore_mem>>) {add = true}
        %dma_wait3A_90 = arith.constant 0 : i32
        %dma_wait3A_91 = tpu.memref_slice %arg9[%add3A_67, %dma_wait3A_90] : memref<8x80xi32, #tpu.memory_space<vmem>> -> memref<1x80xi32, #tpu.memory_space<vmem>>
        %dma_wait3A_92 = tpu.memref_squeeze %dma_wait3A_91 : memref<1x80xi32, #tpu.memory_space<vmem>> -> memref<80xi32, #tpu.memory_space<vmem>>
        %dma_wait3A_93 = arith.constant 0 : i32
        %dma_wait3A_94 = arith.constant 0 : i32
        %dma_wait3A_95 = tpu.memref_slice %arg7[%dma_wait3A_93, %dma_wait3A_94] : memref<10240x128xf32, #tpu.memory_space<vmem_shared>> -> memref<10240x128xf32, #tpu.memory_space<vmem_shared>>
        tpu.wait_indirect_dma semaphore(%run_scoped3A : memref<!tpu.dma_semaphore, #tpu.memory_space<semaphore_mem>>) src(%arg11 : memref<80x128xf32, #tpu.memory_space<vmem>>) dst(%dma_wait3A_95 : memref<10240x128xf32, #tpu.memory_space<vmem_shared>>)
        tpu.yield
      }) : () -> ()
      %dma_wait3A_68 = arith.constant 0 : i32
      %dma_wait3A_69 = tpu.memref_slice %arg8[%add3A_38, %dma_wait3A_68] : memref<8x80xi32, #tpu.memory_space<vmem>> -> memref<1x80xi32, #tpu.memory_space<vmem>>
      %dma_wait3A_70 = tpu.memref_squeeze %dma_wait3A_69 : memref<1x80xi32, #tpu.memory_space<vmem>> -> memref<80xi32, #tpu.memory_space<vmem>>
      %dma_wait3A_71 = arith.constant 0 : i32
      %dma_wait3A_72 = arith.constant 0 : i32
      %dma_wait3A_73 = tpu.memref_slice %arg2[%dma_wait3A_71, %dma_wait3A_72] : memref<10240x128xf32, #tpu.memory_space<hbm>> -> memref<10240x128xf32, #tpu.memory_space<hbm>>
      tpu.wait_indirect_dma semaphore(%arg16 : memref<!tpu.dma_semaphore, #tpu.memory_space<semaphore_mem>>) src(%dma_wait3A_73 : memref<10240x128xf32, #tpu.memory_space<hbm>>) dst(%arg12 : memref<80x128xf32, #tpu.memory_space<vmem>>)
      %add3A_74 = arith.constant 2 : i32
      %add3A_75 = arith.addi %mul3A_21, %add3A_74 : i32
      "tpu.region"() ({
        %run_scoped3A = tpu.sem_alloc : memref<!tpu.dma_semaphore, #tpu.memory_space<semaphore_mem>>
        %dma_start3A_84 = arith.constant 0 : i32
        %dma_start3A_85 = tpu.memref_slice %arg9[%add3A_75, %dma_start3A_84] : memref<8x80xi32, #tpu.memory_space<vmem>> -> memref<1x80xi32, #tpu.memory_space<vmem>>
        %dma_start3A_86 = tpu.memref_squeeze %dma_start3A_85 : memref<1x80xi32, #tpu.memory_space<vmem>> -> memref<80xi32, #tpu.memory_space<vmem>>
        %dma_start3A_87 = arith.constant 0 : i32
        %dma_start3A_88 = arith.constant 0 : i32
        %dma_start3A_89 = tpu.memref_slice %arg7[%dma_start3A_87, %dma_start3A_88] : memref<10240x128xf32, #tpu.memory_space<vmem_shared>> -> memref<10240x128xf32, #tpu.memory_space<vmem_shared>>
        tpu.enqueue_indirect_dma source(%arg12 : memref<80x128xf32, #tpu.memory_space<vmem>>) target(%dma_start3A_89 : memref<10240x128xf32, #tpu.memory_space<vmem_shared>>) offsets(%dma_start3A_86 : memref<80xi32, #tpu.memory_space<vmem>>) semaphore(%run_scoped3A : memref<!tpu.dma_semaphore, #tpu.memory_space<semaphore_mem>>) {add = true}
        %dma_wait3A_90 = arith.constant 0 : i32
        %dma_wait3A_91 = tpu.memref_slice %arg9[%add3A_75, %dma_wait3A_90] : memref<8x80xi32, #tpu.memory_space<vmem>> -> memref<1x80xi32, #tpu.memory_space<vmem>>
        %dma_wait3A_92 = tpu.memref_squeeze %dma_wait3A_91 : memref<1x80xi32, #tpu.memory_space<vmem>> -> memref<80xi32, #tpu.memory_space<vmem>>
        %dma_wait3A_93 = arith.constant 0 : i32
        %dma_wait3A_94 = arith.constant 0 : i32
        %dma_wait3A_95 = tpu.memref_slice %arg7[%dma_wait3A_93, %dma_wait3A_94] : memref<10240x128xf32, #tpu.memory_space<vmem_shared>> -> memref<10240x128xf32, #tpu.memory_space<vmem_shared>>
        tpu.wait_indirect_dma semaphore(%run_scoped3A : memref<!tpu.dma_semaphore, #tpu.memory_space<semaphore_mem>>) src(%arg12 : memref<80x128xf32, #tpu.memory_space<vmem>>) dst(%dma_wait3A_95 : memref<10240x128xf32, #tpu.memory_space<vmem_shared>>)
        tpu.yield
      }) : () -> ()
      %dma_wait3A_76 = arith.constant 0 : i32
      %dma_wait3A_77 = tpu.memref_slice %arg8[%add3A_46, %dma_wait3A_76] : memref<8x80xi32, #tpu.memory_space<vmem>> -> memref<1x80xi32, #tpu.memory_space<vmem>>
      %dma_wait3A_78 = tpu.memref_squeeze %dma_wait3A_77 : memref<1x80xi32, #tpu.memory_space<vmem>> -> memref<80xi32, #tpu.memory_space<vmem>>
      %dma_wait3A_79 = arith.constant 0 : i32
      %dma_wait3A_80 = arith.constant 0 : i32
      %dma_wait3A_81 = tpu.memref_slice %arg2[%dma_wait3A_79, %dma_wait3A_80] : memref<10240x128xf32, #tpu.memory_space<hbm>> -> memref<10240x128xf32, #tpu.memory_space<hbm>>
      tpu.wait_indirect_dma semaphore(%arg17 : memref<!tpu.dma_semaphore, #tpu.memory_space<semaphore_mem>>) src(%dma_wait3A_81 : memref<10240x128xf32, #tpu.memory_space<hbm>>) dst(%arg13 : memref<80x128xf32, #tpu.memory_space<vmem>>)
      %add3A_82 = arith.constant 3 : i32
      %add3A_83 = arith.addi %mul3A_21, %add3A_82 : i32
      "tpu.region"() ({
        %run_scoped3A = tpu.sem_alloc : memref<!tpu.dma_semaphore, #tpu.memory_space<semaphore_mem>>
        %dma_start3A_84 = arith.constant 0 : i32
        %dma_start3A_85 = tpu.memref_slice %arg9[%add3A_83, %dma_start3A_84] : memref<8x80xi32, #tpu.memory_space<vmem>> -> memref<1x80xi32, #tpu.memory_space<vmem>>
        %dma_start3A_86 = tpu.memref_squeeze %dma_start3A_85 : memref<1x80xi32, #tpu.memory_space<vmem>> -> memref<80xi32, #tpu.memory_space<vmem>>
        %dma_start3A_87 = arith.constant 0 : i32
        %dma_start3A_88 = arith.constant 0 : i32
        %dma_start3A_89 = tpu.memref_slice %arg7[%dma_start3A_87, %dma_start3A_88] : memref<10240x128xf32, #tpu.memory_space<vmem_shared>> -> memref<10240x128xf32, #tpu.memory_space<vmem_shared>>
        tpu.enqueue_indirect_dma source(%arg13 : memref<80x128xf32, #tpu.memory_space<vmem>>) target(%dma_start3A_89 : memref<10240x128xf32, #tpu.memory_space<vmem_shared>>) offsets(%dma_start3A_86 : memref<80xi32, #tpu.memory_space<vmem>>) semaphore(%run_scoped3A : memref<!tpu.dma_semaphore, #tpu.memory_space<semaphore_mem>>) {add = true}
        %dma_wait3A_90 = arith.constant 0 : i32
        %dma_wait3A_91 = tpu.memref_slice %arg9[%add3A_83, %dma_wait3A_90] : memref<8x80xi32, #tpu.memory_space<vmem>> -> memref<1x80xi32, #tpu.memory_space<vmem>>
        %dma_wait3A_92 = tpu.memref_squeeze %dma_wait3A_91 : memref<1x80xi32, #tpu.memory_space<vmem>> -> memref<80xi32, #tpu.memory_space<vmem>>
        %dma_wait3A_93 = arith.constant 0 : i32
        %dma_wait3A_94 = arith.constant 0 : i32
        %dma_wait3A_95 = tpu.memref_slice %arg7[%dma_wait3A_93, %dma_wait3A_94] : memref<10240x128xf32, #tpu.memory_space<vmem_shared>> -> memref<10240x128xf32, #tpu.memory_space<vmem_shared>>
        tpu.wait_indirect_dma semaphore(%run_scoped3A : memref<!tpu.dma_semaphore, #tpu.memory_space<semaphore_mem>>) src(%arg13 : memref<80x128xf32, #tpu.memory_space<vmem>>) dst(%dma_wait3A_95 : memref<10240x128xf32, #tpu.memory_space<vmem_shared>>)
        tpu.yield
      }) : () -> ()
    }
    %scan3A_16 = arith.constant 2 : i32
    %scan3A_17 = arith.constant 1 : i32
    %barrier3A_18 = arith.constant 0 : index
    tpu.barrier barrier_id(%barrier3A_18)
    "tpu.region"() ({
      %run_scoped3A = tpu.sem_alloc : memref<!tpu.dma_semaphore, #tpu.memory_space<semaphore_mem>>
      %dma_start3A = arith.constant 0 : i32
      %dma_start3A_19 = tpu.memref_slice %arg6[%arg0, %mul3A_0, %dma_start3A] : memref<2x10240x128xf32, #tpu.memory_space<hbm>> -> memref<1x640x128xf32, #tpu.memory_space<hbm>>
      %dma_start3A_20 = tpu.memref_squeeze %dma_start3A_19 : memref<1x640x128xf32, #tpu.memory_space<hbm>> -> memref<640x128xf32, #tpu.memory_space<hbm>>
      %dma_start3A_21 = arith.constant 0 : i32
      %dma_start3A_22 = tpu.memref_slice %arg7[%mul3A_0, %dma_start3A_21] : memref<10240x128xf32, #tpu.memory_space<vmem_shared>> -> memref<640x128xf32, #tpu.memory_space<vmem_shared>>
      tpu.enqueue_dma source(%dma_start3A_22 : memref<640x128xf32, #tpu.memory_space<vmem_shared>>) target(%dma_start3A_20 : memref<640x128xf32, #tpu.memory_space<hbm>>) target_semaphore(%run_scoped3A : memref<!tpu.dma_semaphore, #tpu.memory_space<semaphore_mem>>)
      %dma_wait3A = arith.constant 0 : i32
      %dma_wait3A_23 = tpu.memref_slice %arg6[%arg0, %mul3A_0, %dma_wait3A] : memref<2x10240x128xf32, #tpu.memory_space<hbm>> -> memref<1x640x128xf32, #tpu.memory_space<hbm>>
      %dma_wait3A_24 = tpu.memref_squeeze %dma_wait3A_23 : memref<1x640x128xf32, #tpu.memory_space<hbm>> -> memref<640x128xf32, #tpu.memory_space<hbm>>
      %dma_wait3A_25 = arith.constant 0 : i32
      %dma_wait3A_26 = tpu.memref_slice %arg7[%mul3A_0, %dma_wait3A_25] : memref<10240x128xf32, #tpu.memory_space<vmem_shared>> -> memref<640x128xf32, #tpu.memory_space<vmem_shared>>
      tpu.wait_dma2 semaphore(%run_scoped3A : memref<!tpu.dma_semaphore, #tpu.memory_space<semaphore_mem>>) src(%dma_wait3A_26 : memref<640x128xf32, #tpu.memory_space<vmem_shared>>) dst(%dma_wait3A_24 : memref<640x128xf32, #tpu.memory_space<hbm>>)
      tpu.yield
    }) : () -> ()
    return
  }
}

module attributes {stable_mosaic.version = 14 : i64} {
  func.func @_scale_body(%arg0: memref<10240x128xf32, #tpu.memory_space<vmem>>, %arg1: memref<128x128xf32, #tpu.memory_space<vmem>>, %arg2: memref<2x10240x8xf32, #tpu.memory_space<vmem>>, %arg3: memref<10240x128xf32, #tpu.memory_space<vmem>>) attributes {dimension_semantics = [], scalar_prefetch = 0 : i64, scratch_operands = 0 : i64, tpu.core_type = #tpu.core_type<tc>} {
    %get3A = arith.constant 0 : index
    %get3A_0 = arith.constant 0 : index
    %get3A_1 = arith.constant 0 : index
    %get3A_2 = vector.load %arg2[%get3A, %get3A_0, %get3A_1] : memref<2x10240x8xf32, #tpu.memory_space<vmem>>, vector<2x10240x8xf32>
    %slice3A = vector.extract_strided_slice %get3A_2 {offsets = [0, 0, 0], sizes = [1, 10240, 1], strides = [1, 1, 1]} : vector<2x10240x8xf32> to vector<1x10240x1xf32>
    %squeeze3A = vector.shape_cast %slice3A : vector<1x10240x1xf32> to vector<10240x1xf32>
    %slice3A_3 = vector.extract_strided_slice %get3A_2 {offsets = [1, 0, 0], sizes = [1, 10240, 1], strides = [1, 1, 1]} : vector<2x10240x8xf32> to vector<1x10240x1xf32>
    %squeeze3A_4 = vector.shape_cast %slice3A_3 : vector<1x10240x1xf32> to vector<10240x1xf32>
    %add3A = arith.addf %squeeze3A, %squeeze3A_4 : vector<10240x1xf32>
    %add3A_5 = arith.constant 1.000000e+00 : f32
    %add3A_6 = vector.broadcast %add3A_5 : f32 to vector<10240x1xf32>
    %add3A_7 = arith.addf %add3A, %add3A_6 : vector<10240x1xf32>
    %rsqrt3A = math.rsqrt %add3A_7 : vector<10240x1xf32>
    %get3A_8 = arith.constant 0 : index
    %get3A_9 = arith.constant 0 : index
    %get3A_10 = vector.load %arg0[%get3A_8, %get3A_9] : memref<10240x128xf32, #tpu.memory_space<vmem>>, vector<10240x128xf32>
    %get3A_11 = arith.constant 0 : index
    %get3A_12 = arith.constant 0 : index
    %get3A_13 = vector.load %arg1[%get3A_11, %get3A_12] : memref<128x128xf32, #tpu.memory_space<vmem>>, vector<128x128xf32>
    %dot_general3A = arith.constant dense<0.000000e+00> : vector<10240x128xf32>
    %dot_general3A_14 = tpu.matmul %get3A_10, %get3A_13, %dot_general3A {dimension_numbers = #tpu.dot_dimension_numbers<[1], [0], [0], [1], [0, 0, 1, 1], [], []>, transpose_lhs_hint = false} : vector<10240x128xf32>, vector<128x128xf32>, vector<10240x128xf32> -> vector<10240x128xf32>
    %mul3A = vector.broadcast %rsqrt3A : vector<10240x1xf32> to vector<10240x128xf32>
    %mul3A_15 = arith.mulf %mul3A, %dot_general3A_14 : vector<10240x128xf32>
    %swap3A = arith.constant 0 : index
    %swap3A_16 = arith.constant 0 : index
    %swap3A_17 = vector.load %arg3[%swap3A, %swap3A_16] : memref<10240x128xf32, #tpu.memory_space<vmem>>, vector<10240x128xf32>
    tpu.vector_store %arg3[%swap3A, %swap3A_16], %mul3A_15 {strides = array<i32>} : memref<10240x128xf32, #tpu.memory_space<vmem>>, vector<10240x128xf32>,
    return
  }
}

module attributes {stable_mosaic.version = 14 : i64} {
  func.func @_entry_body(%arg0: memref<10240x128xf32, #tpu.memory_space<vmem>>, %arg1: memref<128x128xf32, #tpu.memory_space<vmem>>, %arg2: memref<1x128xf32, #tpu.memory_space<vmem>>, %arg3: memref<8x128xf32, #tpu.memory_space<vmem>>, %arg4: memref<128x128xf32, #tpu.memory_space<vmem>>, %arg5: memref<1x128xf32, #tpu.memory_space<vmem>>, %arg6: memref<10240x128xf32, #tpu.memory_space<vmem>>, %arg7: memref<8x128xf32, #tpu.memory_space<vmem>>) attributes {dimension_semantics = [], scalar_prefetch = 0 : i64, scratch_operands = 0 : i64, tpu.core_type = #tpu.core_type<tc>} {
    %get3A = arith.constant 0 : index
    %get3A_0 = arith.constant 0 : index
    %get3A_1 = vector.load %arg0[%get3A, %get3A_0] : memref<10240x128xf32, #tpu.memory_space<vmem>>, vector<10240x128xf32>
    %get3A_2 = arith.constant 0 : index
    %get3A_3 = arith.constant 0 : index
    %get3A_4 = vector.load %arg1[%get3A_2, %get3A_3] : memref<128x128xf32, #tpu.memory_space<vmem>>, vector<128x128xf32>
    %dot_general3A = arith.constant dense<0.000000e+00> : vector<10240x128xf32>
    %dot_general3A_5 = tpu.matmul %get3A_1, %get3A_4, %dot_general3A {dimension_numbers = #tpu.dot_dimension_numbers<[1], [0], [0], [1], [0, 0, 1, 1], [], []>, transpose_lhs_hint = false} : vector<10240x128xf32>, vector<128x128xf32>, vector<10240x128xf32> -> vector<10240x128xf32>
    %get3A_6 = arith.constant 0 : index
    %get3A_7 = arith.constant 0 : index
    %get3A_8 = vector.load %arg2[%get3A_6, %get3A_7] : memref<1x128xf32, #tpu.memory_space<vmem>>, vector<1x128xf32>
    %add3A = vector.broadcast %get3A_8 : vector<1x128xf32> to vector<10240x128xf32>
    %add3A_9 = arith.addf %dot_general3A_5, %add3A : vector<10240x128xf32>
    %ge3A = arith.constant 0.000000e+00 : f32
    %ge3A_10 = vector.broadcast %ge3A : f32 to vector<10240x128xf32>
    %ge3A_11 = arith.cmpf oge, %add3A_9, %ge3A_10 : vector<10240x128xf32>
    %mul3A = arith.constant 2.000000e-01 : f32
    %mul3A_12 = vector.broadcast %mul3A : f32 to vector<10240x128xf32>
    %mul3A_13 = arith.mulf %mul3A_12, %add3A_9 : vector<10240x128xf32>
    %select_n3A = arith.select %ge3A_11, %add3A_9, %mul3A_13 : vector<10240x128xi1>, vector<10240x128xf32>
    %swap3A = arith.constant 0 : index
    %swap3A_14 = arith.constant 0 : index
    %swap3A_15 = vector.load %arg6[%swap3A, %swap3A_14] : memref<10240x128xf32, #tpu.memory_space<vmem>>, vector<10240x128xf32>
    tpu.vector_store %arg6[%swap3A, %swap3A_14], %select_n3A {strides = array<i32>} : memref<10240x128xf32, #tpu.memory_space<vmem>>, vector<10240x128xf32>,
    %get3A_16 = arith.constant 0 : index
    %get3A_17 = arith.constant 0 : index
    %get3A_18 = vector.load %arg3[%get3A_16, %get3A_17] : memref<8x128xf32, #tpu.memory_space<vmem>>, vector<8x128xf32>
    %get3A_19 = arith.constant 0 : index
    %get3A_20 = arith.constant 0 : index
    %get3A_21 = vector.load %arg4[%get3A_19, %get3A_20] : memref<128x128xf32, #tpu.memory_space<vmem>>, vector<128x128xf32>
    %dot_general3A_22 = arith.constant dense<0.000000e+00> : vector<8x128xf32>
    %dot_general3A_23 = tpu.matmul %get3A_18, %get3A_21, %dot_general3A_22 {dimension_numbers = #tpu.dot_dimension_numbers<[1], [0], [0], [1], [0, 0, 1, 1], [], []>, transpose_lhs_hint = false} : vector<8x128xf32>, vector<128x128xf32>, vector<8x128xf32> -> vector<8x128xf32>
    %get3A_24 = arith.constant 0 : index
    %get3A_25 = arith.constant 0 : index
    %get3A_26 = vector.load %arg5[%get3A_24, %get3A_25] : memref<1x128xf32, #tpu.memory_space<vmem>>, vector<1x128xf32>
    %add3A_27 = vector.broadcast %get3A_26 : vector<1x128xf32> to vector<8x128xf32>
    %add3A_28 = arith.addf %dot_general3A_23, %add3A_27 : vector<8x128xf32>
    %ge3A_29 = arith.constant 0.000000e+00 : f32
    %ge3A_30 = vector.broadcast %ge3A_29 : f32 to vector<8x128xf32>
    %ge3A_31 = arith.cmpf oge, %add3A_28, %ge3A_30 : vector<8x128xf32>
    %mul3A_32 = arith.constant 2.000000e-01 : f32
    %mul3A_33 = vector.broadcast %mul3A_32 : f32 to vector<8x128xf32>
    %mul3A_34 = arith.mulf %mul3A_33, %add3A_28 : vector<8x128xf32>
    %select_n3A_35 = arith.select %ge3A_31, %add3A_28, %mul3A_34 : vector<8x128xi1>, vector<8x128xf32>
    %swap3A_36 = arith.constant 0 : index
    %swap3A_37 = arith.constant 0 : index
    %swap3A_38 = vector.load %arg7[%swap3A_36, %swap3A_37] : memref<8x128xf32, #tpu.memory_space<vmem>>, vector<8x128xf32>
    tpu.vector_store %arg7[%swap3A_36, %swap3A_37], %select_n3A_35 {strides = array<i32>} : memref<8x128xf32, #tpu.memory_space<vmem>>, vector<8x128xf32>,
    return
  }
}

module attributes {stable_mosaic.version = 14 : i64} {
  func.func @_mid_body(%arg0: memref<2x10240x128xf32, #tpu.memory_space<vmem>>, %arg1: memref<10240x128xf32, #tpu.memory_space<vmem>>, %arg2: memref<2x10240x8xf32, #tpu.memory_space<vmem>>, %arg3: memref<1x128xf32, #tpu.memory_space<vmem>>, %arg4: memref<128x128xf32, #tpu.memory_space<vmem>>, %arg5: memref<10240x128xf32, #tpu.memory_space<vmem>>) attributes {dimension_semantics = [], scalar_prefetch = 0 : i64, scratch_operands = 0 : i64, tpu.core_type = #tpu.core_type<tc>} {
    %get3A = arith.constant 0 : index
    %get3A_0 = arith.constant 0 : index
    %get3A_1 = arith.constant 0 : index
    %get3A_2 = vector.load %arg2[%get3A, %get3A_0, %get3A_1] : memref<2x10240x8xf32, #tpu.memory_space<vmem>>, vector<2x10240x8xf32>
    %slice3A = vector.extract_strided_slice %get3A_2 {offsets = [0, 0, 0], sizes = [1, 10240, 1], strides = [1, 1, 1]} : vector<2x10240x8xf32> to vector<1x10240x1xf32>
    %squeeze3A = vector.shape_cast %slice3A : vector<1x10240x1xf32> to vector<10240x1xf32>
    %slice3A_3 = vector.extract_strided_slice %get3A_2 {offsets = [1, 0, 0], sizes = [1, 10240, 1], strides = [1, 1, 1]} : vector<2x10240x8xf32> to vector<1x10240x1xf32>
    %squeeze3A_4 = vector.shape_cast %slice3A_3 : vector<1x10240x1xf32> to vector<10240x1xf32>
    %add3A = arith.addf %squeeze3A, %squeeze3A_4 : vector<10240x1xf32>
    %add3A_5 = arith.constant 1.000000e+00 : f32
    %add3A_6 = vector.broadcast %add3A_5 : f32 to vector<10240x1xf32>
    %add3A_7 = arith.addf %add3A, %add3A_6 : vector<10240x1xf32>
    %rsqrt3A = math.rsqrt %add3A_7 : vector<10240x1xf32>
    %get3A_8 = arith.constant 0 : index
    %get3A_9 = arith.constant 0 : index
    %get3A_10 = arith.constant 0 : index
    %get3A_11 = vector.load %arg0[%get3A_8, %get3A_9, %get3A_10] : memref<2x10240x128xf32, #tpu.memory_space<vmem>>, vector<1x10240x128xf32>
    %get3A_12 = vector.shape_cast %get3A_11 : vector<1x10240x128xf32> to vector<10240x128xf32>
    %get3A_13 = arith.constant 1 : index
    %get3A_14 = arith.constant 0 : index
    %get3A_15 = arith.constant 0 : index
    %get3A_16 = vector.load %arg0[%get3A_13, %get3A_14, %get3A_15] : memref<2x10240x128xf32, #tpu.memory_space<vmem>>, vector<1x10240x128xf32>
    %get3A_17 = vector.shape_cast %get3A_16 : vector<1x10240x128xf32> to vector<10240x128xf32>
    %add3A_18 = arith.addf %get3A_12, %get3A_17 : vector<10240x128xf32>
    %get3A_19 = arith.constant 0 : index
    %get3A_20 = arith.constant 0 : index
    %get3A_21 = vector.load %arg1[%get3A_19, %get3A_20] : memref<10240x128xf32, #tpu.memory_space<vmem>>, vector<10240x128xf32>
    %add3A_22 = arith.addf %add3A_18, %get3A_21 : vector<10240x128xf32>
    %mul3A = vector.broadcast %rsqrt3A : vector<10240x1xf32> to vector<10240x128xf32>
    %mul3A_23 = arith.mulf %mul3A, %add3A_22 : vector<10240x128xf32>
    %get3A_24 = arith.constant 0 : index
    %get3A_25 = arith.constant 0 : index
    %get3A_26 = vector.load %arg3[%get3A_24, %get3A_25] : memref<1x128xf32, #tpu.memory_space<vmem>>, vector<1x128xf32>
    %add3A_27 = vector.broadcast %get3A_26 : vector<1x128xf32> to vector<10240x128xf32>
    %add3A_28 = arith.addf %mul3A_23, %add3A_27 : vector<10240x128xf32>
    %ge3A = arith.constant 0.000000e+00 : f32
    %ge3A_29 = vector.broadcast %ge3A : f32 to vector<10240x128xf32>
    %ge3A_30 = arith.cmpf oge, %add3A_28, %ge3A_29 : vector<10240x128xf32>
    %mul3A_31 = arith.constant 2.000000e-01 : f32
    %mul3A_32 = vector.broadcast %mul3A_31 : f32 to vector<10240x128xf32>
    %mul3A_33 = arith.mulf %mul3A_32, %add3A_28 : vector<10240x128xf32>
    %select_n3A = arith.select %ge3A_30, %add3A_28, %mul3A_33 : vector<10240x128xi1>, vector<10240x128xf32>
    %get3A_34 = arith.constant 0 : index
    %get3A_35 = arith.constant 0 : index
    %get3A_36 = vector.load %arg4[%get3A_34, %get3A_35] : memref<128x128xf32, #tpu.memory_space<vmem>>, vector<128x128xf32>
    %dot_general3A = arith.constant dense<0.000000e+00> : vector<10240x128xf32>
    %dot_general3A_37 = tpu.matmul %select_n3A, %get3A_36, %dot_general3A {dimension_numbers = #tpu.dot_dimension_numbers<[1], [0], [0], [1], [0, 0, 1, 1], [], []>, transpose_lhs_hint = false} : vector<10240x128xf32>, vector<128x128xf32>, vector<10240x128xf32> -> vector<10240x128xf32>
    %mul3A_38 = vector.broadcast %rsqrt3A : vector<10240x1xf32> to vector<10240x128xf32>
    %mul3A_39 = arith.mulf %mul3A_38, %dot_general3A_37 : vector<10240x128xf32>
    %swap3A = arith.constant 0 : index
    %swap3A_40 = arith.constant 0 : index
    %swap3A_41 = vector.load %arg5[%swap3A, %swap3A_40] : memref<10240x128xf32, #tpu.memory_space<vmem>>, vector<10240x128xf32>
    tpu.vector_store %arg5[%swap3A, %swap3A_40], %mul3A_39 {strides = array<i32>} : memref<10240x128xf32, #tpu.memory_space<vmem>>, vector<10240x128xf32>,
    return
  }
}

module attributes {stable_mosaic.version = 14 : i64} {
  func.func @_meta_body(%arg0: memref<2x10240x128xf32, #tpu.memory_space<vmem>>, %arg1: memref<10240x128xf32, #tpu.memory_space<vmem>>, %arg2: memref<2x10240x8xf32, #tpu.memory_space<vmem>>, %arg3: memref<1x128xf32, #tpu.memory_space<vmem>>, %arg4: memref<8x128xf32, #tpu.memory_space<vmem>>, %arg5: memref<128x128xf32, #tpu.memory_space<vmem>>, %arg6: memref<2x10240x8xf32, #tpu.memory_space<vmem>>, %arg7: memref<10240x128xf32, #tpu.memory_space<vmem>>) attributes {dimension_semantics = [], scalar_prefetch = 0 : i64, scratch_operands = 0 : i64, tpu.core_type = #tpu.core_type<tc>} {
    %get3A = arith.constant 0 : index
    %get3A_0 = arith.constant 0 : index
    %get3A_1 = arith.constant 0 : index
    %get3A_2 = vector.load %arg2[%get3A, %get3A_0, %get3A_1] : memref<2x10240x8xf32, #tpu.memory_space<vmem>>, vector<2x10240x8xf32>
    %slice3A = vector.extract_strided_slice %get3A_2 {offsets = [0, 0, 0], sizes = [1, 10240, 1], strides = [1, 1, 1]} : vector<2x10240x8xf32> to vector<1x10240x1xf32>
    %squeeze3A = vector.shape_cast %slice3A : vector<1x10240x1xf32> to vector<10240x1xf32>
    %slice3A_3 = vector.extract_strided_slice %get3A_2 {offsets = [1, 0, 0], sizes = [1, 10240, 1], strides = [1, 1, 1]} : vector<2x10240x8xf32> to vector<1x10240x1xf32>
    %squeeze3A_4 = vector.shape_cast %slice3A_3 : vector<1x10240x1xf32> to vector<10240x1xf32>
    %add3A = arith.addf %squeeze3A, %squeeze3A_4 : vector<10240x1xf32>
    %add3A_5 = arith.constant 1.000000e+00 : f32
    %add3A_6 = vector.broadcast %add3A_5 : f32 to vector<10240x1xf32>
    %add3A_7 = arith.addf %add3A, %add3A_6 : vector<10240x1xf32>
    %rsqrt3A = math.rsqrt %add3A_7 : vector<10240x1xf32>
    %get3A_8 = arith.constant 0 : index
    %get3A_9 = arith.constant 0 : index
    %get3A_10 = arith.constant 0 : index
    %get3A_11 = vector.load %arg0[%get3A_8, %get3A_9, %get3A_10] : memref<2x10240x128xf32, #tpu.memory_space<vmem>>, vector<1x10240x128xf32>
    %get3A_12 = vector.shape_cast %get3A_11 : vector<1x10240x128xf32> to vector<10240x128xf32>
    %get3A_13 = arith.constant 1 : index
    %get3A_14 = arith.constant 0 : index
    %get3A_15 = arith.constant 0 : index
    %get3A_16 = vector.load %arg0[%get3A_13, %get3A_14, %get3A_15] : memref<2x10240x128xf32, #tpu.memory_space<vmem>>, vector<1x10240x128xf32>
    %get3A_17 = vector.shape_cast %get3A_16 : vector<1x10240x128xf32> to vector<10240x128xf32>
    %add3A_18 = arith.addf %get3A_12, %get3A_17 : vector<10240x128xf32>
    %get3A_19 = arith.constant 0 : index
    %get3A_20 = arith.constant 0 : index
    %get3A_21 = vector.load %arg1[%get3A_19, %get3A_20] : memref<10240x128xf32, #tpu.memory_space<vmem>>, vector<10240x128xf32>
    %add3A_22 = arith.addf %add3A_18, %get3A_21 : vector<10240x128xf32>
    %mul3A = vector.broadcast %rsqrt3A : vector<10240x1xf32> to vector<10240x128xf32>
    %mul3A_23 = arith.mulf %mul3A, %add3A_22 : vector<10240x128xf32>
    %get3A_24 = arith.constant 0 : index
    %get3A_25 = arith.constant 0 : index
    %get3A_26 = vector.load %arg3[%get3A_24, %get3A_25] : memref<1x128xf32, #tpu.memory_space<vmem>>, vector<1x128xf32>
    %add3A_27 = vector.broadcast %get3A_26 : vector<1x128xf32> to vector<10240x128xf32>
    %add3A_28 = arith.addf %mul3A_23, %add3A_27 : vector<10240x128xf32>
    %ge3A = arith.constant 0.000000e+00 : f32
    %ge3A_29 = vector.broadcast %ge3A : f32 to vector<10240x128xf32>
    %ge3A_30 = arith.cmpf oge, %add3A_28, %ge3A_29 : vector<10240x128xf32>
    %mul3A_31 = arith.constant 2.000000e-01 : f32
    %mul3A_32 = vector.broadcast %mul3A_31 : f32 to vector<10240x128xf32>
    %mul3A_33 = arith.mulf %mul3A_32, %add3A_28 : vector<10240x128xf32>
    %select_n3A = arith.select %ge3A_30, %add3A_28, %mul3A_33 : vector<10240x128xi1>, vector<10240x128xf32>
    %slice3A_34 = vector.extract_strided_slice %select_n3A {offsets = [0, 0], sizes = [10000, 128], strides = [1, 1]} : vector<10240x128xf32> to vector<10000x128xf32>
    %get3A_35 = arith.constant 0 : index
    %get3A_36 = arith.constant 0 : index
    %get3A_37 = vector.load %arg4[%get3A_35, %get3A_36] : memref<8x128xf32, #tpu.memory_space<vmem>>, vector<8x128xf32>
    %slice3A_38 = vector.extract_strided_slice %select_n3A {offsets = [10008, 0], sizes = [232, 128], strides = [1, 1]} : vector<10240x128xf32> to vector<232x128xf32>
    %concatenate3A = tpu.concatenate %slice3A_34, %get3A_37, %slice3A_38 in 0 : vector<10000x128xf32>, vector<8x128xf32>, vector<232x128xf32> -> vector<10240x128xf32>
    %get3A_39 = arith.constant 0 : index
    %get3A_40 = arith.constant 0 : index
    %get3A_41 = arith.constant 0 : index
    %get3A_42 = vector.load %arg6[%get3A_39, %get3A_40, %get3A_41] : memref<2x10240x8xf32, #tpu.memory_space<vmem>>, vector<2x10240x8xf32>
    %slice3A_43 = vector.extract_strided_slice %get3A_42 {offsets = [0, 0, 0], sizes = [1, 10240, 1], strides = [1, 1, 1]} : vector<2x10240x8xf32> to vector<1x10240x1xf32>
    %squeeze3A_44 = vector.shape_cast %slice3A_43 : vector<1x10240x1xf32> to vector<10240x1xf32>
    %slice3A_45 = vector.extract_strided_slice %get3A_42 {offsets = [1, 0, 0], sizes = [1, 10240, 1], strides = [1, 1, 1]} : vector<2x10240x8xf32> to vector<1x10240x1xf32>
    %squeeze3A_46 = vector.shape_cast %slice3A_45 : vector<1x10240x1xf32> to vector<10240x1xf32>
    %add3A_47 = arith.addf %squeeze3A_44, %squeeze3A_46 : vector<10240x1xf32>
    %add3A_48 = arith.constant 1.000000e+00 : f32
    %add3A_49 = vector.broadcast %add3A_48 : f32 to vector<10240x1xf32>
    %add3A_50 = arith.addf %add3A_47, %add3A_49 : vector<10240x1xf32>
    %rsqrt3A_51 = math.rsqrt %add3A_50 : vector<10240x1xf32>
    %get3A_52 = arith.constant 0 : index
    %get3A_53 = arith.constant 0 : index
    %get3A_54 = vector.load %arg5[%get3A_52, %get3A_53] : memref<128x128xf32, #tpu.memory_space<vmem>>, vector<128x128xf32>
    %dot_general3A = arith.constant dense<0.000000e+00> : vector<10240x128xf32>
    %dot_general3A_55 = tpu.matmul %concatenate3A, %get3A_54, %dot_general3A {dimension_numbers = #tpu.dot_dimension_numbers<[1], [0], [0], [1], [0, 0, 1, 1], [], []>, transpose_lhs_hint = false} : vector<10240x128xf32>, vector<128x128xf32>, vector<10240x128xf32> -> vector<10240x128xf32>
    %mul3A_56 = vector.broadcast %rsqrt3A_51 : vector<10240x1xf32> to vector<10240x128xf32>
    %mul3A_57 = arith.mulf %mul3A_56, %dot_general3A_55 : vector<10240x128xf32>
    %swap3A = arith.constant 0 : index
    %swap3A_58 = arith.constant 0 : index
    %swap3A_59 = vector.load %arg7[%swap3A, %swap3A_58] : memref<10240x128xf32, #tpu.memory_space<vmem>>, vector<10240x128xf32>
    tpu.vector_store %arg7[%swap3A, %swap3A_58], %mul3A_57 {strides = array<i32>} : memref<10240x128xf32, #tpu.memory_space<vmem>>, vector<10240x128xf32>,
    return
  }
}

module attributes {stable_mosaic.version = 14 : i64} {
  func.func @_final_body(%arg0: memref<2x10240x128xf32, #tpu.memory_space<vmem>>, %arg1: memref<10240x128xf32, #tpu.memory_space<vmem>>, %arg2: memref<2x10240x8xf32, #tpu.memory_space<vmem>>, %arg3: memref<1x128xf32, #tpu.memory_space<vmem>>, %arg4: memref<128x128xf32, #tpu.memory_space<vmem>>, %arg5: memref<1x128xf32, #tpu.memory_space<vmem>>, %arg6: memref<10240x128xf32, #tpu.memory_space<vmem>>) attributes {dimension_semantics = [], scalar_prefetch = 0 : i64, scratch_operands = 0 : i64, tpu.core_type = #tpu.core_type<tc>} {
    %get3A = arith.constant 0 : index
    %get3A_0 = arith.constant 0 : index
    %get3A_1 = arith.constant 0 : index
    %get3A_2 = vector.load %arg2[%get3A, %get3A_0, %get3A_1] : memref<2x10240x8xf32, #tpu.memory_space<vmem>>, vector<2x10240x8xf32>
    %slice3A = vector.extract_strided_slice %get3A_2 {offsets = [0, 0, 0], sizes = [1, 10240, 1], strides = [1, 1, 1]} : vector<2x10240x8xf32> to vector<1x10240x1xf32>
    %squeeze3A = vector.shape_cast %slice3A : vector<1x10240x1xf32> to vector<10240x1xf32>
    %slice3A_3 = vector.extract_strided_slice %get3A_2 {offsets = [1, 0, 0], sizes = [1, 10240, 1], strides = [1, 1, 1]} : vector<2x10240x8xf32> to vector<1x10240x1xf32>
    %squeeze3A_4 = vector.shape_cast %slice3A_3 : vector<1x10240x1xf32> to vector<10240x1xf32>
    %add3A = arith.addf %squeeze3A, %squeeze3A_4 : vector<10240x1xf32>
    %add3A_5 = arith.constant 1.000000e+00 : f32
    %add3A_6 = vector.broadcast %add3A_5 : f32 to vector<10240x1xf32>
    %add3A_7 = arith.addf %add3A, %add3A_6 : vector<10240x1xf32>
    %rsqrt3A = math.rsqrt %add3A_7 : vector<10240x1xf32>
    %get3A_8 = arith.constant 0 : index
    %get3A_9 = arith.constant 0 : index
    %get3A_10 = arith.constant 0 : index
    %get3A_11 = vector.load %arg0[%get3A_8, %get3A_9, %get3A_10] : memref<2x10240x128xf32, #tpu.memory_space<vmem>>, vector<1x10240x128xf32>
    %get3A_12 = vector.shape_cast %get3A_11 : vector<1x10240x128xf32> to vector<10240x128xf32>
    %get3A_13 = arith.constant 1 : index
    %get3A_14 = arith.constant 0 : index
    %get3A_15 = arith.constant 0 : index
    %get3A_16 = vector.load %arg0[%get3A_13, %get3A_14, %get3A_15] : memref<2x10240x128xf32, #tpu.memory_space<vmem>>, vector<1x10240x128xf32>
    %get3A_17 = vector.shape_cast %get3A_16 : vector<1x10240x128xf32> to vector<10240x128xf32>
    %add3A_18 = arith.addf %get3A_12, %get3A_17 : vector<10240x128xf32>
    %get3A_19 = arith.constant 0 : index
    %get3A_20 = arith.constant 0 : index
    %get3A_21 = vector.load %arg1[%get3A_19, %get3A_20] : memref<10240x128xf32, #tpu.memory_space<vmem>>, vector<10240x128xf32>
    %add3A_22 = arith.addf %add3A_18, %get3A_21 : vector<10240x128xf32>
    %mul3A = vector.broadcast %rsqrt3A : vector<10240x1xf32> to vector<10240x128xf32>
    %mul3A_23 = arith.mulf %mul3A, %add3A_22 : vector<10240x128xf32>
    %get3A_24 = arith.constant 0 : index
    %get3A_25 = arith.constant 0 : index
    %get3A_26 = vector.load %arg3[%get3A_24, %get3A_25] : memref<1x128xf32, #tpu.memory_space<vmem>>, vector<1x128xf32>
    %add3A_27 = vector.broadcast %get3A_26 : vector<1x128xf32> to vector<10240x128xf32>
    %add3A_28 = arith.addf %mul3A_23, %add3A_27 : vector<10240x128xf32>
    %ge3A = arith.constant 0.000000e+00 : f32
    %ge3A_29 = vector.broadcast %ge3A : f32 to vector<10240x128xf32>
    %ge3A_30 = arith.cmpf oge, %add3A_28, %ge3A_29 : vector<10240x128xf32>
    %mul3A_31 = arith.constant 2.000000e-01 : f32
    %mul3A_32 = vector.broadcast %mul3A_31 : f32 to vector<10240x128xf32>
    %mul3A_33 = arith.mulf %mul3A_32, %add3A_28 : vector<10240x128xf32>
    %select_n3A = arith.select %ge3A_30, %add3A_28, %mul3A_33 : vector<10240x128xi1>, vector<10240x128xf32>
    %get3A_34 = arith.constant 0 : index
    %get3A_35 = arith.constant 0 : index
    %get3A_36 = vector.load %arg4[%get3A_34, %get3A_35] : memref<128x128xf32, #tpu.memory_space<vmem>>, vector<128x128xf32>
    %dot_general3A = arith.constant dense<0.000000e+00> : vector<10240x128xf32>
    %dot_general3A_37 = tpu.matmul %select_n3A, %get3A_36, %dot_general3A {dimension_numbers = #tpu.dot_dimension_numbers<[1], [0], [0], [1], [0, 0, 1, 1], [], []>, transpose_lhs_hint = false} : vector<10240x128xf32>, vector<128x128xf32>, vector<10240x128xf32> -> vector<10240x128xf32>
    %get3A_38 = arith.constant 0 : index
    %get3A_39 = arith.constant 0 : index
    %get3A_40 = vector.load %arg5[%get3A_38, %get3A_39] : memref<1x128xf32, #tpu.memory_space<vmem>>, vector<1x128xf32>
    %add3A_41 = vector.broadcast %get3A_40 : vector<1x128xf32> to vector<10240x128xf32>
    %add3A_42 = arith.addf %dot_general3A_37, %add3A_41 : vector<10240x128xf32>
    %reduce_max3A = arith.constant dense<0xFF800000> : vector<10240xf32>
    %reduce_max3A_43 = vector.multi_reduction <maximumf>, %add3A_42, %reduce_max3A [1] : vector<10240x128xf32> to vector<10240xf32>
    %broadcast_in_dim3A = vector.shape_cast %reduce_max3A_43 : vector<10240xf32> to vector<10240x1xf32>
    %sub3A = vector.broadcast %broadcast_in_dim3A : vector<10240x1xf32> to vector<10240x128xf32>
    %sub3A_44 = arith.subf %add3A_42, %sub3A : vector<10240x128xf32>
    %exp3A = math.exp %sub3A_44 : vector<10240x128xf32>
    %reduce_sum3A = arith.constant dense<0.000000e+00> : vector<10240xf32>
    %reduce_sum3A_45 = vector.multi_reduction <add>, %exp3A, %reduce_sum3A [1] : vector<10240x128xf32> to vector<10240xf32>
    %broadcast_in_dim3A_46 = vector.shape_cast %reduce_sum3A_45 : vector<10240xf32> to vector<10240x1xf32>
    %log3A = math.log %broadcast_in_dim3A_46 : vector<10240x1xf32>
    %sub3A_47 = vector.broadcast %broadcast_in_dim3A : vector<10240x1xf32> to vector<10240x128xf32>
    %sub3A_48 = arith.subf %add3A_42, %sub3A_47 : vector<10240x128xf32>
    %sub3A_49 = vector.broadcast %log3A : vector<10240x1xf32> to vector<10240x128xf32>
    %sub3A_50 = arith.subf %sub3A_48, %sub3A_49 : vector<10240x128xf32>
    %swap3A = arith.constant 0 : index
    %swap3A_51 = arith.constant 0 : index
    %swap3A_52 = vector.load %arg6[%swap3A, %swap3A_51] : memref<10240x128xf32, #tpu.memory_space<vmem>>, vector<10240x128xf32>
    tpu.vector_store %arg6[%swap3A, %swap3A_51], %sub3A_50 {strides = array<i32>} : memref<10240x128xf32, #tpu.memory_space<vmem>>, vector<10240x128xf32>,
    return
  }
}

</mosaic_0001>

<sc_bundles>
// kernel: kernel.11.cloned.1.call-start
scs
__scs_entry_jumppad:
0x0: {  	(pc) =	sbr.rel $0x88, $3  }
0x1: {  	(tag) =	ssettag $0x0;
	lr =	simm.s32 $0x1  }
0x2: {  	[smem:$0x3F91] =	sst lr;
	_ =	strace $0xD0000000  }
0x3: {  	_ = 	snop  }
0x4: {  	_ = 	snop  }
0x5: {  	_ = 	snop  }
0x6: {  	_ = 	snop  }
0x7: {  	_ = 	snop  }
__scs_overlays_trampoline_lowered:
0x8: {  	[smem:$0x3FA0] =	sst s0  }
0x9: {  	[smem:$0x3FA1] =	sst s1  }
0xa: {  	[smem:$0x3FA2] =	sst s2  }
0xb: {  	[smem:$0x3FA3] =	sst s3  }
0xc: {  	[smem:$0x3FA4] =	sst s4  }
0xd: {  	[smem:$0x3FA5] =	sst s5  }
0xe: {  	[smem:$0x3FA6] =	sst s6  }
0xf: {  	[smem:$0x3FA7] =	sst s7  }
0x10: {  	[smem:$0x3FA8] =	sst s8  }
0x11: {  	[smem:$0x3FA9] =	sst s9;
	s0 =	simm.s32 @!p0 $0x0  }
0x12: {  	s1 =	sld [smem:$0x3F8F];
	s0 =	simm.s32 @p0 $0x1  }
0x13: {  	[smem:$0x3FAA] =	sst s0;
	s0 =	simm.s32 @!p1 $0x0  }
0x14: {  	s2 =	sld [smem:$0x3F8E];
	s0 =	simm.s32 @p1 $0x1  }
0x15: {  	[smem:$0x3FAB] =	sst s0;
	s0 =	simm.s32 @!p2 $0x0  }
0x16: {  	s3 =	sld [smem:$0x3FDB];
	s0 =	simm.s32 @p2 $0x1  }
0x17: {  	s4 =	simm.s32 $0x1BF5;
	[smem:$0x3FAD] =	sst s0  }
0x18: {  	s0 =	sld [smem:$0x3F90];
	_ =	swait.ge [sflag:s4], $0x0  }
0x19: {  	s7 =	sld [smem:$0x3F91]  }
0x1a: {  	s8 =	sadd.s32 $0xFFFFE003, lr  }
0x1b: {  	s9 =	sadd.s32 $0xFFFFFEF7, lr;
	s5 =	simm.s32 $0xFFFFFFFF;
	p2 =	slt.u32 s8, $0xFFFFF086  }
0x1c: {  	p1 =	slt.u32 s9, $0xF7A;
	s5 =	simm.s32 @!p2 $0x0  }
0x1d: {  	s5 =	simm.s32 @p1 $0x1;
	p0 =	seq.s32 s7, s2  }
0x1e: {  	s7 =	smul.u32 @!p0 $0xF7A, s2;
	p2 =	seq.s32 @!p0 s5, $0x0  }
0x1f: {  	s9 =	smul.u32 $0xF7A, s1;
	s8 =	simm.s32 @!p0 $0x1BF5;
	p2 =	por !p2, p0  }
0x20: {  	[sflag:s8] =	ssyncset.s32 @!p0 $0xFFFFF086;
	s6 =	sadd.s32 @!p0 s3, s7;
	s7 =	simm.s32 @!p0 $0x108  }
0x21: {  	s3 =	sadd.s32 s3, s9;
	s6 =	sadd.s32 @!p0 $0x88, s6;
	s7 =	simm.s32 @p2 $0x1082  }
0x22: {  	[simem:s7], [sflag:s8] =	dma.local @!p0 [hbm:s6], $0xF7A  }
0x23: {  	s9 =	sor.u32 $0xD0000000, s2;
	s6 =	simm.s32 $0x108;
	_ =	swait.ge @!p0 [sflag:s8], $0x0  }
0x24: {  	s3 =	sadd.s32 $0x88, s3;
	s6 =	simm.s32 @!p1 $0x1082;
	[sflag:s4] =	ssyncset.s32 $0xFFFFF086  }
0x25: {  	[simem:s6], [sflag:s4] =	dma.local [hbm:s3], $0xF7A  }
0x26: {  	[smem:$0x3F91] =	sst s1;
	(tag) =	ssettag s2;
	_ =	strace s9  }
0x27: {  	s1 =	sld [smem:$0x3FA1]  }
0x28: {  	s2 =	sld [smem:$0x3FA2]  }
0x29: {  	s4 =	sld [smem:$0x3FA4]  }
0x2a: {  	p0 =	seq.s32 s5, $0x0;
	s5 =	sld [smem:$0x3FA5]  }
0x2b: {  	s6 =	sld [smem:$0x3FA6]  }
0x2c: {  	s7 =	sld [smem:$0x3FA7]  }
0x2d: {  	s3 =	simm.s32 $0x108;
	s8 =	sld [smem:$0x3FA8]  }
0x2e: {  	s3 =	simm.s32 @!p0 $0x1082;
	s9 =	sld [smem:$0x3FA9]  }
0x2f: {  	lr =	sadd.s32 s0, s3;
	s0 =	sld [smem:$0x3FA0]  }
0x30: {  	s3 =	sld [smem:$0x3FA3]  }
0x31: {  	[smem:$0x3FAC] =	sst s10  }
0x32: {  	s10 =	sld [smem:$0x3FAA];
	_ =	sdelay $0x3  }
0x33: {  	p0 =	seq.s32 s10, $0x1;
	s10 =	sld [smem:$0x3FAC];
	_ =	sdelay $0x3  }
0x34: {  	[smem:$0x3FAC] =	sst s10  }
0x35: {  	s10 =	sld [smem:$0x3FAB];
	_ =	sdelay $0x3  }
0x36: {  	p1 =	seq.s32 s10, $0x1;
	s10 =	sld [smem:$0x3FAC];
	_ =	sdelay $0x3  }
0x37: {  	[smem:$0x3FAC] =	sst s10  }
0x38: {  	s10 =	sld [smem:$0x3FAD]  }
0x39: {  	_ = 	snop;
	(pc) =	sbr.ind lr, $3  }
0x3a: {  	_ = 	snop  }
0x3b: {  	_ = 	snop  }
0x3c: {  	p2 =	seq.s32 s10, $0x1;
	s10 =	sld [smem:$0x3FAC]  }
0x3d: {  	_ =	shalt  }
0x3e: {  	_ =	shalt  }
0x3f: {  	_ =	shalt  }
0x40: {  	_ =	shalt  }
0x41: {  	_ =	shalt  }
0x42: {  	_ =	shalt  }
0x43: {  	_ =	shalt  }
0x44: {  	_ =	shalt  }
0x45: {  	_ =	shalt  }
0x46: {  	_ =	shalt  }
0x47: {  	_ =	shalt  }
0x48: {  	_ =	shalt  }
0x49: {  	_ =	shalt  }
0x4a: {  	_ =	shalt  }
0x4b: {  	_ =	shalt  }
0x4c: {  	_ =	shalt  }
0x4d: {  	_ =	shalt  }
0x4e: {  	_ =	shalt  }
0x4f: {  	_ =	shalt  }
0x50: {  	_ =	shalt  }
0x51: {  	_ =	shalt  }
0x52: {  	_ =	shalt  }
0x53: {  	_ =	shalt  }
0x54: {  	_ =	shalt  }
0x55: {  	_ =	shalt  }
0x56: {  	_ =	shalt  }
0x57: {  	_ =	shalt  }
0x58: {  	_ =	shalt  }
0x59: {  	_ =	shalt  }
0x5a: {  	_ =	shalt  }
0x5b: {  	_ =	shalt  }
0x5c: {  	_ =	shalt  }
0x5d: {  	_ =	shalt  }
0x5e: {  	_ =	shalt  }
0x5f: {  	_ =	shalt  }
0x60: {  	_ =	shalt  }
0x61: {  	_ =	shalt  }
0x62: {  	_ =	shalt  }
0x63: {  	_ =	shalt  }
0x64: {  	_ =	shalt  }
0x65: {  	_ =	shalt  }
0x66: {  	_ =	shalt  }
0x67: {  	_ =	shalt  }
0x68: {  	_ =	shalt  }
0x69: {  	_ =	shalt  }
0x6a: {  	_ =	shalt  }
0x6b: {  	_ =	shalt  }
0x6c: {  	_ =	shalt  }
0x6d: {  	_ =	shalt  }
0x6e: {  	_ =	shalt  }
0x6f: {  	_ =	shalt  }
0x70: {  	_ =	shalt  }
0x71: {  	_ =	shalt  }
0x72: {  	_ =	shalt  }
0x73: {  	_ =	shalt  }
0x74: {  	_ =	shalt  }
0x75: {  	_ =	shalt  }
0x76: {  	_ =	shalt  }
0x77: {  	_ =	shalt  }
0x78: {  	_ =	shalt  }
0x79: {  	_ =	shalt  }
0x7a: {  	_ =	shalt  }
0x7b: {  	_ =	shalt  }
0x7c: {  	_ =	shalt  }
0x7d: {  	_ =	shalt  }
0x7e: {  	_ =	shalt  }
0x7f: {  	_ =	shalt  }
0x80: {  	_ =	shalt  }
0x81: {  	_ =	shalt  }
0x82: {  	_ =	shalt  }
0x83: {  	_ =	shalt  }
0x84: {  	_ =	shalt  }
0x85: {  	_ =	shalt  }
0x86: {  	_ =	shalt  }
0x87: {  	_ =	shalt  }
.Lfunc_end0:
.L_simem_size_0:
called_computation_lowered:
.L_overlay_start_0:
0x88: {  	s2 =	sld [smem:$0x3FD9]  }
0x89: {  	s3 =	sld [smem:$0x3FFE];
	_ =	sdelay $0x1  }
0x8a: {  	s1 =	srdreg.scid  }
0x8b: {  	s0 =	sand.u32 $0x1, s1  }
0x8c: {  	s17 =	sshll.u32 s0, $0xA;
	s2 =	sadd.s32 s3, s2  }
0x8d: {  	s2 =	sadd.s32 s2, s17  }
0x8e: {  	[smem:$0x3FB8] =	sst s2  }
0x8f: {  	_ = 	snop  }
0x90: {  	s2 =	sld [smem:$0x3FD0];
	(tm) =	ssettm $0x1  }
0x91: {  	s18 =	sld [smem:$0x3FFB];
	_ =	sdelay $0x3  }
0x92: {  	_ =	strace s18  }
0x93: {  	s3 =	sld [smem:$0x3FFC];
	_ =	sdelay $0x3  }
0x94: {  	_ =	strace s3  }
0x95: {  	s3 =	sld [smem:$0x3FFD];
	_ =	sdelay $0x3  }
0x96: {  	_ =	strace s3  }
0x97: {  	_ =	strace $0x8FFFFFFF  }
0x98: {  	s19 =	sld [smem:$0x3FDB];
	_ =	sdelay $0x1  }
0x99: {  	s4 =	simm.s32 $_scs_section_size  }
0x9a: {  	s5 =	simm.s32 $_size__tile_overlayer_lowered;
	s6 =	simm.s32 $_tile_overlayer_lowered  }
0x9b: {  	s22 =	simm.s32 $0x1BFF;
	s21 =	sshll.u32 s6, $0x1;
	s3 =	sadd.s32 s4, s19  }
0x9c: {  	s7 =	simm.s32 $0x0;
	s20 =	sshll.u32 s5, $0x1;
	s5 =	sadd.s32 s21, s3  }
0x9d: {  	[timem:s7], [sflag:s22] =	dma.local [hbm:s5], s20  }
0x9e: {  	_ =	swait.ge [sflag:s22], s20  }
0x9f: {  	s4 =	ssub.s32 $0x0, s20;
	[sflag:s22] =	ssyncset.done $0x0  }
0xa0: {  	[sflag:s22] =	ssyncadd.s32 s4;
	_ =	sdelay $0x1  }
0xa1: {  	s23 =	simm.s32 $0x1B8B  }
0xa2: {  	_ =	swait.ge [sflag:s23], $0x1  }
0xa3: {  	[sflag:s23] =	ssyncset.done $0x0  }
0xa4: {  	s25 =	simm.s32 $0x1B8E;
	s24 =	sld [smem:$0x3FFE];
	[sflag:s23] =	ssyncadd.s32 $0xFFFFFFFF  }
0xa5: {  	s26 =	simm.s32 $execute0_lowered;
	[smem:$0x3FD2] =	sst s25  }
0xa6: {  	s5 =	sshll.u32 s26, $0x1;
	_ =	strace $0x80000046;
	[dreg:$0x1] =	wrdreg $0xFFFFFFFF  }
0xa7: {  	s28 =	simm.s32 $_size_execute0_lowered;
	s3 =	sadd.s32 s3, s5;
	[dreg:$0x0] =	wrdreg $0x0  }
0xa8: {  	s5 =	sshll.u32 s28, $0x1;
	[dreg:$0x2] =	wrdreg s3  }
0xa9: {  	[dreg:$0x3] =	wrdreg s5  }
0xaa: {  	[dreg:$0x4] =	wrdreg $0xC0  }
0xab: {  	_ =	task [dreg:s7], $0x5FFFF  }
0xac: {  	[dreg:$0x1] =	wrdreg $0xFFFFFFFF  }
0xad: {  	[dreg:$0x0] =	wrdreg $0x60  }
0xae: {  	[dreg:$0x2] =	wrdreg s24  }
0xaf: {  	[dreg:$0x3] =	wrdreg s2  }
0xb0: {  	[dreg:$0x4] =	wrdreg $0x0  }
0xb1: {  	[dreg:$0x5] =	wrdreg $0x14000  }
0xb2: {  	[dreg:$0x6] =	wrdreg $0x9  }
0xb3: {  	_ =	task.clear_ibuf [dreg:s7], $0x7FFFF;
	_ =	strace $0x90000046  }
0xb4: {  	s29 =	simm.s32 $0x9;
	_ =	strace $0x80000048  }
0xb5: {  	_ =	swait.ge [sflag:s29], $0x1  }
0xb6: {  	[sflag:s29] =	ssyncadd.s32 $0xFFFFFFFF  }
0xb7: {  	_ =	strace $0x90000048  }
0xb8: {  	_ =	sfence  }
0xb9: {  	s30 =	sld [smem:$0x0];
	_ =	sdelay $0x2  }
0xba: {  	s31 =	sshll.u32 s1, $0xD;
	s1 =	sshrl.u32 s1, $0x2  }
0xbb: {  	s3 =	sand.u32 $0x4000, s31;
	s1 =	sadd.s32 s1, s30  }
0xbc: {  	s0 =	sor.u32 s3, s0;
	s1 =	sshll.u32 s1, $0x11  }
0xbd: {  	s0 =	sor.u32 s1, s0  }
0xbe: {  	s0 =	sadd.s32 $0x8F2B, s0  }
0xbf: {  	[sflag:s0] =	ssyncadd.remote.s32 $0x1  }
0xc0: {  	_ =	sfence.sel $0xFFFF  }
0xc1: {  	[dreg:$0x0] =	wrdreg $0xFFFFFFFF;
	(pc) =	sbr.abs _section_cstart, $3  }
0xc2: {  	[dreg:$0x1] =	wrdreg $0xFFFFFFFF  }
0xc3: {  	_ =	task.clear_ibuf [dreg:s7], $0x2FFFF;
	_ =	strace $0x9FFFFFFF  }
0xc4: {  	(tm) =	ssettm $0x7FFFFFFF  }
0xc5: {  	_ =	shalt  }
tec
execute0_lowered:
.L_overlay_start_1:
0x0: {  	(tag) =	ssettag $0x1  }
0x1: {  	s7 =	rddreg [dreg:$0x0]  }
0x2: {  	s1 =	rddreg [dreg:$0x1]  }
0x3: {  	s3 =	rddreg [dreg:$0x2]  }
0x4: {  	s4 =	rddreg [dreg:$0x3];
	s5 =	srdreg.scid  }
0x5: {  	s0 =	rddreg [dreg:$0x4];
	s2 =	stileid.u32;
	s17 =	simm.s32 $0x2800  }
0x6: {  	s18 =	simm.s32 $0x6800;
	s19 =	simm.s32 $0x50;
	s20 =	simm.s32 $0x6880  }
0x7: {  	s21 =	simm.s32 $0x6900;
	s22 =	simm.s32 $0x6980;
	s23 =	simm.s32 $0x6A00  }
0x8: {  	s24 =	simm.s32 $0x6A80;
	s25 =	simm.s32 $0x6B00;
	s26 =	simm.s32 $0x6B80  }
0x9: {  	s28 =	simm.s32 $0x0;
	s8 =	sand.u32 $0x1, s5;
	s5 =	simm.s32 $0x0  }
0xa: {  	s9 =	smul.u32 $0x14000, s2;
	s31 =	sshll.u32 s2, $0x6;
	s6 =	sshll.u32 s8, $0x4  }
0xb: {  	[smem:$0x7FF] =	sst s5;
	s10 =	smul.u32 $0x140000, s8;
	s8 =	ssub.s32 $0x2, s8  }
0xc: {  	s6 =	sor.u32 s2, s6;
	_ =	strace $0x80000047;
	s30 =	sshrl.u32 s8, $0x1  }
0xd: {  	s15 =	sadd.s32 s9, s3;
	s16 =	sadd.s32 s9, s4;
	s11 =	sshll.u32 s6, $0xB  }
0xe: {  	s6 =	sshll.u32 s6, $0x7;
	s10 =	sadd.s32 s9, s10;
	s14 =	ssub.s32 s8, s30  }
0xf: {  	s11 =	sadd.s32 s11, s7;
	s12 =	sadd.s32 s6, s7;
	s10 =	sshrl.u32 s10, $0x3  }
0x10: {  	s6 =	sadd.s32 $0x14600, s7;
	s13 =	sadd.s32 s10, s7;
	s7 =	sor.u32 $0x1C01, s31  }
0x11: {  	s8 =	sadd.s32 $0x3600, s11;
	s9 =	sadd.s32 $0x13600, s12;
	s12 =	smax.u32 s14, $0x1  }
0x12: {  	s14 =	simm.s32 $0x1;
	s10 =	sadd.s32 $0x14C00, s13;
	s11 =	sadd.s32 $0x64C00, s13  }
0x13: {  	s13 =	sshrl.u32 s15, $0x3;
	s15 =	sshrl.u32 s16, $0x3;
	s16 =	simm.s32 $0x6C00  }
.LBB2_1:
0x14: {  	[spmem:s13], [sflag:s7] =	dma.local [hbm:s1], $0x2800  }
0x15: {  	_ =	swait.ge [sflag:s14], $0x2800  }
0x16: {  	[sflag:s14] =	ssyncset.done $0x0  }
0x17: {  	[sflag:s14] =	ssyncadd.s32 $0xFFFFD800  }
0x18: {  	[spmem:s15], [sflag:s7] =	dma.local [hbm:s1], $0x2800  }
0x19: {  	_ =	swait.ge [sflag:s14], $0x2800  }
0x1a: {  	[sflag:s14] =	ssyncset.done $0x0  }
0x1b: {  	[sflag:s14] =	ssyncadd.s32 $0xFFFFD800  }
0x1c: {  	[tilespmem:s16], [sflag:$0x1] =	stream.linear.gather [hbm4b:s6+s5], $0x2800, $0x38;
	[tilespmem:$0x9400] =	vst v63  }
0x1d: {  	_ =	swait.ge [sflag:s14], $0x2800  }
0x1e: {  	[sflag:s14] =	ssyncset.done $0x0  }
0x1f: {  	[sflag:s14] =	ssyncadd.s32 $0xFFFFD800  }
0x20: {  	[tilespmem:s17], [sflag:$0x1] =	stream.linear.gather [hbm4b:s8+s5], $0x4000, $0x38;
	[tilespmem:$0x9400] =	vst v63  }
0x21: {  	_ =	swait.ge [sflag:s14], $0x4000  }
0x22: {  	[sflag:s14] =	ssyncset.done $0x0  }
0x23: {  	[sflag:s14] =	ssyncadd.s32 $0xFFFFC000  }
0x24: {  	[tilespmem:s18], [sflag:$0x1] =	stream.linear.gather [hbm4b:s9+s5], $0x400, $0x38;
	[tilespmem:$0x9400] =	vst v63  }
0x25: {  	_ =	swait.ge [sflag:s14], $0x400  }
0x26: {  	[sflag:s14] =	ssyncset.done $0x0  }
0x27: {  	[sflag:s14] =	ssyncadd.s32 $0xFFFFFC00  }
0x28: {  	s29 =	simm.s32 $0x2800;
	[bflag:$0x0] =	sbarrier.arrive $0xFFFF  }
0x29: {  	[spmem:s3] =	stream.indirect.scatter.add.f32 [tilespmem:s16], [sflag:$0x1], $0x8, s29, s19, $0xb8;
	[tilespmem:$0x9400] =	vst v63  }
0x2a: {  	s29 =	simm.s32 $0x200;
	_ =	swait.ge [sflag:s14], $0x280  }
.LBB2_2:
0x2b: {  	s30 =	sshra.s32 s29, $0x2;
	[sflag:s14] =	ssyncset.done $0x0;
	p0 =	sne.s32 s29, $0xFE00  }
.Ltmp0:
0x2c: {  	s30 =	sadd.s32 $0x2800, s30;
	[sflag:s14] =	ssyncadd.s32 $0xFFFFFD80;
	(pc) =	sbr.rel @p0 .LBB2_2-.Ltmp0, $3  }
0x2d: {  	[spmem:s3] =	stream.indirect.scatter.add.f32 [tilespmem:s16], [sflag:$0x1], $0x8, s30, s19, $0xb8;
	[tilespmem:$0x9400] =	vst v63  }
0x2e: {  	s29 =	sadd.s32 $0x200, s29;
	_ =	sdelay $0x1  }
0x2f: {  	_ =	swait.ge [sflag:s14], $0x280  }
0x30: {  	[sflag:s14] =	ssyncset.done $0x0  }
0x31: {  	[sflag:s14] =	ssyncadd.s32 $0xFFFFFD80  }
0x32: {  	[spmem:s4] =	stream.indirect.scatter.add.f32 [tilespmem:s16], [sflag:$0x1], $0x8, s18, s19, $0xb8;
	[tilespmem:$0x9400] =	vst v63  }
0x33: {  	_ =	swait.ge [sflag:s14], $0x280  }
0x34: {  	[sflag:s14] =	ssyncset.done $0x0  }
0x35: {  	[sflag:s14] =	ssyncadd.s32 $0xFFFFFD80  }
0x36: {  	[spmem:s4] =	stream.indirect.scatter.add.f32 [tilespmem:s16], [sflag:$0x1], $0x8, s20, s19, $0xb8;
	[tilespmem:$0x9400] =	vst v63  }
0x37: {  	_ =	swait.ge [sflag:s14], $0x280  }
0x38: {  	[sflag:s14] =	ssyncset.done $0x0  }
0x39: {  	[sflag:s14] =	ssyncadd.s32 $0xFFFFFD80  }
0x3a: {  	[spmem:s4] =	stream.indirect.scatter.add.f32 [tilespmem:s16], [sflag:$0x1], $0x8, s21, s19, $0xb8;
	[tilespmem:$0x9400] =	vst v63  }
0x3b: {  	_ =	swait.ge [sflag:s14], $0x280  }
0x3c: {  	[sflag:s14] =	ssyncset.done $0x0  }
0x3d: {  	[sflag:s14] =	ssyncadd.s32 $0xFFFFFD80  }
0x3e: {  	[spmem:s4] =	stream.indirect.scatter.add.f32 [tilespmem:s16], [sflag:$0x1], $0x8, s22, s19, $0xb8;
	[tilespmem:$0x9400] =	vst v63  }
0x3f: {  	_ =	swait.ge [sflag:s14], $0x280  }
0x40: {  	[sflag:s14] =	ssyncset.done $0x0  }
0x41: {  	[sflag:s14] =	ssyncadd.s32 $0xFFFFFD80  }
0x42: {  	[spmem:s4] =	stream.indirect.scatter.add.f32 [tilespmem:s16], [sflag:$0x1], $0x8, s23, s19, $0xb8;
	[tilespmem:$0x9400] =	vst v63  }
0x43: {  	_ =	swait.ge [sflag:s14], $0x280  }
0x44: {  	[sflag:s14] =	ssyncset.done $0x0  }
0x45: {  	[sflag:s14] =	ssyncadd.s32 $0xFFFFFD80  }
0x46: {  	[spmem:s4] =	stream.indirect.scatter.add.f32 [tilespmem:s16], [sflag:$0x1], $0x8, s24, s19, $0xb8;
	[tilespmem:$0x9400] =	vst v63  }
0x47: {  	_ =	swait.ge [sflag:s14], $0x280  }
0x48: {  	[sflag:s14] =	ssyncset.done $0x0  }
0x49: {  	[sflag:s14] =	ssyncadd.s32 $0xFFFFFD80  }
0x4a: {  	[spmem:s4] =	stream.indirect.scatter.add.f32 [tilespmem:s16], [sflag:$0x1], $0x8, s25, s19, $0xb8;
	[tilespmem:$0x9400] =	vst v63  }
0x4b: {  	_ =	swait.ge [sflag:s14], $0x280  }
0x4c: {  	[sflag:s14] =	ssyncset.done $0x0  }
0x4d: {  	[sflag:s14] =	ssyncadd.s32 $0xFFFFFD80  }
0x4e: {  	[spmem:s4] =	stream.indirect.scatter.add.f32 [tilespmem:s16], [sflag:$0x1], $0x8, s26, s19, $0xb8;
	[tilespmem:$0x9400] =	vst v63  }
0x4f: {  	_ =	swait.ge [sflag:s14], $0x280  }
0x50: {  	[sflag:s14] =	ssyncset.done $0x0  }
0x51: {  	[sflag:s14] =	ssyncadd.s32 $0xFFFFFD80  }
0x52: {  	[bflag:$0x0] =	sbarrier.arrive $0xFFFF  }
0x53: {  	[hbm:s10], [sflag:s7] =	dma.local [spmem:s13], $0x2800  }
0x54: {  	s28 =	sadd.s32 $0x1, s28;
	_ =	swait.ge [sflag:s14], $0x2800  }
0x55: {  	p0 =	sne.s32 s28, s12;
	[sflag:s14] =	ssyncset.done $0x0  }
.Ltmp1:
0x56: {  	[sflag:s14] =	ssyncadd.s32 $0xFFFFD800;
	(pc) =	sbr.rel @p0 .LBB2_1-.Ltmp1, $4  }
0x57: {  	[hbm:s11], [sflag:s7] =	dma.local [spmem:s15], $0x2800  }
0x58: {  	_ =	swait.ge [sflag:s14], $0x2800  }
0x59: {  	[sflag:s14] =	ssyncset.done $0x0  }
0x5a: {  	[sflag:s14] =	ssyncadd.s32 $0xFFFFD800  }
0x5b: {  	_ =	sfence.sel $0x180000  }
0x5c: {  	[bflag:$0x0] =	sbarrier.arrive $0xFFFF  }
0x5d: {  	p0 =	sne.s32 s2, $0x0;
	_ =	strace $0x90000047  }
0x5e: {  	s0 =	sadd.s32 @!p0 $0x100000, s0;
	[bflag:$0x2] =	sbarrier.arrive $0xFFFF  }
0x5f: {  	[sflag:s0] =	ssyncadd.tile.s32 @!p0 $0x1;
	_ =	shalt  }
.Lfunc_end2:
_tile_overlayer_lowered:
.L_overlay_start_2:
0x60: {  	(tag) =	ssettag $0x2  }
0x61: {  	s0 =	rddreg [dreg:$0x0];
	s2 =	stileid.u32  }
0x62: {  	s1 =	rddreg [dreg:$0x1];
	p0 =	sne.s32 s2, $0x0  }
0x63: {  	s3 =	rddreg [dreg:$0x2];
	[bflag:$0x3] =	sbarrier.arrive $0xFFFF;
	s2 =	simm.s32 @!p0 $0x1C01  }
0x64: {  	[timem:s3], [sflag:s2] =	dma.local @!p0 [hbm:s0], s1  }
0x65: {  	s0 =	simm.s32 @!p0 $0x1  }
0x66: {  	_ =	swait.ge @!p0 [sflag:s0], s1  }
0x67: {  	s1 =	ssub.s32 @!p0 $0x0, s1;
	[sflag:s0] =	ssyncset.done @!p0 $0x0  }
0x68: {  	[sflag:s0] =	ssyncadd.s32 @!p0 s1  }
0x69: {  	[bflag:$0x3] =	sbarrier.arrive $0xFFFF  }
0x6a: {  	_ =	shalt  }

// kernel: kernel.14.cloned.1.call-start
scs
__scs_entry_jumppad:
0x0: {  	(pc) =	sbr.rel $0x88, $3  }
0x1: {  	(tag) =	ssettag $0x0;
	lr =	simm.s32 $0x1  }
0x2: {  	[smem:$0x3F91] =	sst lr;
	_ =	strace $0xD0000000  }
0x3: {  	_ = 	snop  }
0x4: {  	_ = 	snop  }
0x5: {  	_ = 	snop  }
0x6: {  	_ = 	snop  }
0x7: {  	_ = 	snop  }
__scs_overlays_trampoline_lowered:
0x8: {  	[smem:$0x3FA0] =	sst s0  }
0x9: {  	[smem:$0x3FA1] =	sst s1  }
0xa: {  	[smem:$0x3FA2] =	sst s2  }
0xb: {  	[smem:$0x3FA3] =	sst s3  }
0xc: {  	[smem:$0x3FA4] =	sst s4  }
0xd: {  	[smem:$0x3FA5] =	sst s5  }
0xe: {  	[smem:$0x3FA6] =	sst s6  }
0xf: {  	[smem:$0x3FA7] =	sst s7  }
0x10: {  	[smem:$0x3FA8] =	sst s8  }
0x11: {  	[smem:$0x3FA9] =	sst s9;
	s0 =	simm.s32 @!p0 $0x0  }
0x12: {  	s1 =	sld [smem:$0x3F8F];
	s0 =	simm.s32 @p0 $0x1  }
0x13: {  	[smem:$0x3FAA] =	sst s0;
	s0 =	simm.s32 @!p1 $0x0  }
0x14: {  	s2 =	sld [smem:$0x3F8E];
	s0 =	simm.s32 @p1 $0x1  }
0x15: {  	[smem:$0x3FAB] =	sst s0;
	s0 =	simm.s32 @!p2 $0x0  }
0x16: {  	s3 =	sld [smem:$0x3FDB];
	s0 =	simm.s32 @p2 $0x1  }
0x17: {  	s4 =	simm.s32 $0x1BF5;
	[smem:$0x3FAD] =	sst s0  }
0x18: {  	s0 =	sld [smem:$0x3F90];
	_ =	swait.ge [sflag:s4], $0x0  }
0x19: {  	s7 =	sld [smem:$0x3F91]  }
0x1a: {  	s8 =	sadd.s32 $0xFFFFE003, lr  }
0x1b: {  	s9 =	sadd.s32 $0xFFFFFEF7, lr;
	s5 =	simm.s32 $0xFFFFFFFF;
	p2 =	slt.u32 s8, $0xFFFFF086  }
0x1c: {  	p1 =	slt.u32 s9, $0xF7A;
	s5 =	simm.s32 @!p2 $0x0  }
0x1d: {  	s5 =	simm.s32 @p1 $0x1;
	p0 =	seq.s32 s7, s2  }
0x1e: {  	s7 =	smul.u32 @!p0 $0xF7A, s2;
	p2 =	seq.s32 @!p0 s5, $0x0  }
0x1f: {  	s9 =	smul.u32 $0xF7A, s1;
	s8 =	simm.s32 @!p0 $0x1BF5;
	p2 =	por !p2, p0  }
0x20: {  	[sflag:s8] =	ssyncset.s32 @!p0 $0xFFFFF086;
	s6 =	sadd.s32 @!p0 s3, s7;
	s7 =	simm.s32 @!p0 $0x108  }
0x21: {  	s3 =	sadd.s32 s3, s9;
	s6 =	sadd.s32 @!p0 $0x88, s6;
	s7 =	simm.s32 @p2 $0x1082  }
0x22: {  	[simem:s7], [sflag:s8] =	dma.local @!p0 [hbm:s6], $0xF7A  }
0x23: {  	s9 =	sor.u32 $0xD0000000, s2;
	s6 =	simm.s32 $0x108;
	_ =	swait.ge @!p0 [sflag:s8], $0x0  }
0x24: {  	s3 =	sadd.s32 $0x88, s3;
	s6 =	simm.s32 @!p1 $0x1082;
	[sflag:s4] =	ssyncset.s32 $0xFFFFF086  }
0x25: {  	[simem:s6], [sflag:s4] =	dma.local [hbm:s3], $0xF7A  }
0x26: {  	[smem:$0x3F91] =	sst s1;
	(tag) =	ssettag s2;
	_ =	strace s9  }
0x27: {  	s1 =	sld [smem:$0x3FA1]  }
0x28: {  	s2 =	sld [smem:$0x3FA2]  }
0x29: {  	s4 =	sld [smem:$0x3FA4]  }
0x2a: {  	p0 =	seq.s32 s5, $0x0;
	s5 =	sld [smem:$0x3FA5]  }
0x2b: {  	s6 =	sld [smem:$0x3FA6]  }
0x2c: {  	s7 =	sld [smem:$0x3FA7]  }
0x2d: {  	s3 =	simm.s32 $0x108;
	s8 =	sld [smem:$0x3FA8]  }
0x2e: {  	s3 =	simm.s32 @!p0 $0x1082;
	s9 =	sld [smem:$0x3FA9]  }
0x2f: {  	lr =	sadd.s32 s0, s3;
	s0 =	sld [smem:$0x3FA0]  }
0x30: {  	s3 =	sld [smem:$0x3FA3]  }
0x31: {  	[smem:$0x3FAC] =	sst s10  }
0x32: {  	s10 =	sld [smem:$0x3FAA];
	_ =	sdelay $0x3  }
0x33: {  	p0 =	seq.s32 s10, $0x1;
	s10 =	sld [smem:$0x3FAC];
	_ =	sdelay $0x3  }
0x34: {  	[smem:$0x3FAC] =	sst s10  }
0x35: {  	s10 =	sld [smem:$0x3FAB];
	_ =	sdelay $0x3  }
0x36: {  	p1 =	seq.s32 s10, $0x1;
	s10 =	sld [smem:$0x3FAC];
	_ =	sdelay $0x3  }
0x37: {  	[smem:$0x3FAC] =	sst s10  }
0x38: {  	s10 =	sld [smem:$0x3FAD]  }
0x39: {  	_ = 	snop;
	(pc) =	sbr.ind lr, $3  }
0x3a: {  	_ = 	snop  }
0x3b: {  	_ = 	snop  }
0x3c: {  	p2 =	seq.s32 s10, $0x1;
	s10 =	sld [smem:$0x3FAC]  }
0x3d: {  	_ =	shalt  }
0x3e: {  	_ =	shalt  }
0x3f: {  	_ =	shalt  }
0x40: {  	_ =	shalt  }
0x41: {  	_ =	shalt  }
0x42: {  	_ =	shalt  }
0x43: {  	_ =	shalt  }
0x44: {  	_ =	shalt  }
0x45: {  	_ =	shalt  }
0x46: {  	_ =	shalt  }
0x47: {  	_ =	shalt  }
0x48: {  	_ =	shalt  }
0x49: {  	_ =	shalt  }
0x4a: {  	_ =	shalt  }
0x4b: {  	_ =	shalt  }
0x4c: {  	_ =	shalt  }
0x4d: {  	_ =	shalt  }
0x4e: {  	_ =	shalt  }
0x4f: {  	_ =	shalt  }
0x50: {  	_ =	shalt  }
0x51: {  	_ =	shalt  }
0x52: {  	_ =	shalt  }
0x53: {  	_ =	shalt  }
0x54: {  	_ =	shalt  }
0x55: {  	_ =	shalt  }
0x56: {  	_ =	shalt  }
0x57: {  	_ =	shalt  }
0x58: {  	_ =	shalt  }
0x59: {  	_ =	shalt  }
0x5a: {  	_ =	shalt  }
0x5b: {  	_ =	shalt  }
0x5c: {  	_ =	shalt  }
0x5d: {  	_ =	shalt  }
0x5e: {  	_ =	shalt  }
0x5f: {  	_ =	shalt  }
0x60: {  	_ =	shalt  }
0x61: {  	_ =	shalt  }
0x62: {  	_ =	shalt  }
0x63: {  	_ =	shalt  }
0x64: {  	_ =	shalt  }
0x65: {  	_ =	shalt  }
0x66: {  	_ =	shalt  }
0x67: {  	_ =	shalt  }
0x68: {  	_ =	shalt  }
0x69: {  	_ =	shalt  }
0x6a: {  	_ =	shalt  }
0x6b: {  	_ =	shalt  }
0x6c: {  	_ =	shalt  }
0x6d: {  	_ =	shalt  }
0x6e: {  	_ =	shalt  }
0x6f: {  	_ =	shalt  }
0x70: {  	_ =	shalt  }
0x71: {  	_ =	shalt  }
0x72: {  	_ =	shalt  }
0x73: {  	_ =	shalt  }
0x74: {  	_ =	shalt  }
0x75: {  	_ =	shalt  }
0x76: {  	_ =	shalt  }
0x77: {  	_ =	shalt  }
0x78: {  	_ =	shalt  }
0x79: {  	_ =	shalt  }
0x7a: {  	_ =	shalt  }
0x7b: {  	_ =	shalt  }
0x7c: {  	_ =	shalt  }
0x7d: {  	_ =	shalt  }
0x7e: {  	_ =	shalt  }
0x7f: {  	_ =	shalt  }
0x80: {  	_ =	shalt  }
0x81: {  	_ =	shalt  }
0x82: {  	_ =	shalt  }
0x83: {  	_ =	shalt  }
0x84: {  	_ =	shalt  }
0x85: {  	_ =	shalt  }
0x86: {  	_ =	shalt  }
0x87: {  	_ =	shalt  }
.Lfunc_end0:
.L_simem_size_0:
called_computation.1_lowered:
.L_overlay_start_0:
0x88: {  	s2 =	sld [smem:$0x3FD9]  }
0x89: {  	s3 =	sld [smem:$0x3FFE];
	_ =	sdelay $0x1  }
0x8a: {  	s1 =	srdreg.scid  }
0x8b: {  	s0 =	sand.u32 $0x1, s1  }
0x8c: {  	s17 =	sshll.u32 s0, $0xA;
	s2 =	sadd.s32 s3, s2  }
0x8d: {  	s2 =	sadd.s32 s2, s17  }
0x8e: {  	[smem:$0x3FB8] =	sst s2  }
0x8f: {  	_ = 	snop  }
0x90: {  	s2 =	sld [smem:$0x3FD0];
	(tm) =	ssettm $0x1  }
0x91: {  	s18 =	sld [smem:$0x3FFB];
	_ =	sdelay $0x3  }
0x92: {  	_ =	strace s18  }
0x93: {  	s3 =	sld [smem:$0x3FFC];
	_ =	sdelay $0x3  }
0x94: {  	_ =	strace s3  }
0x95: {  	s3 =	sld [smem:$0x3FFD];
	_ =	sdelay $0x3  }
0x96: {  	_ =	strace s3  }
0x97: {  	_ =	strace $0x8FFFFFFF  }
0x98: {  	s19 =	sld [smem:$0x3FDB];
	_ =	sdelay $0x1  }
0x99: {  	s4 =	simm.s32 $_scs_section_size  }
0x9a: {  	s5 =	simm.s32 $_size__tile_overlayer_lowered;
	s6 =	simm.s32 $_tile_overlayer_lowered  }
0x9b: {  	s22 =	simm.s32 $0x1BFF;
	s21 =	sshll.u32 s6, $0x1;
	s3 =	sadd.s32 s4, s19  }
0x9c: {  	s7 =	simm.s32 $0x0;
	s20 =	sshll.u32 s5, $0x1;
	s5 =	sadd.s32 s21, s3  }
0x9d: {  	[timem:s7], [sflag:s22] =	dma.local [hbm:s5], s20  }
0x9e: {  	_ =	swait.ge [sflag:s22], s20  }
0x9f: {  	s4 =	ssub.s32 $0x0, s20;
	[sflag:s22] =	ssyncset.done $0x0  }
0xa0: {  	[sflag:s22] =	ssyncadd.s32 s4;
	_ =	sdelay $0x1  }
0xa1: {  	s23 =	simm.s32 $0x1B8B  }
0xa2: {  	_ =	swait.ge [sflag:s23], $0x1  }
0xa3: {  	[sflag:s23] =	ssyncset.done $0x0  }
0xa4: {  	s25 =	simm.s32 $0x1B8E;
	s24 =	sld [smem:$0x3FFE];
	[sflag:s23] =	ssyncadd.s32 $0xFFFFFFFF  }
0xa5: {  	s26 =	simm.s32 $execute0_lowered;
	[smem:$0x3FD2] =	sst s25  }
0xa6: {  	s5 =	sshll.u32 s26, $0x1;
	_ =	strace $0x80000049;
	[dreg:$0x1] =	wrdreg $0xFFFFFFFF  }
0xa7: {  	s28 =	simm.s32 $_size_execute0_lowered;
	s3 =	sadd.s32 s3, s5;
	[dreg:$0x0] =	wrdreg $0x0  }
0xa8: {  	s5 =	sshll.u32 s28, $0x1;
	[dreg:$0x2] =	wrdreg s3  }
0xa9: {  	[dreg:$0x3] =	wrdreg s5  }
0xaa: {  	[dreg:$0x4] =	wrdreg $0xC0  }
0xab: {  	_ =	task [dreg:s7], $0x5FFFF  }
0xac: {  	[dreg:$0x1] =	wrdreg $0xFFFFFFFF  }
0xad: {  	[dreg:$0x0] =	wrdreg $0x60  }
0xae: {  	[dreg:$0x2] =	wrdreg s24  }
0xaf: {  	[dreg:$0x3] =	wrdreg s2  }
0xb0: {  	[dreg:$0x4] =	wrdreg $0x0  }
0xb1: {  	[dreg:$0x5] =	wrdreg $0x9  }
0xb2: {  	_ =	task.clear_ibuf [dreg:s7], $0x6FFFF;
	_ =	strace $0x90000049  }
0xb3: {  	s29 =	simm.s32 $0x9;
	_ =	strace $0x8000004B  }
0xb4: {  	_ =	swait.ge [sflag:s29], $0x1  }
0xb5: {  	[sflag:s29] =	ssyncadd.s32 $0xFFFFFFFF  }
0xb6: {  	_ =	strace $0x9000004B  }
0xb7: {  	_ =	sfence  }
0xb8: {  	s30 =	sld [smem:$0x0];
	_ =	sdelay $0x2  }
0xb9: {  	s31 =	sshll.u32 s1, $0xD;
	s1 =	sshrl.u32 s1, $0x2  }
0xba: {  	s3 =	sand.u32 $0x4000, s31;
	s1 =	sadd.s32 s1, s30  }
0xbb: {  	s0 =	sor.u32 s3, s0;
	s1 =	sshll.u32 s1, $0x11  }
0xbc: {  	s0 =	sor.u32 s1, s0  }
0xbd: {  	s0 =	sadd.s32 $0x8F2B, s0  }
0xbe: {  	[sflag:s0] =	ssyncadd.remote.s32 $0x1  }
0xbf: {  	_ =	sfence.sel $0xFFFF  }
0xc0: {  	[dreg:$0x0] =	wrdreg $0xFFFFFFFF;
	(pc) =	sbr.abs _section_cstart, $3  }
0xc1: {  	[dreg:$0x1] =	wrdreg $0xFFFFFFFF  }
0xc2: {  	_ =	task.clear_ibuf [dreg:s7], $0x2FFFF;
	_ =	strace $0x9FFFFFFF  }
0xc3: {  	(tm) =	ssettm $0x7FFFFFFF  }
tec
execute0_lowered:
.L_overlay_start_1:
0x0: {  	(tag) =	ssettag $0x1  }
0x1: {  	s0 =	rddreg [dreg:$0x0]  }
0x2: {  	s2 =	rddreg [dreg:$0x2]  }
0x3: {  	s1 =	srdreg.scid;
	s4 =	simm.s32 $0x0;
	s9 =	stileid.u32  }
0x4: {  	s11 =	simm.s32 $0x14180;
	s12 =	simm.s32 $0x14880;
	s13 =	simm.s32 $0x14900  }
0x5: {  	s14 =	simm.s32 $0x14980;
	s15 =	simm.s32 $0x14200;
	s16 =	simm.s32 $0x14280  }
0x6: {  	s17 =	simm.s32 $0x14300;
	s18 =	simm.s32 $0x14380;
	s19 =	simm.s32 $0x14A00  }
0x7: {  	s20 =	simm.s32 $0x14A80;
	s28 =	simm.s32 $0x14680;
	[smem:$0x7FF] =	sst s4  }
0x8: {  	s29 =	simm.s32 $0x14700;
	_ =	strace $0x8000004A;
	[dreg:$0x8] =	wrdreg s11  }
0x9: {  	s30 =	simm.s32 $0x14780;
	s31 =	simm.s32 $0x14E00;
	[dreg:$0x9] =	wrdreg s12  }
0xa: {  	s1 =	sand.u32 $0x1, s1;
	s6 =	smul.u32 $0x14000, s9;
	[dreg:$0xa] =	wrdreg s13  }
0xb: {  	s5 =	sadd.s32 $0xC4C00, s0;
	s22 =	sshll.u32 s9, $0xB;
	[dreg:$0xb] =	wrdreg s14  }
0xc: {  	s25 =	smul.u32 $0x50000, s9;
	s10 =	sshll.u32 s9, $0x6;
	[dreg:$0xc] =	wrdreg s15  }
0xd: {  	s9 =	simm.s32 $0x0;
	s3 =	smul.u32 $0x140000, s1;
	[dreg:$0xd] =	wrdreg s16  }
0xe: {  	s7 =	sshll.u32 s1, $0xF;
	s1 =	ssub.s32 $0x2, s1;
	[dreg:$0xe] =	wrdreg s17  }
0xf: {  	s11 =	simm.s32 $0x14000;
	s12 =	simm.s32 $0x14800;
	[dreg:$0xf] =	wrdreg s18  }
0x10: {  	s13 =	simm.s32 $0x50;
	s14 =	simm.s32 $0x15000;
	[dreg:$0x10] =	wrdreg s19  }
0x11: {  	s15 =	simm.s32 $0x17800;
	[dreg:$0x11] =	wrdreg s20;
	s16 =	simm.s32 $0x1A000  }
0x12: {  	s17 =	simm.s32 $0x1C800;
	s18 =	simm.s32 $0x1;
	s19 =	simm.s32 $0x2  }
0x13: {  	s20 =	simm.s32 $0x3;
	s21 =	sadd.s32 s7, s0;
	s24 =	sshrl.u32 s1, $0x1  }
0x14: {  	s26 =	sshrl.u32 s25, $0x2;
	s7 =	simm.s32 $0x14080;
	s25 =	simm.s32 $0x14500  }
0x15: {  	s3 =	sadd.s32 s6, s3;
	s23 =	sadd.s32 s22, s21;
	[dreg:$0x6] =	wrdreg s7  }
0x16: {  	s1 =	ssub.s32 s1, s24;
	s21 =	simm.s32 $0x14B00;
	[dreg:$0x16] =	wrdreg s25  }
0x17: {  	s6 =	sadd.s32 s26, s2;
	s22 =	simm.s32 $0x14B80;
	[dreg:$0x12] =	wrdreg s21  }
0x18: {  	s7 =	sor.u32 $0x1C05, s10;
	s24 =	simm.s32 $0x14480;
	[dreg:$0x13] =	wrdreg s22  }
0x19: {  	s10 =	simm.s32 $0x5;
	s26 =	simm.s32 $0x14580;
	[dreg:$0x15] =	wrdreg s24  }
0x1a: {  	s25 =	simm.s32 $0x14D80;
	s3 =	sshrl.u32 s3, $0x3;
	[dreg:$0x17] =	wrdreg s26  }
0x1b: {  	s8 =	sadd.s32 $0x3600, s23;
	s1 =	smax.u32 s1, $0x1;
	[dreg:$0x18] =	wrdreg s7  }
0x1c: {  	s21 =	simm.s32 $0x4;
	s22 =	simm.s32 $0x14C00;
	[dreg:$0x4] =	wrdreg s8  }
0x1d: {  	s0 =	sadd.s32 s3, s0;
	s3 =	sadd.s32 $0xB4C00, s23;
	[dreg:$0x1a] =	wrdreg s1  }
0x1e: {  	s24 =	simm.s32 $0x14D00;
	s8 =	simm.s32 $0x14100;
	[dreg:$0x5] =	wrdreg s3  }
0x1f: {  	s26 =	simm.s32 $0x14600;
	s23 =	simm.s32 $0x14400;
	[dreg:$0x7] =	wrdreg s8  }
0x20: {  	s1 =	simm.s32 $0x14F80;
	s0 =	sadd.s32 $0xECC00, s0;
	[dreg:$0x14] =	wrdreg s23  }
0x21: {  	s8 =	sshrl.u32 s6, $0x3;
	s23 =	simm.s32 $0x14C80;
	[dreg:$0x19] =	wrdreg s0  }
0x22: {  	s3 =	simm.s32 $0x14F00;
	s0 =	simm.s32 $0x14E80;
	[dreg:$0x1b] =	wrdreg s8  }
.LBB2_1:
0x23: {  	[dreg:$0x1c] =	wrdreg s9  }
0x24: {  	s6 =	rddreg [dreg:$0x1]  }
0x25: {  	[spmem:s8], [sflag:s7] =	dma.local [hbm:s6], $0x2800  }
0x26: {  	_ =	swait.ge [sflag:s10], $0x2800  }
0x27: {  	[sflag:s10] =	ssyncset.done $0x0  }
0x28: {  	[sflag:s10] =	ssyncadd.s32 $0xFFFFD800  }
0x29: {  	[bflag:$0x0] =	sbarrier.arrive $0xFFFF  }
0x2a: {  	s9 =	rddreg [dreg:$0x5]  }
0x2b: {  	s6 =	sadd.s32 $0x0, s9  }
0x2c: {  	[tilespmem:s11], [sflag:$0x5] =	stream.linear.gather [hbm4b:s6+s4], $0x800, $0x38;
	[tilespmem:$0x1F000] =	vst v63  }
0x2d: {  	_ =	swait.ge [sflag:s10], $0x800  }
0x2e: {  	s7 =	rddreg [dreg:$0x4];
	[sflag:s10] =	ssyncset.done $0x0  }
0x2f: {  	[sflag:s10] =	ssyncadd.s32 $0xFFFFF800;
	s6 =	sadd.s32 $0x0, s7  }
0x30: {  	[tilespmem:s12], [sflag:$0x5] =	stream.linear.gather [hbm4b:s6+s4], $0x800, $0x38;
	[tilespmem:$0x1F000] =	vst v63  }
0x31: {  	_ =	swait.ge [sflag:s10], $0x800  }
0x32: {  	[sflag:s10] =	ssyncset.done $0x0  }
0x33: {  	[sflag:s10] =	ssyncadd.s32 $0xFFFFF800  }
0x34: {  	[tilespmem:s14], [sflag:$0x1] =	stream.indirect.gather [hbm4b:s5+s13], $0x80, s11, s13, $0xb8;
	[tilespmem:$0x1F000] =	vst v63  }
0x35: {  	s8 =	rddreg [dreg:$0x6]  }
0x36: {  	[tilespmem:s15], [sflag:$0x2] =	stream.indirect.gather [hbm4b:s5+s13], $0x80, s8, s13, $0xb8;
	[tilespmem:$0x1F000] =	vst v63  }
0x37: {  	s9 =	rddreg [dreg:$0x7]  }
0x38: {  	[tilespmem:s16], [sflag:$0x3] =	stream.indirect.gather [hbm4b:s5+s13], $0x80, s9, s13, $0xb8;
	[tilespmem:$0x1F000] =	vst v63  }
0x39: {  	s7 =	rddreg [dreg:$0x8]  }
0x3a: {  	[tilespmem:s17], [sflag:$0x4] =	stream.indirect.gather [hbm4b:s5+s13], $0x80, s7, s13, $0xb8;
	[tilespmem:$0x1F000] =	vst v63  }
0x3b: {  	_ =	swait.ge [sflag:s18], $0x2800  }
0x3c: {  	[sflag:s18] =	ssyncset.done $0x0  }
0x3d: {  	[sflag:s18] =	ssyncadd.s32 $0xFFFFD800  }
0x3e: {  	[spmem:s2] =	stream.indirect.scatter.add.f32 [tilespmem:s14], [sflag:$0x5], $0x80, s12, s13, $0xb8;
	[tilespmem:$0x1F000] =	vst v63  }
0x3f: {  	_ =	swait.ge [sflag:s10], $0x2800  }
0x40: {  	[sflag:s10] =	ssyncset.done $0x0  }
0x41: {  	[sflag:s10] =	ssyncadd.s32 $0xFFFFD800  }
0x42: {  	_ =	swait.ge [sflag:s19], $0x2800  }
0x43: {  	[sflag:s19] =	ssyncset.done $0x0  }
0x44: {  	s8 =	rddreg [dreg:$0x9];
	[sflag:s19] =	ssyncadd.s32 $0xFFFFD800  }
0x45: {  	[spmem:s2] =	stream.indirect.scatter.add.f32 [tilespmem:s15], [sflag:$0x5], $0x80, s8, s13, $0xb8;
	[tilespmem:$0x1F000] =	vst v63  }
0x46: {  	_ =	swait.ge [sflag:s10], $0x2800  }
0x47: {  	[sflag:s10] =	ssyncset.done $0x0  }
0x48: {  	[sflag:s10] =	ssyncadd.s32 $0xFFFFD800  }
0x49: {  	_ =	swait.ge [sflag:s20], $0x2800  }
0x4a: {  	[sflag:s20] =	ssyncset.done $0x0  }
0x4b: {  	s9 =	rddreg [dreg:$0xa];
	[sflag:s20] =	ssyncadd.s32 $0xFFFFD800  }
0x4c: {  	[spmem:s2] =	stream.indirect.scatter.add.f32 [tilespmem:s16], [sflag:$0x5], $0x80, s9, s13, $0xb8;
	[tilespmem:$0x1F000] =	vst v63  }
0x4d: {  	_ =	swait.ge [sflag:s10], $0x2800  }
0x4e: {  	[sflag:s10] =	ssyncset.done $0x0  }
0x4f: {  	[sflag:s10] =	ssyncadd.s32 $0xFFFFD800  }
0x50: {  	_ =	swait.ge [sflag:s21], $0x2800  }
0x51: {  	[sflag:s21] =	ssyncset.done $0x0  }
0x52: {  	s7 =	rddreg [dreg:$0xb];
	[sflag:s21] =	ssyncadd.s32 $0xFFFFD800  }
0x53: {  	[spmem:s2] =	stream.indirect.scatter.add.f32 [tilespmem:s17], [sflag:$0x5], $0x80, s7, s13, $0xb8;
	[tilespmem:$0x1F000] =	vst v63  }
0x54: {  	_ =	swait.ge [sflag:s10], $0x2800  }
0x55: {  	[sflag:s10] =	ssyncset.done $0x0  }
0x56: {  	s8 =	rddreg [dreg:$0xc];
	[sflag:s10] =	ssyncadd.s32 $0xFFFFD800  }
0x57: {  	[tilespmem:s14], [sflag:$0x1] =	stream.indirect.gather [hbm4b:s5+s13], $0x80, s8, s13, $0xb8;
	[tilespmem:$0x1F000] =	vst v63  }
0x58: {  	s9 =	rddreg [dreg:$0xd]  }
0x59: {  	[tilespmem:s15], [sflag:$0x2] =	stream.indirect.gather [hbm4b:s5+s13], $0x80, s9, s13, $0xb8;
	[tilespmem:$0x1F000] =	vst v63  }
0x5a: {  	s7 =	rddreg [dreg:$0xe]  }
0x5b: {  	[tilespmem:s16], [sflag:$0x3] =	stream.indirect.gather [hbm4b:s5+s13], $0x80, s7, s13, $0xb8;
	[tilespmem:$0x1F000] =	vst v63  }
0x5c: {  	s9 =	rddreg [dreg:$0xf]  }
0x5d: {  	[tilespmem:s17], [sflag:$0x4] =	stream.indirect.gather [hbm4b:s5+s13], $0x80, s9, s13, $0xb8;
	[tilespmem:$0x1F000] =	vst v63  }
0x5e: {  	_ =	swait.ge [sflag:s18], $0x2800  }
0x5f: {  	[sflag:s18] =	ssyncset.done $0x0  }
0x60: {  	s7 =	rddreg [dreg:$0x10];
	[sflag:s18] =	ssyncadd.s32 $0xFFFFD800  }
0x61: {  	[spmem:s2] =	stream.indirect.scatter.add.f32 [tilespmem:s14], [sflag:$0x5], $0x80, s7, s13, $0xb8;
	[tilespmem:$0x1F000] =	vst v63  }
0x62: {  	_ =	swait.ge [sflag:s10], $0x2800  }
0x63: {  	[sflag:s10] =	ssyncset.done $0x0  }
0x64: {  	[sflag:s10] =	ssyncadd.s32 $0xFFFFD800  }
0x65: {  	_ =	swait.ge [sflag:s19], $0x2800  }
0x66: {  	[sflag:s19] =	ssyncset.done $0x0  }
0x67: {  	s8 =	rddreg [dreg:$0x11];
	[sflag:s19] =	ssyncadd.s32 $0xFFFFD800  }
0x68: {  	[spmem:s2] =	stream.indirect.scatter.add.f32 [tilespmem:s15], [sflag:$0x5], $0x80, s8, s13, $0xb8;
	[tilespmem:$0x1F000] =	vst v63  }
0x69: {  	_ =	swait.ge [sflag:s10], $0x2800  }
0x6a: {  	[sflag:s10] =	ssyncset.done $0x0  }
0x6b: {  	[sflag:s10] =	ssyncadd.s32 $0xFFFFD800  }
0x6c: {  	_ =	swait.ge [sflag:s20], $0x2800  }
0x6d: {  	[sflag:s20] =	ssyncset.done $0x0  }
0x6e: {  	s9 =	rddreg [dreg:$0x12];
	[sflag:s20] =	ssyncadd.s32 $0xFFFFD800  }
0x6f: {  	[spmem:s2] =	stream.indirect.scatter.add.f32 [tilespmem:s16], [sflag:$0x5], $0x80, s9, s13, $0xb8;
	[tilespmem:$0x1F000] =	vst v63  }
0x70: {  	_ =	swait.ge [sflag:s10], $0x2800  }
0x71: {  	[sflag:s10] =	ssyncset.done $0x0  }
0x72: {  	[sflag:s10] =	ssyncadd.s32 $0xFFFFD800  }
0x73: {  	_ =	swait.ge [sflag:s21], $0x2800  }
0x74: {  	[sflag:s21] =	ssyncset.done $0x0  }
0x75: {  	s7 =	rddreg [dreg:$0x13];
	[sflag:s21] =	ssyncadd.s32 $0xFFFFD800  }
0x76: {  	[spmem:s2] =	stream.indirect.scatter.add.f32 [tilespmem:s17], [sflag:$0x5], $0x80, s7, s13, $0xb8;
	[tilespmem:$0x1F000] =	vst v63  }
0x77: {  	_ =	swait.ge [sflag:s10], $0x2800  }
0x78: {  	[sflag:s10] =	ssyncset.done $0x0  }
0x79: {  	s8 =	rddreg [dreg:$0x14];
	[sflag:s10] =	ssyncadd.s32 $0xFFFFD800  }
0x7a: {  	[tilespmem:s14], [sflag:$0x1] =	stream.indirect.gather [hbm4b:s5+s13], $0x80, s8, s13, $0xb8;
	[tilespmem:$0x1F000] =	vst v63  }
0x7b: {  	s9 =	rddreg [dreg:$0x15]  }
0x7c: {  	[tilespmem:s15], [sflag:$0x2] =	stream.indirect.gather [hbm4b:s5+s13], $0x80, s9, s13, $0xb8;
	[tilespmem:$0x1F000] =	vst v63  }
0x7d: {  	s7 =	rddreg [dreg:$0x16]  }
0x7e: {  	[tilespmem:s16], [sflag:$0x3] =	stream.indirect.gather [hbm4b:s5+s13], $0x80, s7, s13, $0xb8;
	[tilespmem:$0x1F000] =	vst v63  }
0x7f: {  	s9 =	rddreg [dreg:$0x17]  }
0x80: {  	[tilespmem:s17], [sflag:$0x4] =	stream.indirect.gather [hbm4b:s5+s13], $0x80, s9, s13, $0xb8;
	[tilespmem:$0x1F000] =	vst v63  }
0x81: {  	_ =	swait.ge [sflag:s18], $0x2800  }
0x82: {  	[sflag:s18] =	ssyncset.done $0x0  }
0x83: {  	[sflag:s18] =	ssyncadd.s32 $0xFFFFD800  }
0x84: {  	[spmem:s2] =	stream.indirect.scatter.add.f32 [tilespmem:s14], [sflag:$0x5], $0x80, s22, s13, $0xb8;
	[tilespmem:$0x1F000] =	vst v63  }
0x85: {  	_ =	swait.ge [sflag:s10], $0x2800  }
0x86: {  	[sflag:s10] =	ssyncset.done $0x0  }
0x87: {  	[sflag:s10] =	ssyncadd.s32 $0xFFFFD800  }
0x88: {  	_ =	swait.ge [sflag:s19], $0x2800  }
0x89: {  	[sflag:s19] =	ssyncset.done $0x0  }
0x8a: {  	[sflag:s19] =	ssyncadd.s32 $0xFFFFD800  }
0x8b: {  	[spmem:s2] =	stream.indirect.scatter.add.f32 [tilespmem:s15], [sflag:$0x5], $0x80, s23, s13, $0xb8;
	[tilespmem:$0x1F000] =	vst v63  }
0x8c: {  	_ =	swait.ge [sflag:s10], $0x2800  }
0x8d: {  	[sflag:s10] =	ssyncset.done $0x0  }
0x8e: {  	[sflag:s10] =	ssyncadd.s32 $0xFFFFD800  }
0x8f: {  	_ =	swait.ge [sflag:s20], $0x2800  }
0x90: {  	[sflag:s20] =	ssyncset.done $0x0  }
0x91: {  	[sflag:s20] =	ssyncadd.s32 $0xFFFFD800  }
0x92: {  	[spmem:s2] =	stream.indirect.scatter.add.f32 [tilespmem:s16], [sflag:$0x5], $0x80, s24, s13, $0xb8;
	[tilespmem:$0x1F000] =	vst v63  }
0x93: {  	_ =	swait.ge [sflag:s10], $0x2800  }
0x94: {  	[sflag:s10] =	ssyncset.done $0x0  }
0x95: {  	[sflag:s10] =	ssyncadd.s32 $0xFFFFD800  }
0x96: {  	_ =	swait.ge [sflag:s21], $0x2800  }
0x97: {  	[sflag:s21] =	ssyncset.done $0x0  }
0x98: {  	[sflag:s21] =	ssyncadd.s32 $0xFFFFD800  }
0x99: {  	[spmem:s2] =	stream.indirect.scatter.add.f32 [tilespmem:s17], [sflag:$0x5], $0x80, s25, s13, $0xb8;
	[tilespmem:$0x1F000] =	vst v63  }
0x9a: {  	_ =	swait.ge [sflag:s10], $0x2800  }
0x9b: {  	[sflag:s10] =	ssyncset.done $0x0  }
0x9c: {  	[sflag:s10] =	ssyncadd.s32 $0xFFFFD800  }
0x9d: {  	[tilespmem:s14], [sflag:$0x1] =	stream.indirect.gather [hbm4b:s5+s13], $0x80, s26, s13, $0xb8;
	[tilespmem:$0x1F000] =	vst v63  }
0x9e: {  	_ = 	snop  }
0x9f: {  	[tilespmem:s15], [sflag:$0x2] =	stream.indirect.gather [hbm4b:s5+s13], $0x80, s28, s13, $0xb8;
	[tilespmem:$0x1F000] =	vst v63  }
0xa0: {  	_ = 	snop  }
0xa1: {  	[tilespmem:s16], [sflag:$0x3] =	stream.indirect.gather [hbm4b:s5+s13], $0x80, s29, s13, $0xb8;
	[tilespmem:$0x1F000] =	vst v63  }
0xa2: {  	_ = 	snop  }
0xa3: {  	[tilespmem:s17], [sflag:$0x4] =	stream.indirect.gather [hbm4b:s5+s13], $0x80, s30, s13, $0xb8;
	[tilespmem:$0x1F000] =	vst v63  }
0xa4: {  	_ =	swait.ge [sflag:s18], $0x2800  }
0xa5: {  	[sflag:s18] =	ssyncset.done $0x0  }
0xa6: {  	[sflag:s18] =	ssyncadd.s32 $0xFFFFD800  }
0xa7: {  	[spmem:s2] =	stream.indirect.scatter.add.f32 [tilespmem:s14], [sflag:$0x5], $0x80, s31, s13, $0xb8;
	[tilespmem:$0x1F000] =	vst v63  }
0xa8: {  	_ =	swait.ge [sflag:s10], $0x2800  }
0xa9: {  	[sflag:s10] =	ssyncset.done $0x0  }
0xaa: {  	[sflag:s10] =	ssyncadd.s32 $0xFFFFD800  }
0xab: {  	_ =	swait.ge [sflag:s19], $0x2800  }
0xac: {  	[sflag:s19] =	ssyncset.done $0x0  }
0xad: {  	[sflag:s19] =	ssyncadd.s32 $0xFFFFD800  }
0xae: {  	[spmem:s2] =	stream.indirect.scatter.add.f32 [tilespmem:s15], [sflag:$0x5], $0x80, s0, s13, $0xb8;
	[tilespmem:$0x1F000] =	vst v63  }
0xaf: {  	_ =	swait.ge [sflag:s10], $0x2800  }
0xb0: {  	[sflag:s10] =	ssyncset.done $0x0  }
0xb1: {  	[sflag:s10] =	ssyncadd.s32 $0xFFFFD800  }
0xb2: {  	_ =	swait.ge [sflag:s20], $0x2800  }
0xb3: {  	[sflag:s20] =	ssyncset.done $0x0  }
0xb4: {  	[sflag:s20] =	ssyncadd.s32 $0xFFFFD800  }
0xb5: {  	[spmem:s2] =	stream.indirect.scatter.add.f32 [tilespmem:s16], [sflag:$0x5], $0x80, s3, s13, $0xb8;
	[tilespmem:$0x1F000] =	vst v63  }
0xb6: {  	_ =	swait.ge [sflag:s10], $0x2800  }
0xb7: {  	[sflag:s10] =	ssyncset.done $0x0  }
0xb8: {  	[sflag:s10] =	ssyncadd.s32 $0xFFFFD800  }
0xb9: {  	_ =	swait.ge [sflag:s21], $0x2800  }
0xba: {  	[sflag:s21] =	ssyncset.done $0x0  }
0xbb: {  	[sflag:s21] =	ssyncadd.s32 $0xFFFFD800  }
0xbc: {  	[spmem:s2] =	stream.indirect.scatter.add.f32 [tilespmem:s17], [sflag:$0x5], $0x80, s1, s13, $0xb8;
	[tilespmem:$0x1F000] =	vst v63  }
0xbd: {  	s6 =	simm.s32 $0x200;
	_ =	swait.ge [sflag:s10], $0x2800  }
0xbe: {  	s8 =	simm.s32 $0x100;
	s9 =	rddreg [dreg:$0x5];
	[sflag:s10] =	ssyncset.done $0x0  }
.LBB2_2:
0xbf: {  	[sflag:s10] =	ssyncadd.s32 $0xFFFFD800;
	s9 =	sadd.s32 s8, s9  }
0xc0: {  	[tilespmem:s11], [sflag:$0x5] =	stream.linear.gather [hbm4b:s9+s4], $0x800, $0x38;
	[tilespmem:$0x1F000] =	vst v63  }
0xc1: {  	_ =	swait.ge [sflag:s10], $0x800  }
0xc2: {  	s9 =	rddreg [dreg:$0x4];
	[sflag:s10] =	ssyncset.done $0x0  }
0xc3: {  	[sflag:s10] =	ssyncadd.s32 $0xFFFFF800;
	s9 =	sadd.s32 s8, s9  }
0xc4: {  	[tilespmem:s12], [sflag:$0x5] =	stream.linear.gather [hbm4b:s9+s4], $0x800, $0x38;
	[tilespmem:$0x1F000] =	vst v63  }
0xc5: {  	_ =	swait.ge [sflag:s10], $0x800  }
0xc6: {  	[sflag:s10] =	ssyncset.done $0x0  }
0xc7: {  	s7 =	smov.u32 s6;
	[sflag:s10] =	ssyncadd.s32 $0xFFFFF800  }
0xc8: {  	[tilespmem:s14], [sflag:$0x1] =	stream.indirect.gather [hbm4b:s5+s13], $0x80, s11, s13, $0xb8;
	[tilespmem:$0x1F000] =	vst v63  }
0xc9: {  	s8 =	smov.u32 s7;
	s7 =	rddreg [dreg:$0x6]  }
0xca: {  	[tilespmem:s15], [sflag:$0x2] =	stream.indirect.gather [hbm4b:s5+s13], $0x80, s7, s13, $0xb8;
	[tilespmem:$0x1F000] =	vst v63  }
0xcb: {  	s9 =	rddreg [dreg:$0x7]  }
0xcc: {  	[tilespmem:s16], [sflag:$0x3] =	stream.indirect.gather [hbm4b:s5+s13], $0x80, s9, s13, $0xb8;
	[tilespmem:$0x1F000] =	vst v63  }
0xcd: {  	s7 =	rddreg [dreg:$0x8]  }
0xce: {  	[tilespmem:s17], [sflag:$0x4] =	stream.indirect.gather [hbm4b:s5+s13], $0x80, s7, s13, $0xb8;
	[tilespmem:$0x1F000] =	vst v63  }
0xcf: {  	_ =	swait.ge [sflag:s18], $0x2800  }
0xd0: {  	[sflag:s18] =	ssyncset.done $0x0  }
0xd1: {  	[sflag:s18] =	ssyncadd.s32 $0xFFFFD800  }
0xd2: {  	[spmem:s2] =	stream.indirect.scatter.add.f32 [tilespmem:s14], [sflag:$0x5], $0x80, s12, s13, $0xb8;
	[tilespmem:$0x1F000] =	vst v63  }
0xd3: {  	_ =	swait.ge [sflag:s10], $0x2800  }
0xd4: {  	[sflag:s10] =	ssyncset.done $0x0  }
0xd5: {  	[sflag:s10] =	ssyncadd.s32 $0xFFFFD800  }
0xd6: {  	_ =	swait.ge [sflag:s19], $0x2800  }
0xd7: {  	[sflag:s19] =	ssyncset.done $0x0  }
0xd8: {  	s9 =	rddreg [dreg:$0x9];
	[sflag:s19] =	ssyncadd.s32 $0xFFFFD800  }
0xd9: {  	[spmem:s2] =	stream.indirect.scatter.add.f32 [tilespmem:s15], [sflag:$0x5], $0x80, s9, s13, $0xb8;
	[tilespmem:$0x1F000] =	vst v63  }
0xda: {  	_ =	swait.ge [sflag:s10], $0x2800  }
0xdb: {  	[sflag:s10] =	ssyncset.done $0x0  }
0xdc: {  	[sflag:s10] =	ssyncadd.s32 $0xFFFFD800  }
0xdd: {  	_ =	swait.ge [sflag:s20], $0x2800  }
0xde: {  	[sflag:s20] =	ssyncset.done $0x0  }
0xdf: {  	s9 =	rddreg [dreg:$0xa];
	[sflag:s20] =	ssyncadd.s32 $0xFFFFD800  }
0xe0: {  	[spmem:s2] =	stream.indirect.scatter.add.f32 [tilespmem:s16], [sflag:$0x5], $0x80, s9, s13, $0xb8;
	[tilespmem:$0x1F000] =	vst v63  }
0xe1: {  	_ =	swait.ge [sflag:s10], $0x2800  }
0xe2: {  	[sflag:s10] =	ssyncset.done $0x0  }
0xe3: {  	[sflag:s10] =	ssyncadd.s32 $0xFFFFD800  }
0xe4: {  	_ =	swait.ge [sflag:s21], $0x2800  }
0xe5: {  	[sflag:s21] =	ssyncset.done $0x0  }
0xe6: {  	s9 =	rddreg [dreg:$0xb];
	[sflag:s21] =	ssyncadd.s32 $0xFFFFD800  }
0xe7: {  	[spmem:s2] =	stream.indirect.scatter.add.f32 [tilespmem:s17], [sflag:$0x5], $0x80, s9, s13, $0xb8;
	[tilespmem:$0x1F000] =	vst v63  }
0xe8: {  	_ =	swait.ge [sflag:s10], $0x2800  }
0xe9: {  	[sflag:s10] =	ssyncset.done $0x0  }
0xea: {  	s7 =	rddreg [dreg:$0xc];
	[sflag:s10] =	ssyncadd.s32 $0xFFFFD800  }
0xeb: {  	[tilespmem:s14], [sflag:$0x1] =	stream.indirect.gather [hbm4b:s5+s13], $0x80, s7, s13, $0xb8;
	[tilespmem:$0x1F000] =	vst v63  }
0xec: {  	s9 =	rddreg [dreg:$0xd]  }
0xed: {  	[tilespmem:s15], [sflag:$0x2] =	stream.indirect.gather [hbm4b:s5+s13], $0x80, s9, s13, $0xb8;
	[tilespmem:$0x1F000] =	vst v63  }
0xee: {  	s7 =	rddreg [dreg:$0xe]  }
0xef: {  	[tilespmem:s16], [sflag:$0x3] =	stream.indirect.gather [hbm4b:s5+s13], $0x80, s7, s13, $0xb8;
	[tilespmem:$0x1F000] =	vst v63  }
0xf0: {  	s9 =	rddreg [dreg:$0xf]  }
0xf1: {  	[tilespmem:s17], [sflag:$0x4] =	stream.indirect.gather [hbm4b:s5+s13], $0x80, s9, s13, $0xb8;
	[tilespmem:$0x1F000] =	vst v63  }
0xf2: {  	_ =	swait.ge [sflag:s18], $0x2800  }
0xf3: {  	[sflag:s18] =	ssyncset.done $0x0  }
0xf4: {  	s9 =	rddreg [dreg:$0x10];
	[sflag:s18] =	ssyncadd.s32 $0xFFFFD800  }
0xf5: {  	[spmem:s2] =	stream.indirect.scatter.add.f32 [tilespmem:s14], [sflag:$0x5], $0x80, s9, s13, $0xb8;
	[tilespmem:$0x1F000] =	vst v63  }
0xf6: {  	_ =	swait.ge [sflag:s10], $0x2800  }
0xf7: {  	[sflag:s10] =	ssyncset.done $0x0  }
0xf8: {  	[sflag:s10] =	ssyncadd.s32 $0xFFFFD800  }
0xf9: {  	_ =	swait.ge [sflag:s19], $0x2800  }
0xfa: {  	[sflag:s19] =	ssyncset.done $0x0  }
0xfb: {  	s9 =	rddreg [dreg:$0x11];
	[sflag:s19] =	ssyncadd.s32 $0xFFFFD800  }
0xfc: {  	[spmem:s2] =	stream.indirect.scatter.add.f32 [tilespmem:s15], [sflag:$0x5], $0x80, s9, s13, $0xb8;
	[tilespmem:$0x1F000] =	vst v63  }
0xfd: {  	_ =	swait.ge [sflag:s10], $0x2800  }
0xfe: {  	[sflag:s10] =	ssyncset.done $0x0  }
0xff: {  	[sflag:s10] =	ssyncadd.s32 $0xFFFFD800  }
0x100: {  	_ =	swait.ge [sflag:s20], $0x2800  }
0x101: {  	[sflag:s20] =	ssyncset.done $0x0  }
0x102: {  	s9 =	rddreg [dreg:$0x12];
	[sflag:s20] =	ssyncadd.s32 $0xFFFFD800  }
0x103: {  	[spmem:s2] =	stream.indirect.scatter.add.f32 [tilespmem:s16], [sflag:$0x5], $0x80, s9, s13, $0xb8;
	[tilespmem:$0x1F000] =	vst v63  }
0x104: {  	_ =	swait.ge [sflag:s10], $0x2800  }
0x105: {  	[sflag:s10] =	ssyncset.done $0x0  }
0x106: {  	[sflag:s10] =	ssyncadd.s32 $0xFFFFD800  }
0x107: {  	_ =	swait.ge [sflag:s21], $0x2800  }
0x108: {  	[sflag:s21] =	ssyncset.done $0x0  }
0x109: {  	s9 =	rddreg [dreg:$0x13];
	[sflag:s21] =	ssyncadd.s32 $0xFFFFD800  }
0x10a: {  	[spmem:s2] =	stream.indirect.scatter.add.f32 [tilespmem:s17], [sflag:$0x5], $0x80, s9, s13, $0xb8;
	[tilespmem:$0x1F000] =	vst v63  }
0x10b: {  	_ =	swait.ge [sflag:s10], $0x2800  }
0x10c: {  	[sflag:s10] =	ssyncset.done $0x0  }
0x10d: {  	s7 =	rddreg [dreg:$0x14];
	[sflag:s10] =	ssyncadd.s32 $0xFFFFD800  }
0x10e: {  	[tilespmem:s14], [sflag:$0x1] =	stream.indirect.gather [hbm4b:s5+s13], $0x80, s7, s13, $0xb8;
	[tilespmem:$0x1F000] =	vst v63  }
0x10f: {  	s9 =	rddreg [dreg:$0x15]  }
0x110: {  	[tilespmem:s15], [sflag:$0x2] =	stream.indirect.gather [hbm4b:s5+s13], $0x80, s9, s13, $0xb8;
	[tilespmem:$0x1F000] =	vst v63  }
0x111: {  	s7 =	rddreg [dreg:$0x16]  }
0x112: {  	[tilespmem:s16], [sflag:$0x3] =	stream.indirect.gather [hbm4b:s5+s13], $0x80, s7, s13, $0xb8;
	[tilespmem:$0x1F000] =	vst v63  }
0x113: {  	s9 =	rddreg [dreg:$0x17]  }
0x114: {  	[tilespmem:s17], [sflag:$0x4] =	stream.indirect.gather [hbm4b:s5+s13], $0x80, s9, s13, $0xb8;
	[tilespmem:$0x1F000] =	vst v63  }
0x115: {  	_ =	swait.ge [sflag:s18], $0x2800  }
0x116: {  	[sflag:s18] =	ssyncset.done $0x0  }
0x117: {  	[sflag:s18] =	ssyncadd.s32 $0xFFFFD800  }
0x118: {  	[spmem:s2] =	stream.indirect.scatter.add.f32 [tilespmem:s14], [sflag:$0x5], $0x80, s22, s13, $0xb8;
	[tilespmem:$0x1F000] =	vst v63  }
0x119: {  	_ =	swait.ge [sflag:s10], $0x2800  }
0x11a: {  	[sflag:s10] =	ssyncset.done $0x0  }
0x11b: {  	[sflag:s10] =	ssyncadd.s32 $0xFFFFD800  }
0x11c: {  	_ =	swait.ge [sflag:s19], $0x2800  }
0x11d: {  	[sflag:s19] =	ssyncset.done $0x0  }
0x11e: {  	[sflag:s19] =	ssyncadd.s32 $0xFFFFD800  }
0x11f: {  	[spmem:s2] =	stream.indirect.scatter.add.f32 [tilespmem:s15], [sflag:$0x5], $0x80, s23, s13, $0xb8;
	[tilespmem:$0x1F000] =	vst v63  }
0x120: {  	_ =	swait.ge [sflag:s10], $0x2800  }
0x121: {  	[sflag:s10] =	ssyncset.done $0x0  }
0x122: {  	[sflag:s10] =	ssyncadd.s32 $0xFFFFD800  }
0x123: {  	_ =	swait.ge [sflag:s20], $0x2800  }
0x124: {  	[sflag:s20] =	ssyncset.done $0x0  }
0x125: {  	[sflag:s20] =	ssyncadd.s32 $0xFFFFD800  }
0x126: {  	[spmem:s2] =	stream.indirect.scatter.add.f32 [tilespmem:s16], [sflag:$0x5], $0x80, s24, s13, $0xb8;
	[tilespmem:$0x1F000] =	vst v63  }
0x127: {  	_ =	swait.ge [sflag:s10], $0x2800  }
0x128: {  	[sflag:s10] =	ssyncset.done $0x0  }
0x129: {  	[sflag:s10] =	ssyncadd.s32 $0xFFFFD800  }
0x12a: {  	_ =	swait.ge [sflag:s21], $0x2800  }
0x12b: {  	[sflag:s21] =	ssyncset.done $0x0  }
0x12c: {  	[sflag:s21] =	ssyncadd.s32 $0xFFFFD800  }
0x12d: {  	[spmem:s2] =	stream.indirect.scatter.add.f32 [tilespmem:s17], [sflag:$0x5], $0x80, s25, s13, $0xb8;
	[tilespmem:$0x1F000] =	vst v63  }
0x12e: {  	_ =	swait.ge [sflag:s10], $0x2800  }
0x12f: {  	[sflag:s10] =	ssyncset.done $0x0  }
0x130: {  	[sflag:s10] =	ssyncadd.s32 $0xFFFFD800  }
0x131: {  	[tilespmem:s14], [sflag:$0x1] =	stream.indirect.gather [hbm4b:s5+s13], $0x80, s26, s13, $0xb8;
	[tilespmem:$0x1F000] =	vst v63  }
0x132: {  	_ = 	snop  }
0x133: {  	[tilespmem:s15], [sflag:$0x2] =	stream.indirect.gather [hbm4b:s5+s13], $0x80, s28, s13, $0xb8;
	[tilespmem:$0x1F000] =	vst v63  }
0x134: {  	_ = 	snop  }
0x135: {  	[tilespmem:s16], [sflag:$0x3] =	stream.indirect.gather [hbm4b:s5+s13], $0x80, s29, s13, $0xb8;
	[tilespmem:$0x1F000] =	vst v63  }
0x136: {  	_ = 	snop  }
0x137: {  	[tilespmem:s17], [sflag:$0x4] =	stream.indirect.gather [hbm4b:s5+s13], $0x80, s30, s13, $0xb8;
	[tilespmem:$0x1F000] =	vst v63  }
0x138: {  	_ =	swait.ge [sflag:s18], $0x2800  }
0x139: {  	[sflag:s18] =	ssyncset.done $0x0  }
0x13a: {  	[sflag:s18] =	ssyncadd.s32 $0xFFFFD800  }
0x13b: {  	[spmem:s2] =	stream.indirect.scatter.add.f32 [tilespmem:s14], [sflag:$0x5], $0x80, s31, s13, $0xb8;
	[tilespmem:$0x1F000] =	vst v63  }
0x13c: {  	_ =	swait.ge [sflag:s10], $0x2800  }
0x13d: {  	[sflag:s10] =	ssyncset.done $0x0  }
0x13e: {  	[sflag:s10] =	ssyncadd.s32 $0xFFFFD800  }
0x13f: {  	_ =	swait.ge [sflag:s19], $0x2800  }
0x140: {  	[sflag:s19] =	ssyncset.done $0x0  }
0x141: {  	[sflag:s19] =	ssyncadd.s32 $0xFFFFD800  }
0x142: {  	[spmem:s2] =	stream.indirect.scatter.add.f32 [tilespmem:s15], [sflag:$0x5], $0x80, s0, s13, $0xb8;
	[tilespmem:$0x1F000] =	vst v63  }
0x143: {  	_ =	swait.ge [sflag:s10], $0x2800  }
0x144: {  	[sflag:s10] =	ssyncset.done $0x0  }
0x145: {  	[sflag:s10] =	ssyncadd.s32 $0xFFFFD800  }
0x146: {  	_ =	swait.ge [sflag:s20], $0x2800  }
0x147: {  	[sflag:s20] =	ssyncset.done $0x0  }
0x148: {  	[sflag:s20] =	ssyncadd.s32 $0xFFFFD800  }
0x149: {  	[spmem:s2] =	stream.indirect.scatter.add.f32 [tilespmem:s16], [sflag:$0x5], $0x80, s3, s13, $0xb8;
	[tilespmem:$0x1F000] =	vst v63  }
0x14a: {  	_ =	swait.ge [sflag:s10], $0x2800  }
0x14b: {  	[sflag:s10] =	ssyncset.done $0x0  }
0x14c: {  	[sflag:s10] =	ssyncadd.s32 $0xFFFFD800  }
0x14d: {  	p0 =	sne.s32 s6, $0x700;
	_ =	swait.ge [sflag:s21], $0x2800  }
.Ltmp0:
0x14e: {  	[sflag:s21] =	ssyncset.done $0x0;
	(pc) =	sbr.rel @p0 .LBB2_2-.Ltmp0, $4  }
0x14f: {  	[sflag:s21] =	ssyncadd.s32 $0xFFFFD800  }
0x150: {  	[spmem:s2] =	stream.indirect.scatter.add.f32 [tilespmem:s17], [sflag:$0x5], $0x80, s1, s13, $0xb8;
	[tilespmem:$0x1F000] =	vst v63  }
0x151: {  	_ =	swait.ge [sflag:s10], $0x2800  }
0x152: {  	s6 =	sadd.s32 $0x100, s6;
	s9 =	rddreg [dreg:$0x5];
	[sflag:s10] =	ssyncset.done $0x0  }
0x153: {  	[sflag:s10] =	ssyncadd.s32 $0xFFFFD800;
	s6 =	sadd.s32 s8, s9  }
0x154: {  	[tilespmem:s11], [sflag:$0x5] =	stream.linear.gather [hbm4b:s6+s4], $0x800, $0x38;
	[tilespmem:$0x1F000] =	vst v63  }
0x155: {  	_ =	swait.ge [sflag:s10], $0x800  }
0x156: {  	s7 =	rddreg [dreg:$0x4];
	[sflag:s10] =	ssyncset.done $0x0  }
0x157: {  	[sflag:s10] =	ssyncadd.s32 $0xFFFFF800;
	s6 =	sadd.s32 s8, s7  }
0x158: {  	[tilespmem:s12], [sflag:$0x5] =	stream.linear.gather [hbm4b:s6+s4], $0x800, $0x38;
	[tilespmem:$0x1F000] =	vst v63  }
0x159: {  	_ =	swait.ge [sflag:s10], $0x800  }
0x15a: {  	[sflag:s10] =	ssyncset.done $0x0  }
0x15b: {  	[sflag:s10] =	ssyncadd.s32 $0xFFFFF800  }
0x15c: {  	[tilespmem:s14], [sflag:$0x1] =	stream.indirect.gather [hbm4b:s5+s13], $0x80, s11, s13, $0xb8;
	[tilespmem:$0x1F000] =	vst v63  }
0x15d: {  	s8 =	rddreg [dreg:$0x6]  }
0x15e: {  	[tilespmem:s15], [sflag:$0x2] =	stream.indirect.gather [hbm4b:s5+s13], $0x80, s8, s13, $0xb8;
	[tilespmem:$0x1F000] =	vst v63  }
0x15f: {  	s7 =	rddreg [dreg:$0x7]  }
0x160: {  	[tilespmem:s16], [sflag:$0x3] =	stream.indirect.gather [hbm4b:s5+s13], $0x80, s7, s13, $0xb8;
	[tilespmem:$0x1F000] =	vst v63  }
0x161: {  	s9 =	rddreg [dreg:$0x8]  }
0x162: {  	[tilespmem:s17], [sflag:$0x4] =	stream.indirect.gather [hbm4b:s5+s13], $0x80, s9, s13, $0xb8;
	[tilespmem:$0x1F000] =	vst v63  }
0x163: {  	_ =	swait.ge [sflag:s18], $0x2800  }
0x164: {  	[sflag:s18] =	ssyncset.done $0x0  }
0x165: {  	[sflag:s18] =	ssyncadd.s32 $0xFFFFD800  }
0x166: {  	[spmem:s2] =	stream.indirect.scatter.add.f32 [tilespmem:s14], [sflag:$0x5], $0x80, s12, s13, $0xb8;
	[tilespmem:$0x1F000] =	vst v63  }
0x167: {  	_ =	swait.ge [sflag:s10], $0x2800  }
0x168: {  	[sflag:s10] =	ssyncset.done $0x0  }
0x169: {  	[sflag:s10] =	ssyncadd.s32 $0xFFFFD800  }
0x16a: {  	_ =	swait.ge [sflag:s19], $0x2800  }
0x16b: {  	[sflag:s19] =	ssyncset.done $0x0  }
0x16c: {  	s7 =	rddreg [dreg:$0x9];
	[sflag:s19] =	ssyncadd.s32 $0xFFFFD800  }
0x16d: {  	[spmem:s2] =	stream.indirect.scatter.add.f32 [tilespmem:s15], [sflag:$0x5], $0x80, s7, s13, $0xb8;
	[tilespmem:$0x1F000] =	vst v63  }
0x16e: {  	_ =	swait.ge [sflag:s10], $0x2800  }
0x16f: {  	[sflag:s10] =	ssyncset.done $0x0  }
0x170: {  	[sflag:s10] =	ssyncadd.s32 $0xFFFFD800  }
0x171: {  	_ =	swait.ge [sflag:s20], $0x2800  }
0x172: {  	[sflag:s20] =	ssyncset.done $0x0  }
0x173: {  	s8 =	rddreg [dreg:$0xa];
	[sflag:s20] =	ssyncadd.s32 $0xFFFFD800  }
0x174: {  	[spmem:s2] =	stream.indirect.scatter.add.f32 [tilespmem:s16], [sflag:$0x5], $0x80, s8, s13, $0xb8;
	[tilespmem:$0x1F000] =	vst v63  }
0x175: {  	_ =	swait.ge [sflag:s10], $0x2800  }
0x176: {  	[sflag:s10] =	ssyncset.done $0x0  }
0x177: {  	[sflag:s10] =	ssyncadd.s32 $0xFFFFD800  }
0x178: {  	_ =	swait.ge [sflag:s21], $0x2800  }
0x179: {  	[sflag:s21] =	ssyncset.done $0x0  }
0x17a: {  	s9 =	rddreg [dreg:$0xb];
	[sflag:s21] =	ssyncadd.s32 $0xFFFFD800  }
0x17b: {  	[spmem:s2] =	stream.indirect.scatter.add.f32 [tilespmem:s17], [sflag:$0x5], $0x80, s9, s13, $0xb8;
	[tilespmem:$0x1F000] =	vst v63  }
0x17c: {  	_ =	swait.ge [sflag:s10], $0x2800  }
0x17d: {  	[sflag:s10] =	ssyncset.done $0x0  }
0x17e: {  	s7 =	rddreg [dreg:$0xc];
	[sflag:s10] =	ssyncadd.s32 $0xFFFFD800  }
0x17f: {  	[tilespmem:s14], [sflag:$0x1] =	stream.indirect.gather [hbm4b:s5+s13], $0x80, s7, s13, $0xb8;
	[tilespmem:$0x1F000] =	vst v63  }
0x180: {  	s8 =	rddreg [dreg:$0xd]  }
0x181: {  	[tilespmem:s15], [sflag:$0x2] =	stream.indirect.gather [hbm4b:s5+s13], $0x80, s8, s13, $0xb8;
	[tilespmem:$0x1F000] =	vst v63  }
0x182: {  	s9 =	rddreg [dreg:$0xe]  }
0x183: {  	[tilespmem:s16], [sflag:$0x3] =	stream.indirect.gather [hbm4b:s5+s13], $0x80, s9, s13, $0xb8;
	[tilespmem:$0x1F000] =	vst v63  }
0x184: {  	s8 =	rddreg [dreg:$0xf]  }
0x185: {  	[tilespmem:s17], [sflag:$0x4] =	stream.indirect.gather [hbm4b:s5+s13], $0x80, s8, s13, $0xb8;
	[tilespmem:$0x1F000] =	vst v63  }
0x186: {  	_ =	swait.ge [sflag:s18], $0x2800  }
0x187: {  	[sflag:s18] =	ssyncset.done $0x0  }
0x188: {  	s9 =	rddreg [dreg:$0x10];
	[sflag:s18] =	ssyncadd.s32 $0xFFFFD800  }
0x189: {  	[spmem:s2] =	stream.indirect.scatter.add.f32 [tilespmem:s14], [sflag:$0x5], $0x80, s9, s13, $0xb8;
	[tilespmem:$0x1F000] =	vst v63  }
0x18a: {  	_ =	swait.ge [sflag:s10], $0x2800  }
0x18b: {  	[sflag:s10] =	ssyncset.done $0x0  }
0x18c: {  	[sflag:s10] =	ssyncadd.s32 $0xFFFFD800  }
0x18d: {  	_ =	swait.ge [sflag:s19], $0x2800  }
0x18e: {  	[sflag:s19] =	ssyncset.done $0x0  }
0x18f: {  	s7 =	rddreg [dreg:$0x11];
	[sflag:s19] =	ssyncadd.s32 $0xFFFFD800  }
0x190: {  	[spmem:s2] =	stream.indirect.scatter.add.f32 [tilespmem:s15], [sflag:$0x5], $0x80, s7, s13, $0xb8;
	[tilespmem:$0x1F000] =	vst v63  }
0x191: {  	_ =	swait.ge [sflag:s10], $0x2800  }
0x192: {  	[sflag:s10] =	ssyncset.done $0x0  }
0x193: {  	[sflag:s10] =	ssyncadd.s32 $0xFFFFD800  }
0x194: {  	_ =	swait.ge [sflag:s20], $0x2800  }
0x195: {  	[sflag:s20] =	ssyncset.done $0x0  }
0x196: {  	s8 =	rddreg [dreg:$0x12];
	[sflag:s20] =	ssyncadd.s32 $0xFFFFD800  }
0x197: {  	[spmem:s2] =	stream.indirect.scatter.add.f32 [tilespmem:s16], [sflag:$0x5], $0x80, s8, s13, $0xb8;
	[tilespmem:$0x1F000] =	vst v63  }
0x198: {  	_ =	swait.ge [sflag:s10], $0x2800  }
0x199: {  	[sflag:s10] =	ssyncset.done $0x0  }
0x19a: {  	[sflag:s10] =	ssyncadd.s32 $0xFFFFD800  }
0x19b: {  	_ =	swait.ge [sflag:s21], $0x2800  }
0x19c: {  	[sflag:s21] =	ssyncset.done $0x0  }
0x19d: {  	s9 =	rddreg [dreg:$0x13];
	[sflag:s21] =	ssyncadd.s32 $0xFFFFD800  }
0x19e: {  	[spmem:s2] =	stream.indirect.scatter.add.f32 [tilespmem:s17], [sflag:$0x5], $0x80, s9, s13, $0xb8;
	[tilespmem:$0x1F000] =	vst v63  }
0x19f: {  	_ =	swait.ge [sflag:s10], $0x2800  }
0x1a0: {  	[sflag:s10] =	ssyncset.done $0x0  }
0x1a1: {  	s7 =	rddreg [dreg:$0x14];
	[sflag:s10] =	ssyncadd.s32 $0xFFFFD800  }
0x1a2: {  	[tilespmem:s14], [sflag:$0x1] =	stream.indirect.gather [hbm4b:s5+s13], $0x80, s7, s13, $0xb8;
	[tilespmem:$0x1F000] =	vst v63  }
0x1a3: {  	s8 =	rddreg [dreg:$0x15]  }
0x1a4: {  	[tilespmem:s15], [sflag:$0x2] =	stream.indirect.gather [hbm4b:s5+s13], $0x80, s8, s13, $0xb8;
	[tilespmem:$0x1F000] =	vst v63  }
0x1a5: {  	s9 =	rddreg [dreg:$0x16]  }
0x1a6: {  	[tilespmem:s16], [sflag:$0x3] =	stream.indirect.gather [hbm4b:s5+s13], $0x80, s9, s13, $0xb8;
	[tilespmem:$0x1F000] =	vst v63  }
0x1a7: {  	s8 =	rddreg [dreg:$0x17]  }
0x1a8: {  	[tilespmem:s17], [sflag:$0x4] =	stream.indirect.gather [hbm4b:s5+s13], $0x80, s8, s13, $0xb8;
	[tilespmem:$0x1F000] =	vst v63  }
0x1a9: {  	_ =	swait.ge [sflag:s18], $0x2800  }
0x1aa: {  	[sflag:s18] =	ssyncset.done $0x0  }
0x1ab: {  	[sflag:s18] =	ssyncadd.s32 $0xFFFFD800  }
0x1ac: {  	[spmem:s2] =	stream.indirect.scatter.add.f32 [tilespmem:s14], [sflag:$0x5], $0x80, s22, s13, $0xb8;
	[tilespmem:$0x1F000] =	vst v63  }
0x1ad: {  	_ =	swait.ge [sflag:s10], $0x2800  }
0x1ae: {  	[sflag:s10] =	ssyncset.done $0x0  }
0x1af: {  	[sflag:s10] =	ssyncadd.s32 $0xFFFFD800  }
0x1b0: {  	_ =	swait.ge [sflag:s19], $0x2800  }
0x1b1: {  	[sflag:s19] =	ssyncset.done $0x0  }
0x1b2: {  	[sflag:s19] =	ssyncadd.s32 $0xFFFFD800  }
0x1b3: {  	[spmem:s2] =	stream.indirect.scatter.add.f32 [tilespmem:s15], [sflag:$0x5], $0x80, s23, s13, $0xb8;
	[tilespmem:$0x1F000] =	vst v63  }
0x1b4: {  	_ =	swait.ge [sflag:s10], $0x2800  }
0x1b5: {  	[sflag:s10] =	ssyncset.done $0x0  }
0x1b6: {  	[sflag:s10] =	ssyncadd.s32 $0xFFFFD800  }
0x1b7: {  	_ =	swait.ge [sflag:s20], $0x2800  }
0x1b8: {  	[sflag:s20] =	ssyncset.done $0x0  }
0x1b9: {  	[sflag:s20] =	ssyncadd.s32 $0xFFFFD800  }
0x1ba: {  	[spmem:s2] =	stream.indirect.scatter.add.f32 [tilespmem:s16], [sflag:$0x5], $0x80, s24, s13, $0xb8;
	[tilespmem:$0x1F000] =	vst v63  }
0x1bb: {  	_ =	swait.ge [sflag:s10], $0x2800  }
0x1bc: {  	[sflag:s10] =	ssyncset.done $0x0  }
0x1bd: {  	[sflag:s10] =	ssyncadd.s32 $0xFFFFD800  }
0x1be: {  	_ =	swait.ge [sflag:s21], $0x2800  }
0x1bf: {  	[sflag:s21] =	ssyncset.done $0x0  }
0x1c0: {  	[sflag:s21] =	ssyncadd.s32 $0xFFFFD800  }
0x1c1: {  	[spmem:s2] =	stream.indirect.scatter.add.f32 [tilespmem:s17], [sflag:$0x5], $0x80, s25, s13, $0xb8;
	[tilespmem:$0x1F000] =	vst v63  }
0x1c2: {  	_ =	swait.ge [sflag:s10], $0x2800  }
0x1c3: {  	[sflag:s10] =	ssyncset.done $0x0  }
0x1c4: {  	[sflag:s10] =	ssyncadd.s32 $0xFFFFD800  }
0x1c5: {  	[tilespmem:s14], [sflag:$0x1] =	stream.indirect.gather [hbm4b:s5+s13], $0x80, s26, s13, $0xb8;
	[tilespmem:$0x1F000] =	vst v63  }
0x1c6: {  	_ = 	snop  }
0x1c7: {  	[tilespmem:s15], [sflag:$0x2] =	stream.indirect.gather [hbm4b:s5+s13], $0x80, s28, s13, $0xb8;
	[tilespmem:$0x1F000] =	vst v63  }
0x1c8: {  	_ = 	snop  }
0x1c9: {  	[tilespmem:s16], [sflag:$0x3] =	stream.indirect.gather [hbm4b:s5+s13], $0x80, s29, s13, $0xb8;
	[tilespmem:$0x1F000] =	vst v63  }
0x1ca: {  	_ = 	snop  }
0x1cb: {  	[tilespmem:s17], [sflag:$0x4] =	stream.indirect.gather [hbm4b:s5+s13], $0x80, s30, s13, $0xb8;
	[tilespmem:$0x1F000] =	vst v63  }
0x1cc: {  	_ =	swait.ge [sflag:s18], $0x2800  }
0x1cd: {  	[sflag:s18] =	ssyncset.done $0x0  }
0x1ce: {  	[sflag:s18] =	ssyncadd.s32 $0xFFFFD800  }
0x1cf: {  	[spmem:s2] =	stream.indirect.scatter.add.f32 [tilespmem:s14], [sflag:$0x5], $0x80, s31, s13, $0xb8;
	[tilespmem:$0x1F000] =	vst v63  }
0x1d0: {  	_ =	swait.ge [sflag:s10], $0x2800  }
0x1d1: {  	[sflag:s10] =	ssyncset.done $0x0  }
0x1d2: {  	[sflag:s10] =	ssyncadd.s32 $0xFFFFD800  }
0x1d3: {  	_ =	swait.ge [sflag:s19], $0x2800  }
0x1d4: {  	[sflag:s19] =	ssyncset.done $0x0  }
0x1d5: {  	[sflag:s19] =	ssyncadd.s32 $0xFFFFD800  }
0x1d6: {  	[spmem:s2] =	stream.indirect.scatter.add.f32 [tilespmem:s15], [sflag:$0x5], $0x80, s0, s13, $0xb8;
	[tilespmem:$0x1F000] =	vst v63  }
0x1d7: {  	_ =	swait.ge [sflag:s10], $0x2800  }
0x1d8: {  	[sflag:s10] =	ssyncset.done $0x0  }
0x1d9: {  	[sflag:s10] =	ssyncadd.s32 $0xFFFFD800  }
0x1da: {  	_ =	swait.ge [sflag:s20], $0x2800  }
0x1db: {  	[sflag:s20] =	ssyncset.done $0x0  }
0x1dc: {  	[sflag:s20] =	ssyncadd.s32 $0xFFFFD800  }
0x1dd: {  	[spmem:s2] =	stream.indirect.scatter.add.f32 [tilespmem:s16], [sflag:$0x5], $0x80, s3, s13, $0xb8;
	[tilespmem:$0x1F000] =	vst v63  }
0x1de: {  	_ =	swait.ge [sflag:s10], $0x2800  }
0x1df: {  	[sflag:s10] =	ssyncset.done $0x0  }
0x1e0: {  	[sflag:s10] =	ssyncadd.s32 $0xFFFFD800  }
0x1e1: {  	_ =	swait.ge [sflag:s21], $0x2800  }
0x1e2: {  	[sflag:s21] =	ssyncset.done $0x0  }
0x1e3: {  	[sflag:s21] =	ssyncadd.s32 $0xFFFFD800  }
0x1e4: {  	[spmem:s2] =	stream.indirect.scatter.add.f32 [tilespmem:s17], [sflag:$0x5], $0x80, s1, s13, $0xb8;
	[tilespmem:$0x1F000] =	vst v63  }
0x1e5: {  	_ =	swait.ge [sflag:s10], $0x2800  }
0x1e6: {  	[sflag:s10] =	ssyncset.done $0x0  }
0x1e7: {  	[sflag:s10] =	ssyncadd.s32 $0xFFFFD800  }
0x1e8: {  	[bflag:$0x0] =	sbarrier.arrive $0xFFFF  }
0x1e9: {  	s7 =	rddreg [dreg:$0x18]  }
0x1ea: {  	s9 =	rddreg [dreg:$0x19]  }
0x1eb: {  	s8 =	rddreg [dreg:$0x1b]  }
0x1ec: {  	[hbm:s9], [sflag:s7] =	dma.local [spmem:s8], $0x2800  }
0x1ed: {  	_ =	swait.ge [sflag:s10], $0x2800  }
0x1ee: {  	s6 =	rddreg [dreg:$0x1c]  }
0x1ef: {  	s9 =	sadd.s32 $0x1, s6;
	s6 =	rddreg [dreg:$0x1a]  }
0x1f0: {  	p0 =	sne.s32 s9, s6  }
.Ltmp1:
0x1f1: {  	_ = 	snop;
	(pc) =	sbr.rel @p0 .LBB2_1-.Ltmp1, $3  }
0x1f2: {  	_ =	sdelay $0x1  }
0x1f3: {  	[sflag:s10] =	ssyncset.done $0x0  }
0x1f4: {  	[sflag:s10] =	ssyncadd.s32 $0xFFFFD800  }
0x1f5: {  	_ =	sfence.sel $0x180000  }
0x1f6: {  	[bflag:$0x0] =	sbarrier.arrive $0xFFFF  }
0x1f7: {  	_ =	strace $0x9000004A  }
0x1f8: {  	s0 =	stileid.u32;
	[bflag:$0x2] =	sbarrier.arrive $0xFFFF  }
0x1f9: {  	p0 =	sne.s32 s0, $0x0;
	s0 =	rddreg [dreg:$0x3]  }
0x1fa: {  	s0 =	sadd.s32 @!p0 $0x100000, s0  }
0x1fb: {  	[sflag:s0] =	ssyncadd.tile.s32 @!p0 $0x1;
	_ =	shalt  }
.Lfunc_end2:
_tile_overlayer_lowered:
.L_overlay_start_2:
0x1fc: {  	(tag) =	ssettag $0x2  }
0x1fd: {  	s0 =	rddreg [dreg:$0x0];
	s2 =	stileid.u32  }
0x1fe: {  	s1 =	rddreg [dreg:$0x1];
	p0 =	sne.s32 s2, $0x0  }
0x1ff: {  	s3 =	rddreg [dreg:$0x2];
	[bflag:$0x3] =	sbarrier.arrive $0xFFFF;
	s2 =	simm.s32 @!p0 $0x1C05  }
0x200: {  	[timem:s3], [sflag:s2] =	dma.local @!p0 [hbm:s0], s1  }
0x201: {  	s0 =	simm.s32 @!p0 $0x5  }
0x202: {  	_ =	swait.ge @!p0 [sflag:s0], s1  }
0x203: {  	s1 =	ssub.s32 @!p0 $0x0, s1;
	[sflag:s0] =	ssyncset.done @!p0 $0x0  }
0x204: {  	[sflag:s0] =	ssyncadd.s32 @!p0 s1  }
0x205: {  	[bflag:$0x3] =	sbarrier.arrive $0xFFFF  }
0x206: {  	_ =	shalt  }

// kernel: kernel.17.cloned.1.call-start
scs
__scs_entry_jumppad:
0x0: {  	(pc) =	sbr.rel $0x88, $3  }
0x1: {  	(tag) =	ssettag $0x0;
	lr =	simm.s32 $0x1  }
0x2: {  	[smem:$0x3F91] =	sst lr;
	_ =	strace $0xD0000000  }
0x3: {  	_ = 	snop  }
0x4: {  	_ = 	snop  }
0x5: {  	_ = 	snop  }
0x6: {  	_ = 	snop  }
0x7: {  	_ = 	snop  }
__scs_overlays_trampoline_lowered:
0x8: {  	[smem:$0x3FA0] =	sst s0  }
0x9: {  	[smem:$0x3FA1] =	sst s1  }
0xa: {  	[smem:$0x3FA2] =	sst s2  }
0xb: {  	[smem:$0x3FA3] =	sst s3  }
0xc: {  	[smem:$0x3FA4] =	sst s4  }
0xd: {  	[smem:$0x3FA5] =	sst s5  }
0xe: {  	[smem:$0x3FA6] =	sst s6  }
0xf: {  	[smem:$0x3FA7] =	sst s7  }
0x10: {  	[smem:$0x3FA8] =	sst s8  }
0x11: {  	[smem:$0x3FA9] =	sst s9;
	s0 =	simm.s32 @!p0 $0x0  }
0x12: {  	s1 =	sld [smem:$0x3F8F];
	s0 =	simm.s32 @p0 $0x1  }
0x13: {  	[smem:$0x3FAA] =	sst s0;
	s0 =	simm.s32 @!p1 $0x0  }
0x14: {  	s2 =	sld [smem:$0x3F8E];
	s0 =	simm.s32 @p1 $0x1  }
0x15: {  	[smem:$0x3FAB] =	sst s0;
	s0 =	simm.s32 @!p2 $0x0  }
0x16: {  	s3 =	sld [smem:$0x3FDB];
	s0 =	simm.s32 @p2 $0x1  }
0x17: {  	s4 =	simm.s32 $0x1BF5;
	[smem:$0x3FAD] =	sst s0  }
0x18: {  	s0 =	sld [smem:$0x3F90];
	_ =	swait.ge [sflag:s4], $0x0  }
0x19: {  	s7 =	sld [smem:$0x3F91]  }
0x1a: {  	s8 =	sadd.s32 $0xFFFFE003, lr  }
0x1b: {  	s9 =	sadd.s32 $0xFFFFFEF7, lr;
	s5 =	simm.s32 $0xFFFFFFFF;
	p2 =	slt.u32 s8, $0xFFFFF086  }
0x1c: {  	p1 =	slt.u32 s9, $0xF7A;
	s5 =	simm.s32 @!p2 $0x0  }
0x1d: {  	s5 =	simm.s32 @p1 $0x1;
	p0 =	seq.s32 s7, s2  }
0x1e: {  	s7 =	smul.u32 @!p0 $0xF7A, s2;
	p2 =	seq.s32 @!p0 s5, $0x0  }
0x1f: {  	s9 =	smul.u32 $0xF7A, s1;
	s8 =	simm.s32 @!p0 $0x1BF5;
	p2 =	por !p2, p0  }
0x20: {  	[sflag:s8] =	ssyncset.s32 @!p0 $0xFFFFF086;
	s6 =	sadd.s32 @!p0 s3, s7;
	s7 =	simm.s32 @!p0 $0x108  }
0x21: {  	s3 =	sadd.s32 s3, s9;
	s6 =	sadd.s32 @!p0 $0x88, s6;
	s7 =	simm.s32 @p2 $0x1082  }
0x22: {  	[simem:s7], [sflag:s8] =	dma.local @!p0 [hbm:s6], $0xF7A  }
0x23: {  	s9 =	sor.u32 $0xD0000000, s2;
	s6 =	simm.s32 $0x108;
	_ =	swait.ge @!p0 [sflag:s8], $0x0  }
0x24: {  	s3 =	sadd.s32 $0x88, s3;
	s6 =	simm.s32 @!p1 $0x1082;
	[sflag:s4] =	ssyncset.s32 $0xFFFFF086  }
0x25: {  	[simem:s6], [sflag:s4] =	dma.local [hbm:s3], $0xF7A  }
0x26: {  	[smem:$0x3F91] =	sst s1;
	(tag) =	ssettag s2;
	_ =	strace s9  }
0x27: {  	s1 =	sld [smem:$0x3FA1]  }
0x28: {  	s2 =	sld [smem:$0x3FA2]  }
0x29: {  	s4 =	sld [smem:$0x3FA4]  }
0x2a: {  	p0 =	seq.s32 s5, $0x0;
	s5 =	sld [smem:$0x3FA5]  }
0x2b: {  	s6 =	sld [smem:$0x3FA6]  }
0x2c: {  	s7 =	sld [smem:$0x3FA7]  }
0x2d: {  	s3 =	simm.s32 $0x108;
	s8 =	sld [smem:$0x3FA8]  }
0x2e: {  	s3 =	simm.s32 @!p0 $0x1082;
	s9 =	sld [smem:$0x3FA9]  }
0x2f: {  	lr =	sadd.s32 s0, s3;
	s0 =	sld [smem:$0x3FA0]  }
0x30: {  	s3 =	sld [smem:$0x3FA3]  }
0x31: {  	[smem:$0x3FAC] =	sst s10  }
0x32: {  	s10 =	sld [smem:$0x3FAA];
	_ =	sdelay $0x3  }
0x33: {  	p0 =	seq.s32 s10, $0x1;
	s10 =	sld [smem:$0x3FAC];
	_ =	sdelay $0x3  }
0x34: {  	[smem:$0x3FAC] =	sst s10  }
0x35: {  	s10 =	sld [smem:$0x3FAB];
	_ =	sdelay $0x3  }
0x36: {  	p1 =	seq.s32 s10, $0x1;
	s10 =	sld [smem:$0x3FAC];
	_ =	sdelay $0x3  }
0x37: {  	[smem:$0x3FAC] =	sst s10  }
0x38: {  	s10 =	sld [smem:$0x3FAD]  }
0x39: {  	_ = 	snop;
	(pc) =	sbr.ind lr, $3  }
0x3a: {  	_ = 	snop  }
0x3b: {  	_ = 	snop  }
0x3c: {  	p2 =	seq.s32 s10, $0x1;
	s10 =	sld [smem:$0x3FAC]  }
0x3d: {  	_ =	shalt  }
0x3e: {  	_ =	shalt  }
0x3f: {  	_ =	shalt  }
0x40: {  	_ =	shalt  }
0x41: {  	_ =	shalt  }
0x42: {  	_ =	shalt  }
0x43: {  	_ =	shalt  }
0x44: {  	_ =	shalt  }
0x45: {  	_ =	shalt  }
0x46: {  	_ =	shalt  }
0x47: {  	_ =	shalt  }
0x48: {  	_ =	shalt  }
0x49: {  	_ =	shalt  }
0x4a: {  	_ =	shalt  }
0x4b: {  	_ =	shalt  }
0x4c: {  	_ =	shalt  }
0x4d: {  	_ =	shalt  }
0x4e: {  	_ =	shalt  }
0x4f: {  	_ =	shalt  }
0x50: {  	_ =	shalt  }
0x51: {  	_ =	shalt  }
0x52: {  	_ =	shalt  }
0x53: {  	_ =	shalt  }
0x54: {  	_ =	shalt  }
0x55: {  	_ =	shalt  }
0x56: {  	_ =	shalt  }
0x57: {  	_ =	shalt  }
0x58: {  	_ =	shalt  }
0x59: {  	_ =	shalt  }
0x5a: {  	_ =	shalt  }
0x5b: {  	_ =	shalt  }
0x5c: {  	_ =	shalt  }
0x5d: {  	_ =	shalt  }
0x5e: {  	_ =	shalt  }
0x5f: {  	_ =	shalt  }
0x60: {  	_ =	shalt  }
0x61: {  	_ =	shalt  }
0x62: {  	_ =	shalt  }
0x63: {  	_ =	shalt  }
0x64: {  	_ =	shalt  }
0x65: {  	_ =	shalt  }
0x66: {  	_ =	shalt  }
0x67: {  	_ =	shalt  }
0x68: {  	_ =	shalt  }
0x69: {  	_ =	shalt  }
0x6a: {  	_ =	shalt  }
0x6b: {  	_ =	shalt  }
0x6c: {  	_ =	shalt  }
0x6d: {  	_ =	shalt  }
0x6e: {  	_ =	shalt  }
0x6f: {  	_ =	shalt  }
0x70: {  	_ =	shalt  }
0x71: {  	_ =	shalt  }
0x72: {  	_ =	shalt  }
0x73: {  	_ =	shalt  }
0x74: {  	_ =	shalt  }
0x75: {  	_ =	shalt  }
0x76: {  	_ =	shalt  }
0x77: {  	_ =	shalt  }
0x78: {  	_ =	shalt  }
0x79: {  	_ =	shalt  }
0x7a: {  	_ =	shalt  }
0x7b: {  	_ =	shalt  }
0x7c: {  	_ =	shalt  }
0x7d: {  	_ =	shalt  }
0x7e: {  	_ =	shalt  }
0x7f: {  	_ =	shalt  }
0x80: {  	_ =	shalt  }
0x81: {  	_ =	shalt  }
0x82: {  	_ =	shalt  }
0x83: {  	_ =	shalt  }
0x84: {  	_ =	shalt  }
0x85: {  	_ =	shalt  }
0x86: {  	_ =	shalt  }
0x87: {  	_ =	shalt  }
.Lfunc_end0:
.L_simem_size_0:
called_computation.2_lowered:
.L_overlay_start_0:
0x88: {  	s2 =	sld [smem:$0x3FD9]  }
0x89: {  	s3 =	sld [smem:$0x3FFE];
	_ =	sdelay $0x1  }
0x8a: {  	s1 =	srdreg.scid  }
0x8b: {  	s0 =	sand.u32 $0x1, s1  }
0x8c: {  	s17 =	sshll.u32 s0, $0xA;
	s2 =	sadd.s32 s3, s2  }
0x8d: {  	s2 =	sadd.s32 s2, s17  }
0x8e: {  	[smem:$0x3FB8] =	sst s2  }
0x8f: {  	_ = 	snop  }
0x90: {  	s2 =	sld [smem:$0x3FD0];
	(tm) =	ssettm $0x1  }
0x91: {  	s18 =	sld [smem:$0x3FFB];
	_ =	sdelay $0x3  }
0x92: {  	_ =	strace s18  }
0x93: {  	s3 =	sld [smem:$0x3FFC];
	_ =	sdelay $0x3  }
0x94: {  	_ =	strace s3  }
0x95: {  	s3 =	sld [smem:$0x3FFD];
	_ =	sdelay $0x3  }
0x96: {  	_ =	strace s3  }
0x97: {  	_ =	strace $0x8FFFFFFF  }
0x98: {  	s19 =	sld [smem:$0x3FDB];
	_ =	sdelay $0x1  }
0x99: {  	s4 =	simm.s32 $_scs_section_size  }
0x9a: {  	s5 =	simm.s32 $_size__tile_overlayer_lowered;
	s6 =	simm.s32 $_tile_overlayer_lowered  }
0x9b: {  	s22 =	simm.s32 $0x1BFF;
	s21 =	sshll.u32 s6, $0x1;
	s3 =	sadd.s32 s4, s19  }
0x9c: {  	s7 =	simm.s32 $0x0;
	s20 =	sshll.u32 s5, $0x1;
	s5 =	sadd.s32 s21, s3  }
0x9d: {  	[timem:s7], [sflag:s22] =	dma.local [hbm:s5], s20  }
0x9e: {  	_ =	swait.ge [sflag:s22], s20  }
0x9f: {  	s4 =	ssub.s32 $0x0, s20;
	[sflag:s22] =	ssyncset.done $0x0  }
0xa0: {  	[sflag:s22] =	ssyncadd.s32 s4;
	_ =	sdelay $0x1  }
0xa1: {  	s23 =	simm.s32 $0x1B8B  }
0xa2: {  	_ =	swait.ge [sflag:s23], $0x1  }
0xa3: {  	[sflag:s23] =	ssyncset.done $0x0  }
0xa4: {  	s25 =	simm.s32 $0x1B8E;
	s24 =	sld [smem:$0x3FFE];
	[sflag:s23] =	ssyncadd.s32 $0xFFFFFFFF  }
0xa5: {  	s26 =	simm.s32 $execute0_lowered;
	[smem:$0x3FD2] =	sst s25  }
0xa6: {  	s5 =	sshll.u32 s26, $0x1;
	_ =	strace $0x8000004C;
	[dreg:$0x1] =	wrdreg $0xFFFFFFFF  }
0xa7: {  	s28 =	simm.s32 $_size_execute0_lowered;
	s3 =	sadd.s32 s3, s5;
	[dreg:$0x0] =	wrdreg $0x0  }
0xa8: {  	s5 =	sshll.u32 s28, $0x1;
	[dreg:$0x2] =	wrdreg s3  }
0xa9: {  	[dreg:$0x3] =	wrdreg s5  }
0xaa: {  	[dreg:$0x4] =	wrdreg $0xC0  }
0xab: {  	_ =	task [dreg:s7], $0x5FFFF  }
0xac: {  	[dreg:$0x1] =	wrdreg $0xFFFFFFFF  }
0xad: {  	[dreg:$0x0] =	wrdreg $0x60  }
0xae: {  	[dreg:$0x2] =	wrdreg s24  }
0xaf: {  	[dreg:$0x3] =	wrdreg s2  }
0xb0: {  	[dreg:$0x4] =	wrdreg $0x0  }
0xb1: {  	[dreg:$0x5] =	wrdreg $0x9  }
0xb2: {  	_ =	task.clear_ibuf [dreg:s7], $0x6FFFF;
	_ =	strace $0x9000004C  }
0xb3: {  	s29 =	simm.s32 $0x9;
	_ =	strace $0x8000004E  }
0xb4: {  	_ =	swait.ge [sflag:s29], $0x1  }
0xb5: {  	[sflag:s29] =	ssyncadd.s32 $0xFFFFFFFF  }
0xb6: {  	_ =	strace $0x9000004E  }
0xb7: {  	_ =	sfence  }
0xb8: {  	s30 =	sld [smem:$0x0];
	_ =	sdelay $0x2  }
0xb9: {  	s31 =	sshll.u32 s1, $0xD;
	s1 =	sshrl.u32 s1, $0x2  }
0xba: {  	s3 =	sand.u32 $0x4000, s31;
	s1 =	sadd.s32 s1, s30  }
0xbb: {  	s0 =	sor.u32 s3, s0;
	s1 =	sshll.u32 s1, $0x11  }
0xbc: {  	s0 =	sor.u32 s1, s0  }
0xbd: {  	s0 =	sadd.s32 $0x8F2B, s0  }
0xbe: {  	[sflag:s0] =	ssyncadd.remote.s32 $0x1  }
0xbf: {  	_ =	sfence.sel $0xFFFF  }
0xc0: {  	[dreg:$0x0] =	wrdreg $0xFFFFFFFF;
	(pc) =	sbr.abs _section_cstart, $3  }
0xc1: {  	[dreg:$0x1] =	wrdreg $0xFFFFFFFF  }
0xc2: {  	_ =	task.clear_ibuf [dreg:s7], $0x2FFFF;
	_ =	strace $0x9FFFFFFF  }
0xc3: {  	(tm) =	ssettm $0x7FFFFFFF  }
tec
execute0_lowered:
.L_overlay_start_1:
0x0: {  	(tag) =	ssettag $0x1  }
0x1: {  	s0 =	rddreg [dreg:$0x0]  }
0x2: {  	s2 =	rddreg [dreg:$0x2]  }
0x3: {  	s1 =	srdreg.scid;
	s4 =	simm.s32 $0x0;
	s9 =	stileid.u32  }
0x4: {  	s11 =	simm.s32 $0x14180;
	s12 =	simm.s32 $0x14880;
	s13 =	simm.s32 $0x14900  }
0x5: {  	s14 =	simm.s32 $0x14980;
	s15 =	simm.s32 $0x14200;
	s16 =	simm.s32 $0x14280  }
0x6: {  	s17 =	simm.s32 $0x14300;
	s18 =	simm.s32 $0x14380;
	s19 =	simm.s32 $0x14A00  }
0x7: {  	s20 =	simm.s32 $0x14A80;
	s28 =	simm.s32 $0x14680;
	[smem:$0x7FF] =	sst s4  }
0x8: {  	s29 =	simm.s32 $0x14700;
	_ =	strace $0x8000004D;
	[dreg:$0x8] =	wrdreg s11  }
0x9: {  	s30 =	simm.s32 $0x14780;
	s31 =	simm.s32 $0x14E00;
	[dreg:$0x9] =	wrdreg s12  }
0xa: {  	s1 =	sand.u32 $0x1, s1;
	s6 =	smul.u32 $0x14000, s9;
	[dreg:$0xa] =	wrdreg s13  }
0xb: {  	s5 =	sadd.s32 $0xC4C00, s0;
	s22 =	sshll.u32 s9, $0xB;
	[dreg:$0xb] =	wrdreg s14  }
0xc: {  	s25 =	smul.u32 $0x50000, s9;
	s10 =	sshll.u32 s9, $0x6;
	[dreg:$0xc] =	wrdreg s15  }
0xd: {  	s9 =	simm.s32 $0x0;
	s3 =	smul.u32 $0x140000, s1;
	[dreg:$0xd] =	wrdreg s16  }
0xe: {  	s7 =	sshll.u32 s1, $0xF;
	s1 =	ssub.s32 $0x2, s1;
	[dreg:$0xe] =	wrdreg s17  }
0xf: {  	s11 =	simm.s32 $0x14000;
	s12 =	simm.s32 $0x14800;
	[dreg:$0xf] =	wrdreg s18  }
0x10: {  	s13 =	simm.s32 $0x50;
	s14 =	simm.s32 $0x15000;
	[dreg:$0x10] =	wrdreg s19  }
0x11: {  	s15 =	simm.s32 $0x17800;
	[dreg:$0x11] =	wrdreg s20;
	s16 =	simm.s32 $0x1A000  }
0x12: {  	s17 =	simm.s32 $0x1C800;
	s18 =	simm.s32 $0x1;
	s19 =	simm.s32 $0x2  }
0x13: {  	s20 =	simm.s32 $0x3;
	s21 =	sadd.s32 s7, s0;
	s24 =	sshrl.u32 s1, $0x1  }
0x14: {  	s26 =	sshrl.u32 s25, $0x2;
	s7 =	simm.s32 $0x14080;
	s25 =	simm.s32 $0x14500  }
0x15: {  	s3 =	sadd.s32 s6, s3;
	s23 =	sadd.s32 s22, s21;
	[dreg:$0x6] =	wrdreg s7  }
0x16: {  	s1 =	ssub.s32 s1, s24;
	s21 =	simm.s32 $0x14B00;
	[dreg:$0x16] =	wrdreg s25  }
0x17: {  	s6 =	sadd.s32 s26, s2;
	s22 =	simm.s32 $0x14B80;
	[dreg:$0x12] =	wrdreg s21  }
0x18: {  	s7 =	sor.u32 $0x1C05, s10;
	s24 =	simm.s32 $0x14480;
	[dreg:$0x13] =	wrdreg s22  }
0x19: {  	s10 =	simm.s32 $0x5;
	s26 =	simm.s32 $0x14580;
	[dreg:$0x15] =	wrdreg s24  }
0x1a: {  	s25 =	simm.s32 $0x14D80;
	s3 =	sshrl.u32 s3, $0x3;
	[dreg:$0x17] =	wrdreg s26  }
0x1b: {  	s8 =	sadd.s32 $0x3600, s23;
	s1 =	smax.u32 s1, $0x1;
	[dreg:$0x18] =	wrdreg s7  }
0x1c: {  	s21 =	simm.s32 $0x4;
	s22 =	simm.s32 $0x14C00;
	[dreg:$0x4] =	wrdreg s8  }
0x1d: {  	s0 =	sadd.s32 s3, s0;
	s3 =	sadd.s32 $0xB4C00, s23;
	[dreg:$0x1a] =	wrdreg s1  }
0x1e: {  	s24 =	simm.s32 $0x14D00;
	s8 =	simm.s32 $0x14100;
	[dreg:$0x5] =	wrdreg s3  }
0x1f: {  	s26 =	simm.s32 $0x14600;
	s23 =	simm.s32 $0x14400;
	[dreg:$0x7] =	wrdreg s8  }
0x20: {  	s1 =	simm.s32 $0x14F80;
	s0 =	sadd.s32 $0xECC00, s0;
	[dreg:$0x14] =	wrdreg s23  }
0x21: {  	s8 =	sshrl.u32 s6, $0x3;
	s23 =	simm.s32 $0x14C80;
	[dreg:$0x19] =	wrdreg s0  }
0x22: {  	s3 =	simm.s32 $0x14F00;
	s0 =	simm.s32 $0x14E80;
	[dreg:$0x1b] =	wrdreg s8  }
.LBB2_1:
0x23: {  	[dreg:$0x1c] =	wrdreg s9  }
0x24: {  	s6 =	rddreg [dreg:$0x1]  }
0x25: {  	[spmem:s8], [sflag:s7] =	dma.local [hbm:s6], $0x2800  }
0x26: {  	_ =	swait.ge [sflag:s10], $0x2800  }
0x27: {  	[sflag:s10] =	ssyncset.done $0x0  }
0x28: {  	[sflag:s10] =	ssyncadd.s32 $0xFFFFD800  }
0x29: {  	[bflag:$0x0] =	sbarrier.arrive $0xFFFF  }
0x2a: {  	s9 =	rddreg [dreg:$0x5]  }
0x2b: {  	s6 =	sadd.s32 $0x0, s9  }
0x2c: {  	[tilespmem:s11], [sflag:$0x5] =	stream.linear.gather [hbm4b:s6+s4], $0x800, $0x38;
	[tilespmem:$0x1F000] =	vst v63  }
0x2d: {  	_ =	swait.ge [sflag:s10], $0x800  }
0x2e: {  	s7 =	rddreg [dreg:$0x4];
	[sflag:s10] =	ssyncset.done $0x0  }
0x2f: {  	[sflag:s10] =	ssyncadd.s32 $0xFFFFF800;
	s6 =	sadd.s32 $0x0, s7  }
0x30: {  	[tilespmem:s12], [sflag:$0x5] =	stream.linear.gather [hbm4b:s6+s4], $0x800, $0x38;
	[tilespmem:$0x1F000] =	vst v63  }
0x31: {  	_ =	swait.ge [sflag:s10], $0x800  }
0x32: {  	[sflag:s10] =	ssyncset.done $0x0  }
0x33: {  	[sflag:s10] =	ssyncadd.s32 $0xFFFFF800  }
0x34: {  	[tilespmem:s14], [sflag:$0x1] =	stream.indirect.gather [hbm4b:s5+s13], $0x80, s11, s13, $0xb8;
	[tilespmem:$0x1F000] =	vst v63  }
0x35: {  	s8 =	rddreg [dreg:$0x6]  }
0x36: {  	[tilespmem:s15], [sflag:$0x2] =	stream.indirect.gather [hbm4b:s5+s13], $0x80, s8, s13, $0xb8;
	[tilespmem:$0x1F000] =	vst v63  }
0x37: {  	s9 =	rddreg [dreg:$0x7]  }
0x38: {  	[tilespmem:s16], [sflag:$0x3] =	stream.indirect.gather [hbm4b:s5+s13], $0x80, s9, s13, $0xb8;
	[tilespmem:$0x1F000] =	vst v63  }
0x39: {  	s7 =	rddreg [dreg:$0x8]  }
0x3a: {  	[tilespmem:s17], [sflag:$0x4] =	stream.indirect.gather [hbm4b:s5+s13], $0x80, s7, s13, $0xb8;
	[tilespmem:$0x1F000] =	vst v63  }
0x3b: {  	_ =	swait.ge [sflag:s18], $0x2800  }
0x3c: {  	[sflag:s18] =	ssyncset.done $0x0  }
0x3d: {  	[sflag:s18] =	ssyncadd.s32 $0xFFFFD800  }
0x3e: {  	[spmem:s2] =	stream.indirect.scatter.add.f32 [tilespmem:s14], [sflag:$0x5], $0x80, s12, s13, $0xb8;
	[tilespmem:$0x1F000] =	vst v63  }
0x3f: {  	_ =	swait.ge [sflag:s10], $0x2800  }
0x40: {  	[sflag:s10] =	ssyncset.done $0x0  }
0x41: {  	[sflag:s10] =	ssyncadd.s32 $0xFFFFD800  }
0x42: {  	_ =	swait.ge [sflag:s19], $0x2800  }
0x43: {  	[sflag:s19] =	ssyncset.done $0x0  }
0x44: {  	s8 =	rddreg [dreg:$0x9];
	[sflag:s19] =	ssyncadd.s32 $0xFFFFD800  }
0x45: {  	[spmem:s2] =	stream.indirect.scatter.add.f32 [tilespmem:s15], [sflag:$0x5], $0x80, s8, s13, $0xb8;
	[tilespmem:$0x1F000] =	vst v63  }
0x46: {  	_ =	swait.ge [sflag:s10], $0x2800  }
0x47: {  	[sflag:s10] =	ssyncset.done $0x0  }
0x48: {  	[sflag:s10] =	ssyncadd.s32 $0xFFFFD800  }
0x49: {  	_ =	swait.ge [sflag:s20], $0x2800  }
0x4a: {  	[sflag:s20] =	ssyncset.done $0x0  }
0x4b: {  	s9 =	rddreg [dreg:$0xa];
	[sflag:s20] =	ssyncadd.s32 $0xFFFFD800  }
0x4c: {  	[spmem:s2] =	stream.indirect.scatter.add.f32 [tilespmem:s16], [sflag:$0x5], $0x80, s9, s13, $0xb8;
	[tilespmem:$0x1F000] =	vst v63  }
0x4d: {  	_ =	swait.ge [sflag:s10], $0x2800  }
0x4e: {  	[sflag:s10] =	ssyncset.done $0x0  }
0x4f: {  	[sflag:s10] =	ssyncadd.s32 $0xFFFFD800  }
0x50: {  	_ =	swait.ge [sflag:s21], $0x2800  }
0x51: {  	[sflag:s21] =	ssyncset.done $0x0  }
0x52: {  	s7 =	rddreg [dreg:$0xb];
	[sflag:s21] =	ssyncadd.s32 $0xFFFFD800  }
0x53: {  	[spmem:s2] =	stream.indirect.scatter.add.f32 [tilespmem:s17], [sflag:$0x5], $0x80, s7, s13, $0xb8;
	[tilespmem:$0x1F000] =	vst v63  }
0x54: {  	_ =	swait.ge [sflag:s10], $0x2800  }
0x55: {  	[sflag:s10] =	ssyncset.done $0x0  }
0x56: {  	s8 =	rddreg [dreg:$0xc];
	[sflag:s10] =	ssyncadd.s32 $0xFFFFD800  }
0x57: {  	[tilespmem:s14], [sflag:$0x1] =	stream.indirect.gather [hbm4b:s5+s13], $0x80, s8, s13, $0xb8;
	[tilespmem:$0x1F000] =	vst v63  }
0x58: {  	s9 =	rddreg [dreg:$0xd]  }
0x59: {  	[tilespmem:s15], [sflag:$0x2] =	stream.indirect.gather [hbm4b:s5+s13], $0x80, s9, s13, $0xb8;
	[tilespmem:$0x1F000] =	vst v63  }
0x5a: {  	s7 =	rddreg [dreg:$0xe]  }
0x5b: {  	[tilespmem:s16], [sflag:$0x3] =	stream.indirect.gather [hbm4b:s5+s13], $0x80, s7, s13, $0xb8;
	[tilespmem:$0x1F000] =	vst v63  }
0x5c: {  	s9 =	rddreg [dreg:$0xf]  }
0x5d: {  	[tilespmem:s17], [sflag:$0x4] =	stream.indirect.gather [hbm4b:s5+s13], $0x80, s9, s13, $0xb8;
	[tilespmem:$0x1F000] =	vst v63  }
0x5e: {  	_ =	swait.ge [sflag:s18], $0x2800  }
0x5f: {  	[sflag:s18] =	ssyncset.done $0x0  }
0x60: {  	s7 =	rddreg [dreg:$0x10];
	[sflag:s18] =	ssyncadd.s32 $0xFFFFD800  }
0x61: {  	[spmem:s2] =	stream.indirect.scatter.add.f32 [tilespmem:s14], [sflag:$0x5], $0x80, s7, s13, $0xb8;
	[tilespmem:$0x1F000] =	vst v63  }
0x62: {  	_ =	swait.ge [sflag:s10], $0x2800  }
0x63: {  	[sflag:s10] =	ssyncset.done $0x0  }
0x64: {  	[sflag:s10] =	ssyncadd.s32 $0xFFFFD800  }
0x65: {  	_ =	swait.ge [sflag:s19], $0x2800  }
0x66: {  	[sflag:s19] =	ssyncset.done $0x0  }
0x67: {  	s8 =	rddreg [dreg:$0x11];
	[sflag:s19] =	ssyncadd.s32 $0xFFFFD800  }
0x68: {  	[spmem:s2] =	stream.indirect.scatter.add.f32 [tilespmem:s15], [sflag:$0x5], $0x80, s8, s13, $0xb8;
	[tilespmem:$0x1F000] =	vst v63  }
0x69: {  	_ =	swait.ge [sflag:s10], $0x2800  }
0x6a: {  	[sflag:s10] =	ssyncset.done $0x0  }
0x6b: {  	[sflag:s10] =	ssyncadd.s32 $0xFFFFD800  }
0x6c: {  	_ =	swait.ge [sflag:s20], $0x2800  }
0x6d: {  	[sflag:s20] =	ssyncset.done $0x0  }
0x6e: {  	s9 =	rddreg [dreg:$0x12];
	[sflag:s20] =	ssyncadd.s32 $0xFFFFD800  }
0x6f: {  	[spmem:s2] =	stream.indirect.scatter.add.f32 [tilespmem:s16], [sflag:$0x5], $0x80, s9, s13, $0xb8;
	[tilespmem:$0x1F000] =	vst v63  }
0x70: {  	_ =	swait.ge [sflag:s10], $0x2800  }
0x71: {  	[sflag:s10] =	ssyncset.done $0x0  }
0x72: {  	[sflag:s10] =	ssyncadd.s32 $0xFFFFD800  }
0x73: {  	_ =	swait.ge [sflag:s21], $0x2800  }
0x74: {  	[sflag:s21] =	ssyncset.done $0x0  }
0x75: {  	s7 =	rddreg [dreg:$0x13];
	[sflag:s21] =	ssyncadd.s32 $0xFFFFD800  }
0x76: {  	[spmem:s2] =	stream.indirect.scatter.add.f32 [tilespmem:s17], [sflag:$0x5], $0x80, s7, s13, $0xb8;
	[tilespmem:$0x1F000] =	vst v63  }
0x77: {  	_ =	swait.ge [sflag:s10], $0x2800  }
0x78: {  	[sflag:s10] =	ssyncset.done $0x0  }
0x79: {  	s8 =	rddreg [dreg:$0x14];
	[sflag:s10] =	ssyncadd.s32 $0xFFFFD800  }
0x7a: {  	[tilespmem:s14], [sflag:$0x1] =	stream.indirect.gather [hbm4b:s5+s13], $0x80, s8, s13, $0xb8;
	[tilespmem:$0x1F000] =	vst v63  }
0x7b: {  	s9 =	rddreg [dreg:$0x15]  }
0x7c: {  	[tilespmem:s15], [sflag:$0x2] =	stream.indirect.gather [hbm4b:s5+s13], $0x80, s9, s13, $0xb8;
	[tilespmem:$0x1F000] =	vst v63  }
0x7d: {  	s7 =	rddreg [dreg:$0x16]  }
0x7e: {  	[tilespmem:s16], [sflag:$0x3] =	stream.indirect.gather [hbm4b:s5+s13], $0x80, s7, s13, $0xb8;
	[tilespmem:$0x1F000] =	vst v63  }
0x7f: {  	s9 =	rddreg [dreg:$0x17]  }
0x80: {  	[tilespmem:s17], [sflag:$0x4] =	stream.indirect.gather [hbm4b:s5+s13], $0x80, s9, s13, $0xb8;
	[tilespmem:$0x1F000] =	vst v63  }
0x81: {  	_ =	swait.ge [sflag:s18], $0x2800  }
0x82: {  	[sflag:s18] =	ssyncset.done $0x0  }
0x83: {  	[sflag:s18] =	ssyncadd.s32 $0xFFFFD800  }
0x84: {  	[spmem:s2] =	stream.indirect.scatter.add.f32 [tilespmem:s14], [sflag:$0x5], $0x80, s22, s13, $0xb8;
	[tilespmem:$0x1F000] =	vst v63  }
0x85: {  	_ =	swait.ge [sflag:s10], $0x2800  }
0x86: {  	[sflag:s10] =	ssyncset.done $0x0  }
0x87: {  	[sflag:s10] =	ssyncadd.s32 $0xFFFFD800  }
0x88: {  	_ =	swait.ge [sflag:s19], $0x2800  }
0x89: {  	[sflag:s19] =	ssyncset.done $0x0  }
0x8a: {  	[sflag:s19] =	ssyncadd.s32 $0xFFFFD800  }
0x8b: {  	[spmem:s2] =	stream.indirect.scatter.add.f32 [tilespmem:s15], [sflag:$0x5], $0x80, s23, s13, $0xb8;
	[tilespmem:$0x1F000] =	vst v63  }
0x8c: {  	_ =	swait.ge [sflag:s10], $0x2800  }
0x8d: {  	[sflag:s10] =	ssyncset.done $0x0  }
0x8e: {  	[sflag:s10] =	ssyncadd.s32 $0xFFFFD800  }
0x8f: {  	_ =	swait.ge [sflag:s20], $0x2800  }
0x90: {  	[sflag:s20] =	ssyncset.done $0x0  }
0x91: {  	[sflag:s20] =	ssyncadd.s32 $0xFFFFD800  }
0x92: {  	[spmem:s2] =	stream.indirect.scatter.add.f32 [tilespmem:s16], [sflag:$0x5], $0x80, s24, s13, $0xb8;
	[tilespmem:$0x1F000] =	vst v63  }
0x93: {  	_ =	swait.ge [sflag:s10], $0x2800  }
0x94: {  	[sflag:s10] =	ssyncset.done $0x0  }
0x95: {  	[sflag:s10] =	ssyncadd.s32 $0xFFFFD800  }
0x96: {  	_ =	swait.ge [sflag:s21], $0x2800  }
0x97: {  	[sflag:s21] =	ssyncset.done $0x0  }
0x98: {  	[sflag:s21] =	ssyncadd.s32 $0xFFFFD800  }
0x99: {  	[spmem:s2] =	stream.indirect.scatter.add.f32 [tilespmem:s17], [sflag:$0x5], $0x80, s25, s13, $0xb8;
	[tilespmem:$0x1F000] =	vst v63  }
0x9a: {  	_ =	swait.ge [sflag:s10], $0x2800  }
0x9b: {  	[sflag:s10] =	ssyncset.done $0x0  }
0x9c: {  	[sflag:s10] =	ssyncadd.s32 $0xFFFFD800  }
0x9d: {  	[tilespmem:s14], [sflag:$0x1] =	stream.indirect.gather [hbm4b:s5+s13], $0x80, s26, s13, $0xb8;
	[tilespmem:$0x1F000] =	vst v63  }
0x9e: {  	_ = 	snop  }
0x9f: {  	[tilespmem:s15], [sflag:$0x2] =	stream.indirect.gather [hbm4b:s5+s13], $0x80, s28, s13, $0xb8;
	[tilespmem:$0x1F000] =	vst v63  }
0xa0: {  	_ = 	snop  }
0xa1: {  	[tilespmem:s16], [sflag:$0x3] =	stream.indirect.gather [hbm4b:s5+s13], $0x80, s29, s13, $0xb8;
	[tilespmem:$0x1F000] =	vst v63  }
0xa2: {  	_ = 	snop  }
0xa3: {  	[tilespmem:s17], [sflag:$0x4] =	stream.indirect.gather [hbm4b:s5+s13], $0x80, s30, s13, $0xb8;
	[tilespmem:$0x1F000] =	vst v63  }
0xa4: {  	_ =	swait.ge [sflag:s18], $0x2800  }
0xa5: {  	[sflag:s18] =	ssyncset.done $0x0  }
0xa6: {  	[sflag:s18] =	ssyncadd.s32 $0xFFFFD800  }
0xa7: {  	[spmem:s2] =	stream.indirect.scatter.add.f32 [tilespmem:s14], [sflag:$0x5], $0x80, s31, s13, $0xb8;
	[tilespmem:$0x1F000] =	vst v63  }
0xa8: {  	_ =	swait.ge [sflag:s10], $0x2800  }
0xa9: {  	[sflag:s10] =	ssyncset.done $0x0  }
0xaa: {  	[sflag:s10] =	ssyncadd.s32 $0xFFFFD800  }
0xab: {  	_ =	swait.ge [sflag:s19], $0x2800  }
0xac: {  	[sflag:s19] =	ssyncset.done $0x0  }
0xad: {  	[sflag:s19] =	ssyncadd.s32 $0xFFFFD800  }
0xae: {  	[spmem:s2] =	stream.indirect.scatter.add.f32 [tilespmem:s15], [sflag:$0x5], $0x80, s0, s13, $0xb8;
	[tilespmem:$0x1F000] =	vst v63  }
0xaf: {  	_ =	swait.ge [sflag:s10], $0x2800  }
0xb0: {  	[sflag:s10] =	ssyncset.done $0x0  }
0xb1: {  	[sflag:s10] =	ssyncadd.s32 $0xFFFFD800  }
0xb2: {  	_ =	swait.ge [sflag:s20], $0x2800  }
0xb3: {  	[sflag:s20] =	ssyncset.done $0x0  }
0xb4: {  	[sflag:s20] =	ssyncadd.s32 $0xFFFFD800  }
0xb5: {  	[spmem:s2] =	stream.indirect.scatter.add.f32 [tilespmem:s16], [sflag:$0x5], $0x80, s3, s13, $0xb8;
	[tilespmem:$0x1F000] =	vst v63  }
0xb6: {  	_ =	swait.ge [sflag:s10], $0x2800  }
0xb7: {  	[sflag:s10] =	ssyncset.done $0x0  }
0xb8: {  	[sflag:s10] =	ssyncadd.s32 $0xFFFFD800  }
0xb9: {  	_ =	swait.ge [sflag:s21], $0x2800  }
0xba: {  	[sflag:s21] =	ssyncset.done $0x0  }
0xbb: {  	[sflag:s21] =	ssyncadd.s32 $0xFFFFD800  }
0xbc: {  	[spmem:s2] =	stream.indirect.scatter.add.f32 [tilespmem:s17], [sflag:$0x5], $0x80, s1, s13, $0xb8;
	[tilespmem:$0x1F000] =	vst v63  }
0xbd: {  	s6 =	simm.s32 $0x200;
	_ =	swait.ge [sflag:s10], $0x2800  }
0xbe: {  	s8 =	simm.s32 $0x100;
	s9 =	rddreg [dreg:$0x5];
	[sflag:s10] =	ssyncset.done $0x0  }
.LBB2_2:
0xbf: {  	[sflag:s10] =	ssyncadd.s32 $0xFFFFD800;
	s9 =	sadd.s32 s8, s9  }
0xc0: {  	[tilespmem:s11], [sflag:$0x5] =	stream.linear.gather [hbm4b:s9+s4], $0x800, $0x38;
	[tilespmem:$0x1F000] =	vst v63  }
0xc1: {  	_ =	swait.ge [sflag:s10], $0x800  }
0xc2: {  	s9 =	rddreg [dreg:$0x4];
	[sflag:s10] =	ssyncset.done $0x0  }
0xc3: {  	[sflag:s10] =	ssyncadd.s32 $0xFFFFF800;
	s9 =	sadd.s32 s8, s9  }
0xc4: {  	[tilespmem:s12], [sflag:$0x5] =	stream.linear.gather [hbm4b:s9+s4], $0x800, $0x38;
	[tilespmem:$0x1F000] =	vst v63  }
0xc5: {  	_ =	swait.ge [sflag:s10], $0x800  }
0xc6: {  	[sflag:s10] =	ssyncset.done $0x0  }
0xc7: {  	s7 =	smov.u32 s6;
	[sflag:s10] =	ssyncadd.s32 $0xFFFFF800  }
0xc8: {  	[tilespmem:s14], [sflag:$0x1] =	stream.indirect.gather [hbm4b:s5+s13], $0x80, s11, s13, $0xb8;
	[tilespmem:$0x1F000] =	vst v63  }
0xc9: {  	s8 =	smov.u32 s7;
	s7 =	rddreg [dreg:$0x6]  }
0xca: {  	[tilespmem:s15], [sflag:$0x2] =	stream.indirect.gather [hbm4b:s5+s13], $0x80, s7, s13, $0xb8;
	[tilespmem:$0x1F000] =	vst v63  }
0xcb: {  	s9 =	rddreg [dreg:$0x7]  }
0xcc: {  	[tilespmem:s16], [sflag:$0x3] =	stream.indirect.gather [hbm4b:s5+s13], $0x80, s9, s13, $0xb8;
	[tilespmem:$0x1F000] =	vst v63  }
0xcd: {  	s7 =	rddreg [dreg:$0x8]  }
0xce: {  	[tilespmem:s17], [sflag:$0x4] =	stream.indirect.gather [hbm4b:s5+s13], $0x80, s7, s13, $0xb8;
	[tilespmem:$0x1F000] =	vst v63  }
0xcf: {  	_ =	swait.ge [sflag:s18], $0x2800  }
0xd0: {  	[sflag:s18] =	ssyncset.done $0x0  }
0xd1: {  	[sflag:s18] =	ssyncadd.s32 $0xFFFFD800  }
0xd2: {  	[spmem:s2] =	stream.indirect.scatter.add.f32 [tilespmem:s14], [sflag:$0x5], $0x80, s12, s13, $0xb8;
	[tilespmem:$0x1F000] =	vst v63  }
0xd3: {  	_ =	swait.ge [sflag:s10], $0x2800  }
0xd4: {  	[sflag:s10] =	ssyncset.done $0x0  }
0xd5: {  	[sflag:s10] =	ssyncadd.s32 $0xFFFFD800  }
0xd6: {  	_ =	swait.ge [sflag:s19], $0x2800  }
0xd7: {  	[sflag:s19] =	ssyncset.done $0x0  }
0xd8: {  	s9 =	rddreg [dreg:$0x9];
	[sflag:s19] =	ssyncadd.s32 $0xFFFFD800  }
0xd9: {  	[spmem:s2] =	stream.indirect.scatter.add.f32 [tilespmem:s15], [sflag:$0x5], $0x80, s9, s13, $0xb8;
	[tilespmem:$0x1F000] =	vst v63  }
0xda: {  	_ =	swait.ge [sflag:s10], $0x2800  }
0xdb: {  	[sflag:s10] =	ssyncset.done $0x0  }
0xdc: {  	[sflag:s10] =	ssyncadd.s32 $0xFFFFD800  }
0xdd: {  	_ =	swait.ge [sflag:s20], $0x2800  }
0xde: {  	[sflag:s20] =	ssyncset.done $0x0  }
0xdf: {  	s9 =	rddreg [dreg:$0xa];
	[sflag:s20] =	ssyncadd.s32 $0xFFFFD800  }
0xe0: {  	[spmem:s2] =	stream.indirect.scatter.add.f32 [tilespmem:s16], [sflag:$0x5], $0x80, s9, s13, $0xb8;
	[tilespmem:$0x1F000] =	vst v63  }
0xe1: {  	_ =	swait.ge [sflag:s10], $0x2800  }
0xe2: {  	[sflag:s10] =	ssyncset.done $0x0  }
0xe3: {  	[sflag:s10] =	ssyncadd.s32 $0xFFFFD800  }
0xe4: {  	_ =	swait.ge [sflag:s21], $0x2800  }
0xe5: {  	[sflag:s21] =	ssyncset.done $0x0  }
0xe6: {  	s9 =	rddreg [dreg:$0xb];
	[sflag:s21] =	ssyncadd.s32 $0xFFFFD800  }
0xe7: {  	[spmem:s2] =	stream.indirect.scatter.add.f32 [tilespmem:s17], [sflag:$0x5], $0x80, s9, s13, $0xb8;
	[tilespmem:$0x1F000] =	vst v63  }
0xe8: {  	_ =	swait.ge [sflag:s10], $0x2800  }
0xe9: {  	[sflag:s10] =	ssyncset.done $0x0  }
0xea: {  	s7 =	rddreg [dreg:$0xc];
	[sflag:s10] =	ssyncadd.s32 $0xFFFFD800  }
0xeb: {  	[tilespmem:s14], [sflag:$0x1] =	stream.indirect.gather [hbm4b:s5+s13], $0x80, s7, s13, $0xb8;
	[tilespmem:$0x1F000] =	vst v63  }
0xec: {  	s9 =	rddreg [dreg:$0xd]  }
0xed: {  	[tilespmem:s15], [sflag:$0x2] =	stream.indirect.gather [hbm4b:s5+s13], $0x80, s9, s13, $0xb8;
	[tilespmem:$0x1F000] =	vst v63  }
0xee: {  	s7 =	rddreg [dreg:$0xe]  }
0xef: {  	[tilespmem:s16], [sflag:$0x3] =	stream.indirect.gather [hbm4b:s5+s13], $0x80, s7, s13, $0xb8;
	[tilespmem:$0x1F000] =	vst v63  }
0xf0: {  	s9 =	rddreg [dreg:$0xf]  }
0xf1: {  	[tilespmem:s17], [sflag:$0x4] =	stream.indirect.gather [hbm4b:s5+s13], $0x80, s9, s13, $0xb8;
	[tilespmem:$0x1F000] =	vst v63  }
0xf2: {  	_ =	swait.ge [sflag:s18], $0x2800  }
0xf3: {  	[sflag:s18] =	ssyncset.done $0x0  }
0xf4: {  	s9 =	rddreg [dreg:$0x10];
	[sflag:s18] =	ssyncadd.s32 $0xFFFFD800  }
0xf5: {  	[spmem:s2] =	stream.indirect.scatter.add.f32 [tilespmem:s14], [sflag:$0x5], $0x80, s9, s13, $0xb8;
	[tilespmem:$0x1F000] =	vst v63  }
0xf6: {  	_ =	swait.ge [sflag:s10], $0x2800  }
0xf7: {  	[sflag:s10] =	ssyncset.done $0x0  }
0xf8: {  	[sflag:s10] =	ssyncadd.s32 $0xFFFFD800  }
0xf9: {  	_ =	swait.ge [sflag:s19], $0x2800  }
0xfa: {  	[sflag:s19] =	ssyncset.done $0x0  }
0xfb: {  	s9 =	rddreg [dreg:$0x11];
	[sflag:s19] =	ssyncadd.s32 $0xFFFFD800  }
0xfc: {  	[spmem:s2] =	stream.indirect.scatter.add.f32 [tilespmem:s15], [sflag:$0x5], $0x80, s9, s13, $0xb8;
	[tilespmem:$0x1F000] =	vst v63  }
0xfd: {  	_ =	swait.ge [sflag:s10], $0x2800  }
0xfe: {  	[sflag:s10] =	ssyncset.done $0x0  }
0xff: {  	[sflag:s10] =	ssyncadd.s32 $0xFFFFD800  }
0x100: {  	_ =	swait.ge [sflag:s20], $0x2800  }
0x101: {  	[sflag:s20] =	ssyncset.done $0x0  }
0x102: {  	s9 =	rddreg [dreg:$0x12];
	[sflag:s20] =	ssyncadd.s32 $0xFFFFD800  }
0x103: {  	[spmem:s2] =	stream.indirect.scatter.add.f32 [tilespmem:s16], [sflag:$0x5], $0x80, s9, s13, $0xb8;
	[tilespmem:$0x1F000] =	vst v63  }
0x104: {  	_ =	swait.ge [sflag:s10], $0x2800  }
0x105: {  	[sflag:s10] =	ssyncset.done $0x0  }
0x106: {  	[sflag:s10] =	ssyncadd.s32 $0xFFFFD800  }
0x107: {  	_ =	swait.ge [sflag:s21], $0x2800  }
0x108: {  	[sflag:s21] =	ssyncset.done $0x0  }
0x109: {  	s9 =	rddreg [dreg:$0x13];
	[sflag:s21] =	ssyncadd.s32 $0xFFFFD800  }
0x10a: {  	[spmem:s2] =	stream.indirect.scatter.add.f32 [tilespmem:s17], [sflag:$0x5], $0x80, s9, s13, $0xb8;
	[tilespmem:$0x1F000] =	vst v63  }
0x10b: {  	_ =	swait.ge [sflag:s10], $0x2800  }
0x10c: {  	[sflag:s10] =	ssyncset.done $0x0  }
0x10d: {  	s7 =	rddreg [dreg:$0x14];
	[sflag:s10] =	ssyncadd.s32 $0xFFFFD800  }
0x10e: {  	[tilespmem:s14], [sflag:$0x1] =	stream.indirect.gather [hbm4b:s5+s13], $0x80, s7, s13, $0xb8;
	[tilespmem:$0x1F000] =	vst v63  }
0x10f: {  	s9 =	rddreg [dreg:$0x15]  }
0x110: {  	[tilespmem:s15], [sflag:$0x2] =	stream.indirect.gather [hbm4b:s5+s13], $0x80, s9, s13, $0xb8;
	[tilespmem:$0x1F000] =	vst v63  }
0x111: {  	s7 =	rddreg [dreg:$0x16]  }
0x112: {  	[tilespmem:s16], [sflag:$0x3] =	stream.indirect.gather [hbm4b:s5+s13], $0x80, s7, s13, $0xb8;
	[tilespmem:$0x1F000] =	vst v63  }
0x113: {  	s9 =	rddreg [dreg:$0x17]  }
0x114: {  	[tilespmem:s17], [sflag:$0x4] =	stream.indirect.gather [hbm4b:s5+s13], $0x80, s9, s13, $0xb8;
	[tilespmem:$0x1F000] =	vst v63  }
0x115: {  	_ =	swait.ge [sflag:s18], $0x2800  }
0x116: {  	[sflag:s18] =	ssyncset.done $0x0  }
0x117: {  	[sflag:s18] =	ssyncadd.s32 $0xFFFFD800  }
0x118: {  	[spmem:s2] =	stream.indirect.scatter.add.f32 [tilespmem:s14], [sflag:$0x5], $0x80, s22, s13, $0xb8;
	[tilespmem:$0x1F000] =	vst v63  }
0x119: {  	_ =	swait.ge [sflag:s10], $0x2800  }
0x11a: {  	[sflag:s10] =	ssyncset.done $0x0  }
0x11b: {  	[sflag:s10] =	ssyncadd.s32 $0xFFFFD800  }
0x11c: {  	_ =	swait.ge [sflag:s19], $0x2800  }
0x11d: {  	[sflag:s19] =	ssyncset.done $0x0  }
0x11e: {  	[sflag:s19] =	ssyncadd.s32 $0xFFFFD800  }
0x11f: {  	[spmem:s2] =	stream.indirect.scatter.add.f32 [tilespmem:s15], [sflag:$0x5], $0x80, s23, s13, $0xb8;
	[tilespmem:$0x1F000] =	vst v63  }
0x120: {  	_ =	swait.ge [sflag:s10], $0x2800  }
0x121: {  	[sflag:s10] =	ssyncset.done $0x0  }
0x122: {  	[sflag:s10] =	ssyncadd.s32 $0xFFFFD800  }
0x123: {  	_ =	swait.ge [sflag:s20], $0x2800  }
0x124: {  	[sflag:s20] =	ssyncset.done $0x0  }
0x125: {  	[sflag:s20] =	ssyncadd.s32 $0xFFFFD800  }
0x126: {  	[spmem:s2] =	stream.indirect.scatter.add.f32 [tilespmem:s16], [sflag:$0x5], $0x80, s24, s13, $0xb8;
	[tilespmem:$0x1F000] =	vst v63  }
0x127: {  	_ =	swait.ge [sflag:s10], $0x2800  }
0x128: {  	[sflag:s10] =	ssyncset.done $0x0  }
0x129: {  	[sflag:s10] =	ssyncadd.s32 $0xFFFFD800  }
0x12a: {  	_ =	swait.ge [sflag:s21], $0x2800  }
0x12b: {  	[sflag:s21] =	ssyncset.done $0x0  }
0x12c: {  	[sflag:s21] =	ssyncadd.s32 $0xFFFFD800  }
0x12d: {  	[spmem:s2] =	stream.indirect.scatter.add.f32 [tilespmem:s17], [sflag:$0x5], $0x80, s25, s13, $0xb8;
	[tilespmem:$0x1F000] =	vst v63  }
0x12e: {  	_ =	swait.ge [sflag:s10], $0x2800  }
0x12f: {  	[sflag:s10] =	ssyncset.done $0x0  }
0x130: {  	[sflag:s10] =	ssyncadd.s32 $0xFFFFD800  }
0x131: {  	[tilespmem:s14], [sflag:$0x1] =	stream.indirect.gather [hbm4b:s5+s13], $0x80, s26, s13, $0xb8;
	[tilespmem:$0x1F000] =	vst v63  }
0x132: {  	_ = 	snop  }
0x133: {  	[tilespmem:s15], [sflag:$0x2] =	stream.indirect.gather [hbm4b:s5+s13], $0x80, s28, s13, $0xb8;
	[tilespmem:$0x1F000] =	vst v63  }
0x134: {  	_ = 	snop  }
0x135: {  	[tilespmem:s16], [sflag:$0x3] =	stream.indirect.gather [hbm4b:s5+s13], $0x80, s29, s13, $0xb8;
	[tilespmem:$0x1F000] =	vst v63  }
0x136: {  	_ = 	snop  }
0x137: {  	[tilespmem:s17], [sflag:$0x4] =	stream.indirect.gather [hbm4b:s5+s13], $0x80, s30, s13, $0xb8;
	[tilespmem:$0x1F000] =	vst v63  }
0x138: {  	_ =	swait.ge [sflag:s18], $0x2800  }
0x139: {  	[sflag:s18] =	ssyncset.done $0x0  }
0x13a: {  	[sflag:s18] =	ssyncadd.s32 $0xFFFFD800  }
0x13b: {  	[spmem:s2] =	stream.indirect.scatter.add.f32 [tilespmem:s14], [sflag:$0x5], $0x80, s31, s13, $0xb8;
	[tilespmem:$0x1F000] =	vst v63  }
0x13c: {  	_ =	swait.ge [sflag:s10], $0x2800  }
0x13d: {  	[sflag:s10] =	ssyncset.done $0x0  }
0x13e: {  	[sflag:s10] =	ssyncadd.s32 $0xFFFFD800  }
0x13f: {  	_ =	swait.ge [sflag:s19], $0x2800  }
0x140: {  	[sflag:s19] =	ssyncset.done $0x0  }
0x141: {  	[sflag:s19] =	ssyncadd.s32 $0xFFFFD800  }
0x142: {  	[spmem:s2] =	stream.indirect.scatter.add.f32 [tilespmem:s15], [sflag:$0x5], $0x80, s0, s13, $0xb8;
	[tilespmem:$0x1F000] =	vst v63  }
0x143: {  	_ =	swait.ge [sflag:s10], $0x2800  }
0x144: {  	[sflag:s10] =	ssyncset.done $0x0  }
0x145: {  	[sflag:s10] =	ssyncadd.s32 $0xFFFFD800  }
0x146: {  	_ =	swait.ge [sflag:s20], $0x2800  }
0x147: {  	[sflag:s20] =	ssyncset.done $0x0  }
0x148: {  	[sflag:s20] =	ssyncadd.s32 $0xFFFFD800  }
0x149: {  	[spmem:s2] =	stream.indirect.scatter.add.f32 [tilespmem:s16], [sflag:$0x5], $0x80, s3, s13, $0xb8;
	[tilespmem:$0x1F000] =	vst v63  }
0x14a: {  	_ =	swait.ge [sflag:s10], $0x2800  }
0x14b: {  	[sflag:s10] =	ssyncset.done $0x0  }
0x14c: {  	[sflag:s10] =	ssyncadd.s32 $0xFFFFD800  }
0x14d: {  	p0 =	sne.s32 s6, $0x700;
	_ =	swait.ge [sflag:s21], $0x2800  }
.Ltmp0:
0x14e: {  	[sflag:s21] =	ssyncset.done $0x0;
	(pc) =	sbr.rel @p0 .LBB2_2-.Ltmp0, $4  }
0x14f: {  	[sflag:s21] =	ssyncadd.s32 $0xFFFFD800  }
0x150: {  	[spmem:s2] =	stream.indirect.scatter.add.f32 [tilespmem:s17], [sflag:$0x5], $0x80, s1, s13, $0xb8;
	[tilespmem:$0x1F000] =	vst v63  }
0x151: {  	_ =	swait.ge [sflag:s10], $0x2800  }
0x152: {  	s6 =	sadd.s32 $0x100, s6;
	s9 =	rddreg [dreg:$0x5];
	[sflag:s10] =	ssyncset.done $0x0  }
0x153: {  	[sflag:s10] =	ssyncadd.s32 $0xFFFFD800;
	s6 =	sadd.s32 s8, s9  }
0x154: {  	[tilespmem:s11], [sflag:$0x5] =	stream.linear.gather [hbm4b:s6+s4], $0x800, $0x38;
	[tilespmem:$0x1F000] =	vst v63  }
0x155: {  	_ =	swait.ge [sflag:s10], $0x800  }
0x156: {  	s7 =	rddreg [dreg:$0x4];
	[sflag:s10] =	ssyncset.done $0x0  }
0x157: {  	[sflag:s10] =	ssyncadd.s32 $0xFFFFF800;
	s6 =	sadd.s32 s8, s7  }
0x158: {  	[tilespmem:s12], [sflag:$0x5] =	stream.linear.gather [hbm4b:s6+s4], $0x800, $0x38;
	[tilespmem:$0x1F000] =	vst v63  }
0x159: {  	_ =	swait.ge [sflag:s10], $0x800  }
0x15a: {  	[sflag:s10] =	ssyncset.done $0x0  }
0x15b: {  	[sflag:s10] =	ssyncadd.s32 $0xFFFFF800  }
0x15c: {  	[tilespmem:s14], [sflag:$0x1] =	stream.indirect.gather [hbm4b:s5+s13], $0x80, s11, s13, $0xb8;
	[tilespmem:$0x1F000] =	vst v63  }
0x15d: {  	s8 =	rddreg [dreg:$0x6]  }
0x15e: {  	[tilespmem:s15], [sflag:$0x2] =	stream.indirect.gather [hbm4b:s5+s13], $0x80, s8, s13, $0xb8;
	[tilespmem:$0x1F000] =	vst v63  }
0x15f: {  	s7 =	rddreg [dreg:$0x7]  }
0x160: {  	[tilespmem:s16], [sflag:$0x3] =	stream.indirect.gather [hbm4b:s5+s13], $0x80, s7, s13, $0xb8;
	[tilespmem:$0x1F000] =	vst v63  }
0x161: {  	s9 =	rddreg [dreg:$0x8]  }
0x162: {  	[tilespmem:s17], [sflag:$0x4] =	stream.indirect.gather [hbm4b:s5+s13], $0x80, s9, s13, $0xb8;
	[tilespmem:$0x1F000] =	vst v63  }
0x163: {  	_ =	swait.ge [sflag:s18], $0x2800  }
0x164: {  	[sflag:s18] =	ssyncset.done $0x0  }
0x165: {  	[sflag:s18] =	ssyncadd.s32 $0xFFFFD800  }
0x166: {  	[spmem:s2] =	stream.indirect.scatter.add.f32 [tilespmem:s14], [sflag:$0x5], $0x80, s12, s13, $0xb8;
	[tilespmem:$0x1F000] =	vst v63  }
0x167: {  	_ =	swait.ge [sflag:s10], $0x2800  }
0x168: {  	[sflag:s10] =	ssyncset.done $0x0  }
0x169: {  	[sflag:s10] =	ssyncadd.s32 $0xFFFFD800  }
0x16a: {  	_ =	swait.ge [sflag:s19], $0x2800  }
0x16b: {  	[sflag:s19] =	ssyncset.done $0x0  }
0x16c: {  	s7 =	rddreg [dreg:$0x9];
	[sflag:s19] =	ssyncadd.s32 $0xFFFFD800  }
0x16d: {  	[spmem:s2] =	stream.indirect.scatter.add.f32 [tilespmem:s15], [sflag:$0x5], $0x80, s7, s13, $0xb8;
	[tilespmem:$0x1F000] =	vst v63  }
0x16e: {  	_ =	swait.ge [sflag:s10], $0x2800  }
0x16f: {  	[sflag:s10] =	ssyncset.done $0x0  }
0x170: {  	[sflag:s10] =	ssyncadd.s32 $0xFFFFD800  }
0x171: {  	_ =	swait.ge [sflag:s20], $0x2800  }
0x172: {  	[sflag:s20] =	ssyncset.done $0x0  }
0x173: {  	s8 =	rddreg [dreg:$0xa];
	[sflag:s20] =	ssyncadd.s32 $0xFFFFD800  }
0x174: {  	[spmem:s2] =	stream.indirect.scatter.add.f32 [tilespmem:s16], [sflag:$0x5], $0x80, s8, s13, $0xb8;
	[tilespmem:$0x1F000] =	vst v63  }
0x175: {  	_ =	swait.ge [sflag:s10], $0x2800  }
0x176: {  	[sflag:s10] =	ssyncset.done $0x0  }
0x177: {  	[sflag:s10] =	ssyncadd.s32 $0xFFFFD800  }
0x178: {  	_ =	swait.ge [sflag:s21], $0x2800  }
0x179: {  	[sflag:s21] =	ssyncset.done $0x0  }
0x17a: {  	s9 =	rddreg [dreg:$0xb];
	[sflag:s21] =	ssyncadd.s32 $0xFFFFD800  }
0x17b: {  	[spmem:s2] =	stream.indirect.scatter.add.f32 [tilespmem:s17], [sflag:$0x5], $0x80, s9, s13, $0xb8;
	[tilespmem:$0x1F000] =	vst v63  }
0x17c: {  	_ =	swait.ge [sflag:s10], $0x2800  }
0x17d: {  	[sflag:s10] =	ssyncset.done $0x0  }
0x17e: {  	s7 =	rddreg [dreg:$0xc];
	[sflag:s10] =	ssyncadd.s32 $0xFFFFD800  }
0x17f: {  	[tilespmem:s14], [sflag:$0x1] =	stream.indirect.gather [hbm4b:s5+s13], $0x80, s7, s13, $0xb8;
	[tilespmem:$0x1F000] =	vst v63  }
0x180: {  	s8 =	rddreg [dreg:$0xd]  }
0x181: {  	[tilespmem:s15], [sflag:$0x2] =	stream.indirect.gather [hbm4b:s5+s13], $0x80, s8, s13, $0xb8;
	[tilespmem:$0x1F000] =	vst v63  }
0x182: {  	s9 =	rddreg [dreg:$0xe]  }
0x183: {  	[tilespmem:s16], [sflag:$0x3] =	stream.indirect.gather [hbm4b:s5+s13], $0x80, s9, s13, $0xb8;
	[tilespmem:$0x1F000] =	vst v63  }
0x184: {  	s8 =	rddreg [dreg:$0xf]  }
0x185: {  	[tilespmem:s17], [sflag:$0x4] =	stream.indirect.gather [hbm4b:s5+s13], $0x80, s8, s13, $0xb8;
	[tilespmem:$0x1F000] =	vst v63  }
0x186: {  	_ =	swait.ge [sflag:s18], $0x2800  }
0x187: {  	[sflag:s18] =	ssyncset.done $0x0  }
0x188: {  	s9 =	rddreg [dreg:$0x10];
	[sflag:s18] =	ssyncadd.s32 $0xFFFFD800  }
0x189: {  	[spmem:s2] =	stream.indirect.scatter.add.f32 [tilespmem:s14], [sflag:$0x5], $0x80, s9, s13, $0xb8;
	[tilespmem:$0x1F000] =	vst v63  }
0x18a: {  	_ =	swait.ge [sflag:s10], $0x2800  }
0x18b: {  	[sflag:s10] =	ssyncset.done $0x0  }
0x18c: {  	[sflag:s10] =	ssyncadd.s32 $0xFFFFD800  }
0x18d: {  	_ =	swait.ge [sflag:s19], $0x2800  }
0x18e: {  	[sflag:s19] =	ssyncset.done $0x0  }
0x18f: {  	s7 =	rddreg [dreg:$0x11];
	[sflag:s19] =	ssyncadd.s32 $0xFFFFD800  }
0x190: {  	[spmem:s2] =	stream.indirect.scatter.add.f32 [tilespmem:s15], [sflag:$0x5], $0x80, s7, s13, $0xb8;
	[tilespmem:$0x1F000] =	vst v63  }
0x191: {  	_ =	swait.ge [sflag:s10], $0x2800  }
0x192: {  	[sflag:s10] =	ssyncset.done $0x0  }
0x193: {  	[sflag:s10] =	ssyncadd.s32 $0xFFFFD800  }
0x194: {  	_ =	swait.ge [sflag:s20], $0x2800  }
0x195: {  	[sflag:s20] =	ssyncset.done $0x0  }
0x196: {  	s8 =	rddreg [dreg:$0x12];
	[sflag:s20] =	ssyncadd.s32 $0xFFFFD800  }
0x197: {  	[spmem:s2] =	stream.indirect.scatter.add.f32 [tilespmem:s16], [sflag:$0x5], $0x80, s8, s13, $0xb8;
	[tilespmem:$0x1F000] =	vst v63  }
0x198: {  	_ =	swait.ge [sflag:s10], $0x2800  }
0x199: {  	[sflag:s10] =	ssyncset.done $0x0  }
0x19a: {  	[sflag:s10] =	ssyncadd.s32 $0xFFFFD800  }
0x19b: {  	_ =	swait.ge [sflag:s21], $0x2800  }
0x19c: {  	[sflag:s21] =	ssyncset.done $0x0  }
0x19d: {  	s9 =	rddreg [dreg:$0x13];
	[sflag:s21] =	ssyncadd.s32 $0xFFFFD800  }
0x19e: {  	[spmem:s2] =	stream.indirect.scatter.add.f32 [tilespmem:s17], [sflag:$0x5], $0x80, s9, s13, $0xb8;
	[tilespmem:$0x1F000] =	vst v63  }
0x19f: {  	_ =	swait.ge [sflag:s10], $0x2800  }
0x1a0: {  	[sflag:s10] =	ssyncset.done $0x0  }
0x1a1: {  	s7 =	rddreg [dreg:$0x14];
	[sflag:s10] =	ssyncadd.s32 $0xFFFFD800  }
0x1a2: {  	[tilespmem:s14], [sflag:$0x1] =	stream.indirect.gather [hbm4b:s5+s13], $0x80, s7, s13, $0xb8;
	[tilespmem:$0x1F000] =	vst v63  }
0x1a3: {  	s8 =	rddreg [dreg:$0x15]  }
0x1a4: {  	[tilespmem:s15], [sflag:$0x2] =	stream.indirect.gather [hbm4b:s5+s13], $0x80, s8, s13, $0xb8;
	[tilespmem:$0x1F000] =	vst v63  }
0x1a5: {  	s9 =	rddreg [dreg:$0x16]  }
0x1a6: {  	[tilespmem:s16], [sflag:$0x3] =	stream.indirect.gather [hbm4b:s5+s13], $0x80, s9, s13, $0xb8;
	[tilespmem:$0x1F000] =	vst v63  }
0x1a7: {  	s8 =	rddreg [dreg:$0x17]  }
0x1a8: {  	[tilespmem:s17], [sflag:$0x4] =	stream.indirect.gather [hbm4b:s5+s13], $0x80, s8, s13, $0xb8;
	[tilespmem:$0x1F000] =	vst v63  }
0x1a9: {  	_ =	swait.ge [sflag:s18], $0x2800  }
0x1aa: {  	[sflag:s18] =	ssyncset.done $0x0  }
0x1ab: {  	[sflag:s18] =	ssyncadd.s32 $0xFFFFD800  }
0x1ac: {  	[spmem:s2] =	stream.indirect.scatter.add.f32 [tilespmem:s14], [sflag:$0x5], $0x80, s22, s13, $0xb8;
	[tilespmem:$0x1F000] =	vst v63  }
0x1ad: {  	_ =	swait.ge [sflag:s10], $0x2800  }
0x1ae: {  	[sflag:s10] =	ssyncset.done $0x0  }
0x1af: {  	[sflag:s10] =	ssyncadd.s32 $0xFFFFD800  }
0x1b0: {  	_ =	swait.ge [sflag:s19], $0x2800  }
0x1b1: {  	[sflag:s19] =	ssyncset.done $0x0  }
0x1b2: {  	[sflag:s19] =	ssyncadd.s32 $0xFFFFD800  }
0x1b3: {  	[spmem:s2] =	stream.indirect.scatter.add.f32 [tilespmem:s15], [sflag:$0x5], $0x80, s23, s13, $0xb8;
	[tilespmem:$0x1F000] =	vst v63  }
0x1b4: {  	_ =	swait.ge [sflag:s10], $0x2800  }
0x1b5: {  	[sflag:s10] =	ssyncset.done $0x0  }
0x1b6: {  	[sflag:s10] =	ssyncadd.s32 $0xFFFFD800  }
0x1b7: {  	_ =	swait.ge [sflag:s20], $0x2800  }
0x1b8: {  	[sflag:s20] =	ssyncset.done $0x0  }
0x1b9: {  	[sflag:s20] =	ssyncadd.s32 $0xFFFFD800  }
0x1ba: {  	[spmem:s2] =	stream.indirect.scatter.add.f32 [tilespmem:s16], [sflag:$0x5], $0x80, s24, s13, $0xb8;
	[tilespmem:$0x1F000] =	vst v63  }
0x1bb: {  	_ =	swait.ge [sflag:s10], $0x2800  }
0x1bc: {  	[sflag:s10] =	ssyncset.done $0x0  }
0x1bd: {  	[sflag:s10] =	ssyncadd.s32 $0xFFFFD800  }
0x1be: {  	_ =	swait.ge [sflag:s21], $0x2800  }
0x1bf: {  	[sflag:s21] =	ssyncset.done $0x0  }
0x1c0: {  	[sflag:s21] =	ssyncadd.s32 $0xFFFFD800  }
0x1c1: {  	[spmem:s2] =	stream.indirect.scatter.add.f32 [tilespmem:s17], [sflag:$0x5], $0x80, s25, s13, $0xb8;
	[tilespmem:$0x1F000] =	vst v63  }
0x1c2: {  	_ =	swait.ge [sflag:s10], $0x2800  }
0x1c3: {  	[sflag:s10] =	ssyncset.done $0x0  }
0x1c4: {  	[sflag:s10] =	ssyncadd.s32 $0xFFFFD800  }
0x1c5: {  	[tilespmem:s14], [sflag:$0x1] =	stream.indirect.gather [hbm4b:s5+s13], $0x80, s26, s13, $0xb8;
	[tilespmem:$0x1F000] =	vst v63  }
0x1c6: {  	_ = 	snop  }
0x1c7: {  	[tilespmem:s15], [sflag:$0x2] =	stream.indirect.gather [hbm4b:s5+s13], $0x80, s28, s13, $0xb8;
	[tilespmem:$0x1F000] =	vst v63  }
0x1c8: {  	_ = 	snop  }
0x1c9: {  	[tilespmem:s16], [sflag:$0x3] =	stream.indirect.gather [hbm4b:s5+s13], $0x80, s29, s13, $0xb8;
	[tilespmem:$0x1F000] =	vst v63  }
0x1ca: {  	_ = 	snop  }
0x1cb: {  	[tilespmem:s17], [sflag:$0x4] =	stream.indirect.gather [hbm4b:s5+s13], $0x80, s30, s13, $0xb8;
	[tilespmem:$0x1F000] =	vst v63  }
0x1cc: {  	_ =	swait.ge [sflag:s18], $0x2800  }
0x1cd: {  	[sflag:s18] =	ssyncset.done $0x0  }
0x1ce: {  	[sflag:s18] =	ssyncadd.s32 $0xFFFFD800  }
0x1cf: {  	[spmem:s2] =	stream.indirect.scatter.add.f32 [tilespmem:s14], [sflag:$0x5], $0x80, s31, s13, $0xb8;
	[tilespmem:$0x1F000] =	vst v63  }
0x1d0: {  	_ =	swait.ge [sflag:s10], $0x2800  }
0x1d1: {  	[sflag:s10] =	ssyncset.done $0x0  }
0x1d2: {  	[sflag:s10] =	ssyncadd.s32 $0xFFFFD800  }
0x1d3: {  	_ =	swait.ge [sflag:s19], $0x2800  }
0x1d4: {  	[sflag:s19] =	ssyncset.done $0x0  }
0x1d5: {  	[sflag:s19] =	ssyncadd.s32 $0xFFFFD800  }
0x1d6: {  	[spmem:s2] =	stream.indirect.scatter.add.f32 [tilespmem:s15], [sflag:$0x5], $0x80, s0, s13, $0xb8;
	[tilespmem:$0x1F000] =	vst v63  }
0x1d7: {  	_ =	swait.ge [sflag:s10], $0x2800  }
0x1d8: {  	[sflag:s10] =	ssyncset.done $0x0  }
0x1d9: {  	[sflag:s10] =	ssyncadd.s32 $0xFFFFD800  }
0x1da: {  	_ =	swait.ge [sflag:s20], $0x2800  }
0x1db: {  	[sflag:s20] =	ssyncset.done $0x0  }
0x1dc: {  	[sflag:s20] =	ssyncadd.s32 $0xFFFFD800  }
0x1dd: {  	[spmem:s2] =	stream.indirect.scatter.add.f32 [tilespmem:s16], [sflag:$0x5], $0x80, s3, s13, $0xb8;
	[tilespmem:$0x1F000] =	vst v63  }
0x1de: {  	_ =	swait.ge [sflag:s10], $0x2800  }
0x1df: {  	[sflag:s10] =	ssyncset.done $0x0  }
0x1e0: {  	[sflag:s10] =	ssyncadd.s32 $0xFFFFD800  }
0x1e1: {  	_ =	swait.ge [sflag:s21], $0x2800  }
0x1e2: {  	[sflag:s21] =	ssyncset.done $0x0  }
0x1e3: {  	[sflag:s21] =	ssyncadd.s32 $0xFFFFD800  }
0x1e4: {  	[spmem:s2] =	stream.indirect.scatter.add.f32 [tilespmem:s17], [sflag:$0x5], $0x80, s1, s13, $0xb8;
	[tilespmem:$0x1F000] =	vst v63  }
0x1e5: {  	_ =	swait.ge [sflag:s10], $0x2800  }
0x1e6: {  	[sflag:s10] =	ssyncset.done $0x0  }
0x1e7: {  	[sflag:s10] =	ssyncadd.s32 $0xFFFFD800  }
0x1e8: {  	[bflag:$0x0] =	sbarrier.arrive $0xFFFF  }
0x1e9: {  	s7 =	rddreg [dreg:$0x18]  }
0x1ea: {  	s9 =	rddreg [dreg:$0x19]  }
0x1eb: {  	s8 =	rddreg [dreg:$0x1b]  }
0x1ec: {  	[hbm:s9], [sflag:s7] =	dma.local [spmem:s8], $0x2800  }
0x1ed: {  	_ =	swait.ge [sflag:s10], $0x2800  }
0x1ee: {  	s6 =	rddreg [dreg:$0x1c]  }
0x1ef: {  	s9 =	sadd.s32 $0x1, s6;
	s6 =	rddreg [dreg:$0x1a]  }
0x1f0: {  	p0 =	sne.s32 s9, s6  }
.Ltmp1:
0x1f1: {  	_ = 	snop;
	(pc) =	sbr.rel @p0 .LBB2_1-.Ltmp1, $3  }
0x1f2: {  	_ =	sdelay $0x1  }
0x1f3: {  	[sflag:s10] =	ssyncset.done $0x0  }
0x1f4: {  	[sflag:s10] =	ssyncadd.s32 $0xFFFFD800  }
0x1f5: {  	_ =	sfence.sel $0x180000  }
0x1f6: {  	[bflag:$0x0] =	sbarrier.arrive $0xFFFF  }
0x1f7: {  	_ =	strace $0x9000004D  }
0x1f8: {  	s0 =	stileid.u32;
	[bflag:$0x2] =	sbarrier.arrive $0xFFFF  }
0x1f9: {  	p0 =	sne.s32 s0, $0x0;
	s0 =	rddreg [dreg:$0x3]  }
0x1fa: {  	s0 =	sadd.s32 @!p0 $0x100000, s0  }
0x1fb: {  	[sflag:s0] =	ssyncadd.tile.s32 @!p0 $0x1;
	_ =	shalt  }
.Lfunc_end2:
_tile_overlayer_lowered:
.L_overlay_start_2:
0x1fc: {  	(tag) =	ssettag $0x2  }
0x1fd: {  	s0 =	rddreg [dreg:$0x0];
	s2 =	stileid.u32  }
0x1fe: {  	s1 =	rddreg [dreg:$0x1];
	p0 =	sne.s32 s2, $0x0  }
0x1ff: {  	s3 =	rddreg [dreg:$0x2];
	[bflag:$0x3] =	sbarrier.arrive $0xFFFF;
	s2 =	simm.s32 @!p0 $0x1C05  }
0x200: {  	[timem:s3], [sflag:s2] =	dma.local @!p0 [hbm:s0], s1  }
0x201: {  	s0 =	simm.s32 @!p0 $0x5  }
0x202: {  	_ =	swait.ge @!p0 [sflag:s0], s1  }
0x203: {  	s1 =	ssub.s32 @!p0 $0x0, s1;
	[sflag:s0] =	ssyncset.done @!p0 $0x0  }
0x204: {  	[sflag:s0] =	ssyncadd.s32 @!p0 s1  }
0x205: {  	[bflag:$0x3] =	sbarrier.arrive $0xFFFF  }
0x206: {  	_ =	shalt  }

// kernel: kernel.20.cloned.1.call-start
scs
__scs_entry_jumppad:
0x0: {  	(pc) =	sbr.rel $0x88, $3  }
0x1: {  	(tag) =	ssettag $0x0;
	lr =	simm.s32 $0x1  }
0x2: {  	[smem:$0x3F91] =	sst lr;
	_ =	strace $0xD0000000  }
0x3: {  	_ = 	snop  }
0x4: {  	_ = 	snop  }
0x5: {  	_ = 	snop  }
0x6: {  	_ = 	snop  }
0x7: {  	_ = 	snop  }
__scs_overlays_trampoline_lowered:
0x8: {  	[smem:$0x3FA0] =	sst s0  }
0x9: {  	[smem:$0x3FA1] =	sst s1  }
0xa: {  	[smem:$0x3FA2] =	sst s2  }
0xb: {  	[smem:$0x3FA3] =	sst s3  }
0xc: {  	[smem:$0x3FA4] =	sst s4  }
0xd: {  	[smem:$0x3FA5] =	sst s5  }
0xe: {  	[smem:$0x3FA6] =	sst s6  }
0xf: {  	[smem:$0x3FA7] =	sst s7  }
0x10: {  	[smem:$0x3FA8] =	sst s8  }
0x11: {  	[smem:$0x3FA9] =	sst s9;
	s0 =	simm.s32 @!p0 $0x0  }
0x12: {  	s1 =	sld [smem:$0x3F8F];
	s0 =	simm.s32 @p0 $0x1  }
0x13: {  	[smem:$0x3FAA] =	sst s0;
	s0 =	simm.s32 @!p1 $0x0  }
0x14: {  	s2 =	sld [smem:$0x3F8E];
	s0 =	simm.s32 @p1 $0x1  }
0x15: {  	[smem:$0x3FAB] =	sst s0;
	s0 =	simm.s32 @!p2 $0x0  }
0x16: {  	s3 =	sld [smem:$0x3FDB];
	s0 =	simm.s32 @p2 $0x1  }
0x17: {  	s4 =	simm.s32 $0x1BF5;
	[smem:$0x3FAD] =	sst s0  }
0x18: {  	s0 =	sld [smem:$0x3F90];
	_ =	swait.ge [sflag:s4], $0x0  }
0x19: {  	s7 =	sld [smem:$0x3F91]  }
0x1a: {  	s8 =	sadd.s32 $0xFFFFE003, lr  }
0x1b: {  	s9 =	sadd.s32 $0xFFFFFEF7, lr;
	s5 =	simm.s32 $0xFFFFFFFF;
	p2 =	slt.u32 s8, $0xFFFFF086  }
0x1c: {  	p1 =	slt.u32 s9, $0xF7A;
	s5 =	simm.s32 @!p2 $0x0  }
0x1d: {  	s5 =	simm.s32 @p1 $0x1;
	p0 =	seq.s32 s7, s2  }
0x1e: {  	s7 =	smul.u32 @!p0 $0xF7A, s2;
	p2 =	seq.s32 @!p0 s5, $0x0  }
0x1f: {  	s9 =	smul.u32 $0xF7A, s1;
	s8 =	simm.s32 @!p0 $0x1BF5;
	p2 =	por !p2, p0  }
0x20: {  	[sflag:s8] =	ssyncset.s32 @!p0 $0xFFFFF086;
	s6 =	sadd.s32 @!p0 s3, s7;
	s7 =	simm.s32 @!p0 $0x108  }
0x21: {  	s3 =	sadd.s32 s3, s9;
	s6 =	sadd.s32 @!p0 $0x88, s6;
	s7 =	simm.s32 @p2 $0x1082  }
0x22: {  	[simem:s7], [sflag:s8] =	dma.local @!p0 [hbm:s6], $0xF7A  }
0x23: {  	s9 =	sor.u32 $0xD0000000, s2;
	s6 =	simm.s32 $0x108;
	_ =	swait.ge @!p0 [sflag:s8], $0x0  }
0x24: {  	s3 =	sadd.s32 $0x88, s3;
	s6 =	simm.s32 @!p1 $0x1082;
	[sflag:s4] =	ssyncset.s32 $0xFFFFF086  }
0x25: {  	[simem:s6], [sflag:s4] =	dma.local [hbm:s3], $0xF7A  }
0x26: {  	[smem:$0x3F91] =	sst s1;
	(tag) =	ssettag s2;
	_ =	strace s9  }
0x27: {  	s1 =	sld [smem:$0x3FA1]  }
0x28: {  	s2 =	sld [smem:$0x3FA2]  }
0x29: {  	s4 =	sld [smem:$0x3FA4]  }
0x2a: {  	p0 =	seq.s32 s5, $0x0;
	s5 =	sld [smem:$0x3FA5]  }
0x2b: {  	s6 =	sld [smem:$0x3FA6]  }
0x2c: {  	s7 =	sld [smem:$0x3FA7]  }
0x2d: {  	s3 =	simm.s32 $0x108;
	s8 =	sld [smem:$0x3FA8]  }
0x2e: {  	s3 =	simm.s32 @!p0 $0x1082;
	s9 =	sld [smem:$0x3FA9]  }
0x2f: {  	lr =	sadd.s32 s0, s3;
	s0 =	sld [smem:$0x3FA0]  }
0x30: {  	s3 =	sld [smem:$0x3FA3]  }
0x31: {  	[smem:$0x3FAC] =	sst s10  }
0x32: {  	s10 =	sld [smem:$0x3FAA];
	_ =	sdelay $0x3  }
0x33: {  	p0 =	seq.s32 s10, $0x1;
	s10 =	sld [smem:$0x3FAC];
	_ =	sdelay $0x3  }
0x34: {  	[smem:$0x3FAC] =	sst s10  }
0x35: {  	s10 =	sld [smem:$0x3FAB];
	_ =	sdelay $0x3  }
0x36: {  	p1 =	seq.s32 s10, $0x1;
	s10 =	sld [smem:$0x3FAC];
	_ =	sdelay $0x3  }
0x37: {  	[smem:$0x3FAC] =	sst s10  }
0x38: {  	s10 =	sld [smem:$0x3FAD]  }
0x39: {  	_ = 	snop;
	(pc) =	sbr.ind lr, $3  }
0x3a: {  	_ = 	snop  }
0x3b: {  	_ = 	snop  }
0x3c: {  	p2 =	seq.s32 s10, $0x1;
	s10 =	sld [smem:$0x3FAC]  }
0x3d: {  	_ =	shalt  }
0x3e: {  	_ =	shalt  }
0x3f: {  	_ =	shalt  }
0x40: {  	_ =	shalt  }
0x41: {  	_ =	shalt  }
0x42: {  	_ =	shalt  }
0x43: {  	_ =	shalt  }
0x44: {  	_ =	shalt  }
0x45: {  	_ =	shalt  }
0x46: {  	_ =	shalt  }
0x47: {  	_ =	shalt  }
0x48: {  	_ =	shalt  }
0x49: {  	_ =	shalt  }
0x4a: {  	_ =	shalt  }
0x4b: {  	_ =	shalt  }
0x4c: {  	_ =	shalt  }
0x4d: {  	_ =	shalt  }
0x4e: {  	_ =	shalt  }
0x4f: {  	_ =	shalt  }
0x50: {  	_ =	shalt  }
0x51: {  	_ =	shalt  }
0x52: {  	_ =	shalt  }
0x53: {  	_ =	shalt  }
0x54: {  	_ =	shalt  }
0x55: {  	_ =	shalt  }
0x56: {  	_ =	shalt  }
0x57: {  	_ =	shalt  }
0x58: {  	_ =	shalt  }
0x59: {  	_ =	shalt  }
0x5a: {  	_ =	shalt  }
0x5b: {  	_ =	shalt  }
0x5c: {  	_ =	shalt  }
0x5d: {  	_ =	shalt  }
0x5e: {  	_ =	shalt  }
0x5f: {  	_ =	shalt  }
0x60: {  	_ =	shalt  }
0x61: {  	_ =	shalt  }
0x62: {  	_ =	shalt  }
0x63: {  	_ =	shalt  }
0x64: {  	_ =	shalt  }
0x65: {  	_ =	shalt  }
0x66: {  	_ =	shalt  }
0x67: {  	_ =	shalt  }
0x68: {  	_ =	shalt  }
0x69: {  	_ =	shalt  }
0x6a: {  	_ =	shalt  }
0x6b: {  	_ =	shalt  }
0x6c: {  	_ =	shalt  }
0x6d: {  	_ =	shalt  }
0x6e: {  	_ =	shalt  }
0x6f: {  	_ =	shalt  }
0x70: {  	_ =	shalt  }
0x71: {  	_ =	shalt  }
0x72: {  	_ =	shalt  }
0x73: {  	_ =	shalt  }
0x74: {  	_ =	shalt  }
0x75: {  	_ =	shalt  }
0x76: {  	_ =	shalt  }
0x77: {  	_ =	shalt  }
0x78: {  	_ =	shalt  }
0x79: {  	_ =	shalt  }
0x7a: {  	_ =	shalt  }
0x7b: {  	_ =	shalt  }
0x7c: {  	_ =	shalt  }
0x7d: {  	_ =	shalt  }
0x7e: {  	_ =	shalt  }
0x7f: {  	_ =	shalt  }
0x80: {  	_ =	shalt  }
0x81: {  	_ =	shalt  }
0x82: {  	_ =	shalt  }
0x83: {  	_ =	shalt  }
0x84: {  	_ =	shalt  }
0x85: {  	_ =	shalt  }
0x86: {  	_ =	shalt  }
0x87: {  	_ =	shalt  }
.Lfunc_end0:
.L_simem_size_0:
called_computation.3_lowered:
.L_overlay_start_0:
0x88: {  	s2 =	sld [smem:$0x3FD9]  }
0x89: {  	s3 =	sld [smem:$0x3FFE];
	_ =	sdelay $0x1  }
0x8a: {  	s1 =	srdreg.scid  }
0x8b: {  	s0 =	sand.u32 $0x1, s1  }
0x8c: {  	s17 =	sshll.u32 s0, $0xA;
	s2 =	sadd.s32 s3, s2  }
0x8d: {  	s2 =	sadd.s32 s2, s17  }
0x8e: {  	[smem:$0x3FB8] =	sst s2  }
0x8f: {  	_ = 	snop  }
0x90: {  	s2 =	sld [smem:$0x3FD0];
	(tm) =	ssettm $0x1  }
0x91: {  	s18 =	sld [smem:$0x3FFB];
	_ =	sdelay $0x3  }
0x92: {  	_ =	strace s18  }
0x93: {  	s3 =	sld [smem:$0x3FFC];
	_ =	sdelay $0x3  }
0x94: {  	_ =	strace s3  }
0x95: {  	s3 =	sld [smem:$0x3FFD];
	_ =	sdelay $0x3  }
0x96: {  	_ =	strace s3  }
0x97: {  	_ =	strace $0x8FFFFFFF  }
0x98: {  	s19 =	sld [smem:$0x3FDB];
	_ =	sdelay $0x1  }
0x99: {  	s4 =	simm.s32 $_scs_section_size  }
0x9a: {  	s5 =	simm.s32 $_size__tile_overlayer_lowered;
	s6 =	simm.s32 $_tile_overlayer_lowered  }
0x9b: {  	s22 =	simm.s32 $0x1BFF;
	s21 =	sshll.u32 s6, $0x1;
	s3 =	sadd.s32 s4, s19  }
0x9c: {  	s7 =	simm.s32 $0x0;
	s20 =	sshll.u32 s5, $0x1;
	s5 =	sadd.s32 s21, s3  }
0x9d: {  	[timem:s7], [sflag:s22] =	dma.local [hbm:s5], s20  }
0x9e: {  	_ =	swait.ge [sflag:s22], s20  }
0x9f: {  	s4 =	ssub.s32 $0x0, s20;
	[sflag:s22] =	ssyncset.done $0x0  }
0xa0: {  	[sflag:s22] =	ssyncadd.s32 s4;
	_ =	sdelay $0x1  }
0xa1: {  	s23 =	simm.s32 $0x1B8B  }
0xa2: {  	_ =	swait.ge [sflag:s23], $0x1  }
0xa3: {  	[sflag:s23] =	ssyncset.done $0x0  }
0xa4: {  	s25 =	simm.s32 $0x1B8E;
	s24 =	sld [smem:$0x3FFE];
	[sflag:s23] =	ssyncadd.s32 $0xFFFFFFFF  }
0xa5: {  	s26 =	simm.s32 $execute0_lowered;
	[smem:$0x3FD2] =	sst s25  }
0xa6: {  	s5 =	sshll.u32 s26, $0x1;
	_ =	strace $0x8000004F;
	[dreg:$0x1] =	wrdreg $0xFFFFFFFF  }
0xa7: {  	s28 =	simm.s32 $_size_execute0_lowered;
	s3 =	sadd.s32 s3, s5;
	[dreg:$0x0] =	wrdreg $0x0  }
0xa8: {  	s5 =	sshll.u32 s28, $0x1;
	[dreg:$0x2] =	wrdreg s3  }
0xa9: {  	[dreg:$0x3] =	wrdreg s5  }
0xaa: {  	[dreg:$0x4] =	wrdreg $0xC0  }
0xab: {  	_ =	task [dreg:s7], $0x5FFFF  }
0xac: {  	[dreg:$0x1] =	wrdreg $0xFFFFFFFF  }
0xad: {  	[dreg:$0x0] =	wrdreg $0x60  }
0xae: {  	[dreg:$0x2] =	wrdreg s24  }
0xaf: {  	[dreg:$0x3] =	wrdreg s2  }
0xb0: {  	[dreg:$0x4] =	wrdreg $0x0  }
0xb1: {  	[dreg:$0x5] =	wrdreg $0x9  }
0xb2: {  	_ =	task.clear_ibuf [dreg:s7], $0x6FFFF;
	_ =	strace $0x9000004F  }
0xb3: {  	s29 =	simm.s32 $0x9;
	_ =	strace $0x80000051  }
0xb4: {  	_ =	swait.ge [sflag:s29], $0x1  }
0xb5: {  	[sflag:s29] =	ssyncadd.s32 $0xFFFFFFFF  }
0xb6: {  	_ =	strace $0x90000051  }
0xb7: {  	_ =	sfence  }
0xb8: {  	s30 =	sld [smem:$0x0];
	_ =	sdelay $0x2  }
0xb9: {  	s31 =	sshll.u32 s1, $0xD;
	s1 =	sshrl.u32 s1, $0x2  }
0xba: {  	s3 =	sand.u32 $0x4000, s31;
	s1 =	sadd.s32 s1, s30  }
0xbb: {  	s0 =	sor.u32 s3, s0;
	s1 =	sshll.u32 s1, $0x11  }
0xbc: {  	s0 =	sor.u32 s1, s0  }
0xbd: {  	s0 =	sadd.s32 $0x8F2B, s0  }
0xbe: {  	[sflag:s0] =	ssyncadd.remote.s32 $0x1  }
0xbf: {  	_ =	sfence.sel $0xFFFF  }
0xc0: {  	[dreg:$0x0] =	wrdreg $0xFFFFFFFF;
	(pc) =	sbr.abs _section_cstart, $3  }
0xc1: {  	[dreg:$0x1] =	wrdreg $0xFFFFFFFF  }
0xc2: {  	_ =	task.clear_ibuf [dreg:s7], $0x2FFFF;
	_ =	strace $0x9FFFFFFF  }
0xc3: {  	(tm) =	ssettm $0x7FFFFFFF  }
tec
execute0_lowered:
.L_overlay_start_1:
0x0: {  	(tag) =	ssettag $0x1  }
0x1: {  	s0 =	rddreg [dreg:$0x0]  }
0x2: {  	s1 =	rddreg [dreg:$0x1]  }
0x3: {  	s2 =	rddreg [dreg:$0x2]  }
0x4: {  	s13 =	srdreg.scid;
	s15 =	rddreg [dreg:$0x3];
	s17 =	simm.s32 $0x0  }
0x5: {  	s8 =	stileid.u32;
	s30 =	simm.s32 $0x14000;
	s26 =	simm.s32 $0x14400  }
0x6: {  	s24 =	simm.s32 $0x14080;
	s25 =	simm.s32 $0x14100;
	s11 =	simm.s32 $0x17000  }
0x7: {  	s9 =	simm.s32 $0x19800;
	s31 =	simm.s32 $0x14480;
	s12 =	simm.s32 $0x3  }
0x8: {  	s29 =	simm.s32 $0x14500;
	s10 =	simm.s32 $0x4;
	p0 =	por $0x0, $0x0  }
0x9: {  	s28 =	simm.s32 $0x14380;
	[dreg:$0x4] =	wrdreg s1;
	s1 =	sand.u32 $0x1, s13  }
0xa: {  	[smem:$0x7FF] =	sst s17;
	s4 =	smul.u32 $0x14000, s8;
	s7 =	sshll.u32 s8, $0x7  }
0xb: {  	s6 =	sadd.s32 $0x14600, s0;
	s14 =	smul.u32 $0x50000, s8;
	s22 =	sshll.u32 s8, $0x6  }
0xc: {  	s13 =	simm.s32 $0x14800;
	s8 =	simm.s32 $0x1C000;
	s3 =	smul.u32 $0x140000, s1  }
0xd: {  	_ =	strace $0x80000050;
	s5 =	sshll.u32 s1, $0xB;
	[dreg:$0x8] =	wrdreg s24  }
0xe: {  	s1 =	ssub.s32 $0x2, s1;
	[dreg:$0x9] =	wrdreg s25;
	s24 =	simm.s32 $0x14580  }
0xf: {  	s25 =	simm.s32 $0x14300;
	s5 =	sor.u32 s7, s5;
	s16 =	sshrl.u32 s1, $0x1  }
0x10: {  	s18 =	sshrl.u32 s14, $0x2;
	s7 =	simm.s32 $0x50;
	s14 =	simm.s32 $0x2  }
0x11: {  	s3 =	sadd.s32 s4, s3;
	s5 =	sadd.s32 s5, s0;
	s1 =	ssub.s32 s1, s16  }
0x12: {  	s20 =	sadd.s32 s18, s2;
	s4 =	simm.s32 $0x5;
	s16 =	simm.s32 $0x1  }
0x13: {  	s18 =	simm.s32 $0x14780;
	s3 =	sshrl.u32 s3, $0x3;
	s23 =	smax.u32 s1, $0x1  }
0x14: {  	s19 =	sadd.s32 $0x13CC00, s5;
	s21 =	sadd.s32 $0x13600, s5;
	p1 =	sne.s32 s23, $0x1  }
.Ltmp0:
0x15: {  	s5 =	sshrl.u32 s20, $0x3;
	s1 =	rddreg [dreg:$0x4];
	(pc) =	sbr.rel @!p1 .LBB2_1-.Ltmp0, $4  }
0x16: {  	s20 =	simm.s32 $0x14680;
	s0 =	sadd.s32 s3, s0;
	[dreg:$0x5] =	wrdreg s19  }
0x17: {  	[dreg:$0x6] =	wrdreg s21;
	s3 =	sor.u32 $0x1C05, s22;
	s21 =	simm.s32 $0x14200  }
0x18: {  	s22 =	simm.s32 $0x14280;
	s19 =	simm.s32 $0x14700;
	s0 =	sadd.s32 $0xB4C00, s0  }
0x19: {  	[dreg:$0x7] =	wrdreg s0;
	s0 =	sadd.s32 $0xFFFFFFFF, s23;
	s23 =	simm.s32 $0x14600  }
0x1a: {  	[spmem:s5], [sflag:s3] =	dma.local [hbm:s1], $0x2800  }
0x1b: {  	_ =	swait.ge [sflag:s4], $0x2800  }
0x1c: {  	[sflag:s4] =	ssyncset.done $0x0  }
0x1d: {  	[sflag:s4] =	ssyncadd.s32 $0xFFFFD800  }
0x1e: {  	[bflag:$0x0] =	sbarrier.arrive $0xFFFF  }
0x1f: {  	s15 =	rddreg [dreg:$0x5]  }
0x20: {  	[tilespmem:s30], [sflag:$0x5] =	stream.linear.gather [hbm4b:s15+s17], $0x400, $0x38;
	[tilespmem:$0x1E800] =	vst v63  }
0x21: {  	_ =	swait.ge [sflag:s4], $0x400  }
0x22: {  	[sflag:s4] =	ssyncset.done $0x0  }
0x23: {  	s15 =	rddreg [dreg:$0x6];
	[sflag:s4] =	ssyncadd.s32 $0xFFFFFC00  }
0x24: {  	[tilespmem:s26], [sflag:$0x5] =	stream.linear.gather [hbm4b:s15+s17], $0x400, $0x38;
	[tilespmem:$0x1E800] =	vst v63  }
0x25: {  	_ =	swait.ge [sflag:s4], $0x400  }
0x26: {  	[sflag:s4] =	ssyncset.done $0x0  }
0x27: {  	[sflag:s4] =	ssyncadd.s32 $0xFFFFFC00  }
0x28: {  	[tilespmem:s13], [sflag:$0x1] =	stream.indirect.gather [hbm4b:s6+s7], $0x80, s30, s7, $0xb8;
	[tilespmem:$0x1E800] =	vst v63  }
0x29: {  	s1 =	rddreg [dreg:$0x8]  }
0x2a: {  	[tilespmem:s11], [sflag:$0x2] =	stream.indirect.gather [hbm4b:s6+s7], $0x80, s1, s7, $0xb8;
	[tilespmem:$0x1E800] =	vst v63  }
0x2b: {  	s15 =	smov.u32 s0;
	s0 =	rddreg [dreg:$0x9]  }
0x2c: {  	[tilespmem:s9], [sflag:$0x3] =	stream.indirect.gather [hbm4b:s6+s7], $0x80, s0, s7, $0xb8;
	[tilespmem:$0x1E800] =	vst v63  }
0x2d: {  	s1 =	simm.s32 $0x14180  }
0x2e: {  	[tilespmem:s8], [sflag:$0x4] =	stream.indirect.gather [hbm4b:s6+s7], $0x80, s1, s7, $0xb8;
	[tilespmem:$0x1E800] =	vst v63  }
0x2f: {  	_ =	swait.ge [sflag:s16], $0x2800  }
0x30: {  	[sflag:s16] =	ssyncset.done $0x0  }
0x31: {  	[sflag:s16] =	ssyncadd.s32 $0xFFFFD800  }
0x32: {  	[spmem:s2] =	stream.indirect.scatter.add.f32 [tilespmem:s13], [sflag:$0x5], $0x80, s26, s7, $0xb8;
	[tilespmem:$0x1E800] =	vst v63  }
0x33: {  	_ =	swait.ge [sflag:s4], $0x2800  }
0x34: {  	[sflag:s4] =	ssyncset.done $0x0  }
0x35: {  	[sflag:s4] =	ssyncadd.s32 $0xFFFFD800  }
0x36: {  	_ =	swait.ge [sflag:s14], $0x2800  }
0x37: {  	[sflag:s14] =	ssyncset.done $0x0  }
0x38: {  	[sflag:s14] =	ssyncadd.s32 $0xFFFFD800  }
0x39: {  	[spmem:s2] =	stream.indirect.scatter.add.f32 [tilespmem:s11], [sflag:$0x5], $0x80, s31, s7, $0xb8;
	[tilespmem:$0x1E800] =	vst v63  }
0x3a: {  	_ =	swait.ge [sflag:s4], $0x2800  }
0x3b: {  	[sflag:s4] =	ssyncset.done $0x0  }
0x3c: {  	[sflag:s4] =	ssyncadd.s32 $0xFFFFD800  }
0x3d: {  	_ =	swait.ge [sflag:s12], $0x2800  }
0x3e: {  	[sflag:s12] =	ssyncset.done $0x0  }
0x3f: {  	[sflag:s12] =	ssyncadd.s32 $0xFFFFD800  }
0x40: {  	[spmem:s2] =	stream.indirect.scatter.add.f32 [tilespmem:s9], [sflag:$0x5], $0x80, s29, s7, $0xb8;
	[tilespmem:$0x1E800] =	vst v63  }
0x41: {  	_ =	swait.ge [sflag:s4], $0x2800  }
0x42: {  	[sflag:s4] =	ssyncset.done $0x0  }
0x43: {  	[sflag:s4] =	ssyncadd.s32 $0xFFFFD800  }
0x44: {  	_ =	swait.ge [sflag:s10], $0x2800  }
0x45: {  	[sflag:s10] =	ssyncset.done $0x0  }
0x46: {  	[sflag:s10] =	ssyncadd.s32 $0xFFFFD800  }
0x47: {  	[spmem:s2] =	stream.indirect.scatter.add.f32 [tilespmem:s8], [sflag:$0x5], $0x80, s24, s7, $0xb8;
	[tilespmem:$0x1E800] =	vst v63  }
0x48: {  	_ =	swait.ge [sflag:s4], $0x2800  }
0x49: {  	[sflag:s4] =	ssyncset.done $0x0  }
0x4a: {  	[sflag:s4] =	ssyncadd.s32 $0xFFFFD800  }
0x4b: {  	[tilespmem:s13], [sflag:$0x1] =	stream.indirect.gather [hbm4b:s6+s7], $0x80, s21, s7, $0xb8;
	[tilespmem:$0x1E800] =	vst v63  }
0x4c: {  	_ = 	snop  }
0x4d: {  	[tilespmem:s11], [sflag:$0x2] =	stream.indirect.gather [hbm4b:s6+s7], $0x80, s22, s7, $0xb8;
	[tilespmem:$0x1E800] =	vst v63  }
0x4e: {  	_ = 	snop  }
0x4f: {  	[tilespmem:s9], [sflag:$0x3] =	stream.indirect.gather [hbm4b:s6+s7], $0x80, s25, s7, $0xb8;
	[tilespmem:$0x1E800] =	vst v63  }
0x50: {  	_ = 	snop  }
0x51: {  	[tilespmem:s8], [sflag:$0x4] =	stream.indirect.gather [hbm4b:s6+s7], $0x80, s28, s7, $0xb8;
	[tilespmem:$0x1E800] =	vst v63  }
0x52: {  	_ =	swait.ge [sflag:s16], $0x2800  }
0x53: {  	[sflag:s16] =	ssyncset.done $0x0  }
0x54: {  	[sflag:s16] =	ssyncadd.s32 $0xFFFFD800  }
0x55: {  	[spmem:s2] =	stream.indirect.scatter.add.f32 [tilespmem:s13], [sflag:$0x5], $0x80, s23, s7, $0xb8;
	[tilespmem:$0x1E800] =	vst v63  }
0x56: {  	_ =	swait.ge [sflag:s4], $0x2800  }
0x57: {  	[sflag:s4] =	ssyncset.done $0x0  }
0x58: {  	[sflag:s4] =	ssyncadd.s32 $0xFFFFD800  }
0x59: {  	_ =	swait.ge [sflag:s14], $0x2800  }
0x5a: {  	[sflag:s14] =	ssyncset.done $0x0  }
0x5b: {  	[sflag:s14] =	ssyncadd.s32 $0xFFFFD800  }
0x5c: {  	[spmem:s2] =	stream.indirect.scatter.add.f32 [tilespmem:s11], [sflag:$0x5], $0x80, s20, s7, $0xb8;
	[tilespmem:$0x1E800] =	vst v63  }
0x5d: {  	_ =	swait.ge [sflag:s4], $0x2800  }
0x5e: {  	[sflag:s4] =	ssyncset.done $0x0  }
0x5f: {  	[sflag:s4] =	ssyncadd.s32 $0xFFFFD800  }
0x60: {  	_ =	swait.ge [sflag:s12], $0x2800  }
0x61: {  	[sflag:s12] =	ssyncset.done $0x0  }
0x62: {  	[sflag:s12] =	ssyncadd.s32 $0xFFFFD800  }
0x63: {  	[spmem:s2] =	stream.indirect.scatter.add.f32 [tilespmem:s9], [sflag:$0x5], $0x80, s19, s7, $0xb8;
	[tilespmem:$0x1E800] =	vst v63  }
0x64: {  	_ =	swait.ge [sflag:s4], $0x2800  }
0x65: {  	[sflag:s4] =	ssyncset.done $0x0  }
0x66: {  	[sflag:s4] =	ssyncadd.s32 $0xFFFFD800  }
0x67: {  	_ =	swait.ge [sflag:s10], $0x2800  }
0x68: {  	[sflag:s10] =	ssyncset.done $0x0  }
0x69: {  	[sflag:s10] =	ssyncadd.s32 $0xFFFFD800  }
0x6a: {  	[spmem:s2] =	stream.indirect.scatter.add.f32 [tilespmem:s8], [sflag:$0x5], $0x80, s18, s7, $0xb8;
	[tilespmem:$0x1E800] =	vst v63  }
0x6b: {  	_ =	swait.ge [sflag:s4], $0x2800  }
0x6c: {  	[sflag:s4] =	ssyncset.done $0x0  }
0x6d: {  	p1 =	sne.s32 s15, $0x1;
	[sflag:s4] =	ssyncadd.s32 $0xFFFFD800  }
.Ltmp1:
0x6e: {  	[bflag:$0x0] =	sbarrier.arrive $0xFFFF;
	(pc) =	sbr.rel @!p1 .LBB2_3-.Ltmp1, $4  }
0x6f: {  	s1 =	rddreg [dreg:$0x7]  }
0x70: {  	[hbm:s1], [sflag:s3] =	dma.local [spmem:s5], $0x2800  }
0x71: {  	p0 =	por $0x1, $0x1;
	_ =	swait.ge [sflag:s4], $0x2800  }
0x72: {  	s0 =	sadd.s32 $0xFFFFFFFF, s15;
	s1 =	rddreg [dreg:$0x4];
	[sflag:s4] =	ssyncset.done $0x0  }
.LBB2_4:
0x73: {  	[sflag:s4] =	ssyncadd.s32 $0xFFFFD800  }
0x74: {  	[spmem:s5], [sflag:s3] =	dma.local [hbm:s1], $0x2800  }
0x75: {  	_ =	swait.ge [sflag:s4], $0x2800  }
0x76: {  	[sflag:s4] =	ssyncset.done $0x0  }
0x77: {  	[sflag:s4] =	ssyncadd.s32 $0xFFFFD800  }
0x78: {  	[bflag:$0x0] =	sbarrier.arrive $0xFFFF  }
0x79: {  	s15 =	rddreg [dreg:$0x5]  }
0x7a: {  	[tilespmem:s30], [sflag:$0x5] =	stream.linear.gather [hbm4b:s15+s17], $0x400, $0x38;
	[tilespmem:$0x1E800] =	vst v63  }
0x7b: {  	_ =	swait.ge [sflag:s4], $0x400  }
0x7c: {  	[sflag:s4] =	ssyncset.done $0x0  }
0x7d: {  	s15 =	rddreg [dreg:$0x6];
	[sflag:s4] =	ssyncadd.s32 $0xFFFFFC00  }
0x7e: {  	[tilespmem:s26], [sflag:$0x5] =	stream.linear.gather [hbm4b:s15+s17], $0x400, $0x38;
	[tilespmem:$0x1E800] =	vst v63  }
0x7f: {  	_ =	swait.ge [sflag:s4], $0x400  }
0x80: {  	[sflag:s4] =	ssyncset.done $0x0  }
0x81: {  	[sflag:s4] =	ssyncadd.s32 $0xFFFFFC00  }
0x82: {  	[tilespmem:s13], [sflag:$0x1] =	stream.indirect.gather [hbm4b:s6+s7], $0x80, s30, s7, $0xb8;
	[tilespmem:$0x1E800] =	vst v63  }
0x83: {  	s1 =	rddreg [dreg:$0x8]  }
0x84: {  	[tilespmem:s11], [sflag:$0x2] =	stream.indirect.gather [hbm4b:s6+s7], $0x80, s1, s7, $0xb8;
	[tilespmem:$0x1E800] =	vst v63  }
0x85: {  	s15 =	rddreg [dreg:$0x9]  }
0x86: {  	[tilespmem:s9], [sflag:$0x3] =	stream.indirect.gather [hbm4b:s6+s7], $0x80, s15, s7, $0xb8;
	[tilespmem:$0x1E800] =	vst v63  }
0x87: {  	s15 =	simm.s32 $0x14180  }
0x88: {  	[tilespmem:s8], [sflag:$0x4] =	stream.indirect.gather [hbm4b:s6+s7], $0x80, s15, s7, $0xb8;
	[tilespmem:$0x1E800] =	vst v63  }
0x89: {  	_ =	swait.ge [sflag:s16], $0x2800  }
0x8a: {  	[sflag:s16] =	ssyncset.done $0x0  }
0x8b: {  	[sflag:s16] =	ssyncadd.s32 $0xFFFFD800  }
0x8c: {  	[spmem:s2] =	stream.indirect.scatter.add.f32 [tilespmem:s13], [sflag:$0x5], $0x80, s26, s7, $0xb8;
	[tilespmem:$0x1E800] =	vst v63  }
0x8d: {  	_ =	swait.ge [sflag:s4], $0x2800  }
0x8e: {  	[sflag:s4] =	ssyncset.done $0x0  }
0x8f: {  	[sflag:s4] =	ssyncadd.s32 $0xFFFFD800  }
0x90: {  	_ =	swait.ge [sflag:s14], $0x2800  }
0x91: {  	[sflag:s14] =	ssyncset.done $0x0  }
0x92: {  	[sflag:s14] =	ssyncadd.s32 $0xFFFFD800  }
0x93: {  	[spmem:s2] =	stream.indirect.scatter.add.f32 [tilespmem:s11], [sflag:$0x5], $0x80, s31, s7, $0xb8;
	[tilespmem:$0x1E800] =	vst v63  }
0x94: {  	_ =	swait.ge [sflag:s4], $0x2800  }
0x95: {  	[sflag:s4] =	ssyncset.done $0x0  }
0x96: {  	[sflag:s4] =	ssyncadd.s32 $0xFFFFD800  }
0x97: {  	_ =	swait.ge [sflag:s12], $0x2800  }
0x98: {  	[sflag:s12] =	ssyncset.done $0x0  }
0x99: {  	[sflag:s12] =	ssyncadd.s32 $0xFFFFD800  }
0x9a: {  	[spmem:s2] =	stream.indirect.scatter.add.f32 [tilespmem:s9], [sflag:$0x5], $0x80, s29, s7, $0xb8;
	[tilespmem:$0x1E800] =	vst v63  }
0x9b: {  	_ =	swait.ge [sflag:s4], $0x2800  }
0x9c: {  	[sflag:s4] =	ssyncset.done $0x0  }
0x9d: {  	[sflag:s4] =	ssyncadd.s32 $0xFFFFD800  }
0x9e: {  	_ =	swait.ge [sflag:s10], $0x2800  }
0x9f: {  	[sflag:s10] =	ssyncset.done $0x0  }
0xa0: {  	[sflag:s10] =	ssyncadd.s32 $0xFFFFD800  }
0xa1: {  	[spmem:s2] =	stream.indirect.scatter.add.f32 [tilespmem:s8], [sflag:$0x5], $0x80, s24, s7, $0xb8;
	[tilespmem:$0x1E800] =	vst v63  }
0xa2: {  	_ =	swait.ge [sflag:s4], $0x2800  }
0xa3: {  	[sflag:s4] =	ssyncset.done $0x0  }
0xa4: {  	[sflag:s4] =	ssyncadd.s32 $0xFFFFD800  }
0xa5: {  	[tilespmem:s13], [sflag:$0x1] =	stream.indirect.gather [hbm4b:s6+s7], $0x80, s21, s7, $0xb8;
	[tilespmem:$0x1E800] =	vst v63  }
0xa6: {  	_ = 	snop  }
0xa7: {  	[tilespmem:s11], [sflag:$0x2] =	stream.indirect.gather [hbm4b:s6+s7], $0x80, s22, s7, $0xb8;
	[tilespmem:$0x1E800] =	vst v63  }
0xa8: {  	_ = 	snop  }
0xa9: {  	[tilespmem:s9], [sflag:$0x3] =	stream.indirect.gather [hbm4b:s6+s7], $0x80, s25, s7, $0xb8;
	[tilespmem:$0x1E800] =	vst v63  }
0xaa: {  	_ = 	snop  }
0xab: {  	[tilespmem:s8], [sflag:$0x4] =	stream.indirect.gather [hbm4b:s6+s7], $0x80, s28, s7, $0xb8;
	[tilespmem:$0x1E800] =	vst v63  }
0xac: {  	_ =	swait.ge [sflag:s16], $0x2800  }
0xad: {  	[sflag:s16] =	ssyncset.done $0x0  }
0xae: {  	[sflag:s16] =	ssyncadd.s32 $0xFFFFD800  }
0xaf: {  	[spmem:s2] =	stream.indirect.scatter.add.f32 [tilespmem:s13], [sflag:$0x5], $0x80, s23, s7, $0xb8;
	[tilespmem:$0x1E800] =	vst v63  }
0xb0: {  	_ =	swait.ge [sflag:s4], $0x2800  }
0xb1: {  	[sflag:s4] =	ssyncset.done $0x0  }
0xb2: {  	[sflag:s4] =	ssyncadd.s32 $0xFFFFD800  }
0xb3: {  	_ =	swait.ge [sflag:s14], $0x2800  }
0xb4: {  	[sflag:s14] =	ssyncset.done $0x0  }
0xb5: {  	[sflag:s14] =	ssyncadd.s32 $0xFFFFD800  }
0xb6: {  	[spmem:s2] =	stream.indirect.scatter.add.f32 [tilespmem:s11], [sflag:$0x5], $0x80, s20, s7, $0xb8;
	[tilespmem:$0x1E800] =	vst v63  }
0xb7: {  	_ =	swait.ge [sflag:s4], $0x2800  }
0xb8: {  	[sflag:s4] =	ssyncset.done $0x0  }
0xb9: {  	[sflag:s4] =	ssyncadd.s32 $0xFFFFD800  }
0xba: {  	_ =	swait.ge [sflag:s12], $0x2800  }
0xbb: {  	[sflag:s12] =	ssyncset.done $0x0  }
0xbc: {  	[sflag:s12] =	ssyncadd.s32 $0xFFFFD800  }
0xbd: {  	[spmem:s2] =	stream.indirect.scatter.add.f32 [tilespmem:s9], [sflag:$0x5], $0x80, s19, s7, $0xb8;
	[tilespmem:$0x1E800] =	vst v63  }
0xbe: {  	_ =	swait.ge [sflag:s4], $0x2800  }
0xbf: {  	[sflag:s4] =	ssyncset.done $0x0  }
0xc0: {  	[sflag:s4] =	ssyncadd.s32 $0xFFFFD800  }
0xc1: {  	_ =	swait.ge [sflag:s10], $0x2800  }
0xc2: {  	[sflag:s10] =	ssyncset.done $0x0  }
0xc3: {  	[sflag:s10] =	ssyncadd.s32 $0xFFFFD800  }
0xc4: {  	[spmem:s2] =	stream.indirect.scatter.add.f32 [tilespmem:s8], [sflag:$0x5], $0x80, s18, s7, $0xb8;
	[tilespmem:$0x1E800] =	vst v63  }
0xc5: {  	_ =	swait.ge [sflag:s4], $0x2800  }
0xc6: {  	[sflag:s4] =	ssyncset.done $0x0  }
0xc7: {  	p1 =	sne.s32 s0, $0x1;
	[sflag:s4] =	ssyncadd.s32 $0xFFFFD800  }
.Ltmp2:
0xc8: {  	[bflag:$0x0] =	sbarrier.arrive $0xFFFF;
	(pc) =	sbr.rel @p1 .LBB2_4-.Ltmp2, $4  }
0xc9: {  	s15 =	rddreg [dreg:$0x7]  }
0xca: {  	[hbm:s15], [sflag:s3] =	dma.local [spmem:s5], $0x2800  }
0xcb: {  	_ =	swait.ge [sflag:s4], $0x2800  }
0xcc: {  	s0 =	sadd.s32 $0xFFFFFFFF, s0;
	s1 =	rddreg [dreg:$0x4];
	[sflag:s4] =	ssyncset.done $0x0  }
0xcd: {  	s18 =	simm.s32 $0x14180;
	s31 =	simm.s32 $0x14480;
	s29 =	simm.s32 $0x14500  }
0xce: {  	s28 =	simm.s32 $0x14380;
	s25 =	simm.s32 $0x14300;
	s24 =	simm.s32 $0x14580  }
0xcf: {  	s23 =	simm.s32 $0x14600;
	s22 =	simm.s32 $0x14280;
	s21 =	simm.s32 $0x14200  }
0xd0: {  	s20 =	simm.s32 $0x14680;
	s19 =	simm.s32 $0x14700;
	s15 =	rddreg [dreg:$0x3]  }
.LBB2_6:
0xd1: {  	[sflag:s4] =	ssyncadd.s32 @p0 $0xFFFFD800  }
0xd2: {  	[spmem:s5], [sflag:s3] =	dma.local [hbm:s1], $0x2800  }
0xd3: {  	_ =	swait.ge [sflag:s4], $0x2800  }
0xd4: {  	[sflag:s4] =	ssyncset.done $0x0  }
0xd5: {  	[sflag:s4] =	ssyncadd.s32 $0xFFFFD800  }
0xd6: {  	[bflag:$0x0] =	sbarrier.arrive $0xFFFF  }
0xd7: {  	s0 =	rddreg [dreg:$0x5]  }
0xd8: {  	[tilespmem:s30], [sflag:$0x5] =	stream.linear.gather [hbm4b:s0+s17], $0x400, $0x38;
	[tilespmem:$0x1E800] =	vst v63  }
0xd9: {  	_ =	swait.ge [sflag:s4], $0x400  }
0xda: {  	[sflag:s4] =	ssyncset.done $0x0  }
0xdb: {  	s1 =	rddreg [dreg:$0x6];
	[sflag:s4] =	ssyncadd.s32 $0xFFFFFC00  }
0xdc: {  	[tilespmem:s26], [sflag:$0x5] =	stream.linear.gather [hbm4b:s1+s17], $0x400, $0x38;
	[tilespmem:$0x1E800] =	vst v63  }
0xdd: {  	_ =	swait.ge [sflag:s4], $0x400  }
0xde: {  	[sflag:s4] =	ssyncset.done $0x0  }
0xdf: {  	[sflag:s4] =	ssyncadd.s32 $0xFFFFFC00  }
0xe0: {  	[tilespmem:s13], [sflag:$0x1] =	stream.indirect.gather [hbm4b:s6+s7], $0x80, s30, s7, $0xb8;
	[tilespmem:$0x1E800] =	vst v63  }
0xe1: {  	s1 =	rddreg [dreg:$0x8]  }
0xe2: {  	[tilespmem:s11], [sflag:$0x2] =	stream.indirect.gather [hbm4b:s6+s7], $0x80, s1, s7, $0xb8;
	[tilespmem:$0x1E800] =	vst v63  }
0xe3: {  	s17 =	rddreg [dreg:$0x9]  }
0xe4: {  	[tilespmem:s9], [sflag:$0x3] =	stream.indirect.gather [hbm4b:s6+s7], $0x80, s17, s7, $0xb8;
	[tilespmem:$0x1E800] =	vst v63  }
0xe5: {  	_ = 	snop  }
0xe6: {  	[tilespmem:s8], [sflag:$0x4] =	stream.indirect.gather [hbm4b:s6+s7], $0x80, s18, s7, $0xb8;
	[tilespmem:$0x1E800] =	vst v63  }
0xe7: {  	_ =	swait.ge [sflag:s16], $0x2800  }
0xe8: {  	[sflag:s16] =	ssyncset.done $0x0  }
0xe9: {  	[sflag:s16] =	ssyncadd.s32 $0xFFFFD800  }
0xea: {  	[spmem:s2] =	stream.indirect.scatter.add.f32 [tilespmem:s13], [sflag:$0x5], $0x80, s26, s7, $0xb8;
	[tilespmem:$0x1E800] =	vst v63  }
0xeb: {  	_ =	swait.ge [sflag:s4], $0x2800  }
0xec: {  	[sflag:s4] =	ssyncset.done $0x0  }
0xed: {  	[sflag:s4] =	ssyncadd.s32 $0xFFFFD800  }
0xee: {  	_ =	swait.ge [sflag:s14], $0x2800  }
0xef: {  	[sflag:s14] =	ssyncset.done $0x0  }
0xf0: {  	[sflag:s14] =	ssyncadd.s32 $0xFFFFD800  }
0xf1: {  	[spmem:s2] =	stream.indirect.scatter.add.f32 [tilespmem:s11], [sflag:$0x5], $0x80, s31, s7, $0xb8;
	[tilespmem:$0x1E800] =	vst v63  }
0xf2: {  	_ =	swait.ge [sflag:s4], $0x2800  }
0xf3: {  	[sflag:s4] =	ssyncset.done $0x0  }
0xf4: {  	[sflag:s4] =	ssyncadd.s32 $0xFFFFD800  }
0xf5: {  	_ =	swait.ge [sflag:s12], $0x2800  }
0xf6: {  	[sflag:s12] =	ssyncset.done $0x0  }
0xf7: {  	[sflag:s12] =	ssyncadd.s32 $0xFFFFD800  }
0xf8: {  	[spmem:s2] =	stream.indirect.scatter.add.f32 [tilespmem:s9], [sflag:$0x5], $0x80, s29, s7, $0xb8;
	[tilespmem:$0x1E800] =	vst v63  }
0xf9: {  	_ =	swait.ge [sflag:s4], $0x2800  }
0xfa: {  	[sflag:s4] =	ssyncset.done $0x0  }
0xfb: {  	[sflag:s4] =	ssyncadd.s32 $0xFFFFD800  }
0xfc: {  	_ =	swait.ge [sflag:s10], $0x2800  }
0xfd: {  	[sflag:s10] =	ssyncset.done $0x0  }
0xfe: {  	[sflag:s10] =	ssyncadd.s32 $0xFFFFD800  }
0xff: {  	[spmem:s2] =	stream.indirect.scatter.add.f32 [tilespmem:s8], [sflag:$0x5], $0x80, s24, s7, $0xb8;
	[tilespmem:$0x1E800] =	vst v63  }
0x100: {  	_ =	swait.ge [sflag:s4], $0x2800  }
0x101: {  	[sflag:s4] =	ssyncset.done $0x0  }
0x102: {  	[sflag:s4] =	ssyncadd.s32 $0xFFFFD800  }
0x103: {  	[tilespmem:s13], [sflag:$0x1] =	stream.indirect.gather [hbm4b:s6+s7], $0x80, s21, s7, $0xb8;
	[tilespmem:$0x1E800] =	vst v63  }
0x104: {  	_ = 	snop  }
0x105: {  	[tilespmem:s11], [sflag:$0x2] =	stream.indirect.gather [hbm4b:s6+s7], $0x80, s22, s7, $0xb8;
	[tilespmem:$0x1E800] =	vst v63  }
0x106: {  	_ = 	snop  }
0x107: {  	[tilespmem:s9], [sflag:$0x3] =	stream.indirect.gather [hbm4b:s6+s7], $0x80, s25, s7, $0xb8;
	[tilespmem:$0x1E800] =	vst v63  }
0x108: {  	_ = 	snop  }
0x109: {  	[tilespmem:s8], [sflag:$0x4] =	stream.indirect.gather [hbm4b:s6+s7], $0x80, s28, s7, $0xb8;
	[tilespmem:$0x1E800] =	vst v63  }
0x10a: {  	_ =	swait.ge [sflag:s16], $0x2800  }
0x10b: {  	[sflag:s16] =	ssyncset.done $0x0  }
0x10c: {  	[sflag:s16] =	ssyncadd.s32 $0xFFFFD800  }
0x10d: {  	[spmem:s2] =	stream.indirect.scatter.add.f32 [tilespmem:s13], [sflag:$0x5], $0x80, s23, s7, $0xb8;
	[tilespmem:$0x1E800] =	vst v63  }
0x10e: {  	_ =	swait.ge [sflag:s4], $0x2800  }
0x10f: {  	[sflag:s4] =	ssyncset.done $0x0  }
0x110: {  	[sflag:s4] =	ssyncadd.s32 $0xFFFFD800  }
0x111: {  	_ =	swait.ge [sflag:s14], $0x2800  }
0x112: {  	[sflag:s14] =	ssyncset.done $0x0  }
0x113: {  	[sflag:s14] =	ssyncadd.s32 $0xFFFFD800  }
0x114: {  	[spmem:s2] =	stream.indirect.scatter.add.f32 [tilespmem:s11], [sflag:$0x5], $0x80, s20, s7, $0xb8;
	[tilespmem:$0x1E800] =	vst v63  }
0x115: {  	_ =	swait.ge [sflag:s4], $0x2800  }
0x116: {  	[sflag:s4] =	ssyncset.done $0x0  }
0x117: {  	[sflag:s4] =	ssyncadd.s32 $0xFFFFD800  }
0x118: {  	_ =	swait.ge [sflag:s12], $0x2800  }
0x119: {  	[sflag:s12] =	ssyncset.done $0x0  }
0x11a: {  	[sflag:s12] =	ssyncadd.s32 $0xFFFFD800  }
0x11b: {  	[spmem:s2] =	stream.indirect.scatter.add.f32 [tilespmem:s9], [sflag:$0x5], $0x80, s19, s7, $0xb8;
	[tilespmem:$0x1E800] =	vst v63  }
0x11c: {  	_ =	swait.ge [sflag:s4], $0x2800  }
0x11d: {  	[sflag:s4] =	ssyncset.done $0x0  }
0x11e: {  	[sflag:s4] =	ssyncadd.s32 $0xFFFFD800  }
0x11f: {  	_ =	swait.ge [sflag:s10], $0x2800  }
0x120: {  	[sflag:s10] =	ssyncset.done $0x0  }
0x121: {  	s29 =	simm.s32 $0x14780;
	[sflag:s10] =	ssyncadd.s32 $0xFFFFD800  }
0x122: {  	[spmem:s2] =	stream.indirect.scatter.add.f32 [tilespmem:s8], [sflag:$0x5], $0x80, s29, s7, $0xb8;
	[tilespmem:$0x1E800] =	vst v63  }
0x123: {  	_ =	swait.ge [sflag:s4], $0x2800  }
0x124: {  	[sflag:s4] =	ssyncset.done $0x0  }
0x125: {  	[sflag:s4] =	ssyncadd.s32 $0xFFFFD800  }
0x126: {  	[bflag:$0x0] =	sbarrier.arrive $0xFFFF  }
0x127: {  	s30 =	rddreg [dreg:$0x7]  }
0x128: {  	[hbm:s30], [sflag:s3] =	dma.local [spmem:s5], $0x2800  }
0x129: {  	_ =	swait.ge [sflag:s4], $0x2800  }
0x12a: {  	[sflag:s4] =	ssyncset.done $0x0  }
0x12b: {  	[sflag:s4] =	ssyncadd.s32 $0xFFFFD800  }
0x12c: {  	_ =	sfence.sel $0x180000  }
0x12d: {  	s31 =	stileid.u32;
	[bflag:$0x0] =	sbarrier.arrive $0xFFFF  }
0x12e: {  	p0 =	sne.s32 s31, $0x0;
	_ =	strace $0x90000050  }
0x12f: {  	s0 =	sadd.s32 @!p0 $0x100000, s15;
	[bflag:$0x2] =	sbarrier.arrive $0xFFFF  }
0x130: {  	[sflag:s0] =	ssyncadd.tile.s32 @!p0 $0x1;
	_ =	shalt  }
.LBB2_1:
.Ltmp3:
0x131: {  	(pc) =	sbr.rel .LBB2_6-.Ltmp3, $4  }
0x132: {  	s18 =	simm.s32 $0x14180;
	s31 =	simm.s32 $0x14480  }
0x133: {  	s29 =	simm.s32 $0x14500;
	s28 =	simm.s32 $0x14380;
	s25 =	simm.s32 $0x14300  }
0x134: {  	s24 =	simm.s32 $0x14580;
	s23 =	simm.s32 $0x14600;
	s22 =	simm.s32 $0x14280  }
0x135: {  	s21 =	simm.s32 $0x14200;
	s20 =	simm.s32 $0x14680;
	s19 =	simm.s32 $0x14700  }
.LBB2_3:
.Ltmp4:
0x136: {  	(pc) =	sbr.rel .LBB2_6-.Ltmp4, $4  }
0x137: {  	s18 =	simm.s32 $0x14180;
	s31 =	simm.s32 $0x14480;
	s29 =	simm.s32 $0x14500  }
0x138: {  	s28 =	simm.s32 $0x14380;
	s25 =	simm.s32 $0x14300;
	s24 =	simm.s32 $0x14580  }
0x139: {  	s23 =	simm.s32 $0x14600;
	s22 =	simm.s32 $0x14280;
	s21 =	simm.s32 $0x14200  }
0x13a: {  	s20 =	simm.s32 $0x14680;
	s19 =	simm.s32 $0x14700;
	s15 =	rddreg [dreg:$0x3]  }
.Lfunc_end2:
_tile_overlayer_lowered:
.L_overlay_start_2:
0x13b: {  	(tag) =	ssettag $0x2  }
0x13c: {  	s0 =	rddreg [dreg:$0x0];
	s2 =	stileid.u32  }
0x13d: {  	s1 =	rddreg [dreg:$0x1];
	p0 =	sne.s32 s2, $0x0  }
0x13e: {  	s3 =	rddreg [dreg:$0x2];
	[bflag:$0x3] =	sbarrier.arrive $0xFFFF;
	s2 =	simm.s32 @!p0 $0x1C05  }
0x13f: {  	[timem:s3], [sflag:s2] =	dma.local @!p0 [hbm:s0], s1  }
0x140: {  	s0 =	simm.s32 @!p0 $0x5  }
0x141: {  	_ =	swait.ge @!p0 [sflag:s0], s1  }
0x142: {  	s1 =	ssub.s32 @!p0 $0x0, s1;
	[sflag:s0] =	ssyncset.done @!p0 $0x0  }
0x143: {  	[sflag:s0] =	ssyncadd.s32 @!p0 s1  }
0x144: {  	[bflag:$0x3] =	sbarrier.arrive $0xFFFF  }
0x145: {  	_ =	shalt  }

</sc_bundles>
